<compile_context>
chip_gen: v7x
topology: tpu7x:2x2x1
jax: 0.10.2.dev20260603
libtpu: 0.0.44.dev20260713+nightly
codegen_flags: <defaults>
</compile_context>

<pallas_src>
import jax
import jax.numpy as jnp
from jax import lax
from jax.experimental import pallas as pl
from jax.experimental.pallas import tpu as pltpu
from jax.experimental.pallas import tpu_sc as plsc

SUM_N = 100000
HID = 128
M = 500000
N_OPS = 1000
RULE_DIM = 32
RPAD = 33

L = 16
NW = 32
CHUNK = 800
GSUB = 80
NSUB = CHUNK // GSUB
NCHUNKS = M // CHUNK
TSTEPS = -(-NCHUNKS // NW)
NGROUPS = CHUNK // L

MM_ROWS = 2000


def _mm_body(h_ref, w_ref, o_ref):
    o_ref[...] = jnp.dot(h_ref[...], w_ref[...],
                         preferred_element_type=jnp.float32)


def _project(h_nodes, w):
    grid = SUM_N // MM_ROWS
    return pl.pallas_call(
        _mm_body,
        grid=(grid,),
        in_specs=[
            pl.BlockSpec((MM_ROWS, HID), lambda i: (i, 0)),
            pl.BlockSpec((HID, RULE_DIM), lambda i: (0, 0)),
        ],
        out_specs=pl.BlockSpec((MM_ROWS, RULE_DIM), lambda i: (i, 0)),
        out_shape=jax.ShapeDtypeStruct((SUM_N, RULE_DIM), jnp.float32),
    )(h_nodes, w)


def _sc_body(p_hbm, rule_hbm, b_hbm, nodes_hbm, ops_hbm, out_hbm,
             rule_v, nodes_v, ops_v, prow_v, prow33_v, out_v, b_v,
             sem_g0, sem_g1, sem_i0, sem_i1, sem_w0, sem_w1):
    wid = lax.axis_index("s") * 2 + lax.axis_index("c")
    sem_g = (sem_g0, sem_g1)
    sem_i = (sem_i0, sem_i1)
    sem_w = (sem_w0, sem_w1)

    pltpu.sync_copy(rule_hbm, rule_v)
    pltpu.sync_copy(b_hbm, b_v)
    bsplat = b_v[...]
    iota = lax.iota(jnp.int32, L)

    def fire_idx(q, cid):
        base = pl.multiple_of(cid * CHUNK, 8)
        pltpu.async_copy(nodes_hbm.at[pl.ds(base, CHUNK)], nodes_v.at[q],
                         sem_i[q])
        pltpu.async_copy(ops_hbm.at[pl.ds(base, CHUNK)], ops_v.at[q],
                         sem_i[q])

    def idx_wait(q):
        pltpu.make_async_copy(
            nodes_hbm.at[pl.ds(0, CHUNK)], nodes_v.at[q], sem_i[q]).wait()
        pltpu.make_async_copy(
            ops_hbm.at[pl.ds(0, CHUNK)], ops_v.at[q], sem_i[q]).wait()

    def fire_gathers(q):
        for r in range(NSUB):
            pltpu.async_copy(
                p_hbm.at[nodes_v.at[q, pl.ds(r * GSUB, GSUB)]],
                prow_v.at[q, pl.ds(r * GSUB, GSUB)], sem_g[q])

    def gather_wait(q):
        pltpu.make_async_copy(
            p_hbm.at[pl.ds(0, CHUNK)], prow_v.at[q], sem_g[q]).wait()

    def wb_wait(q):
        pltpu.make_async_copy(
            out_hbm.at[pl.ds(0, CHUNK)], out_v.at[q], sem_w[q]).wait()

    def compute(q):
        prow_q = prow_v.at[q]

        def relay(g, carry):
            for u in range(8):
                c = g * 8 + u
                prow33_v[c, pl.ds(0, L)] = prow_q[c, pl.ds(0, L)]
                prow33_v[c, pl.ds(L, L)] = prow_q[c, pl.ds(L, L)]
            return carry

        lax.fori_loop(0, CHUNK // 8, relay, None)
        ops_r, prow_r, out_r = ops_v.at[q], prow33_v, out_v.at[q]

        def group(g, carry):
            rows = iota + g * L
            ops16 = ops_r[pl.ds(g * L, L)]
            acc = bsplat
            for j in range(RULE_DIM):
                jidx = jnp.full((L,), j, jnp.int32)
                pcol = plsc.load_gather(prow_r, [rows, jidx])
                ecol = plsc.load_gather(rule_v, [ops16, jidx])
                acc = acc + pcol * ecol
            out_r[pl.ds(g * L, L)] = acc
            return carry

        lax.fori_loop(0, NGROUPS, group, None)

    fire_idx(0, wid)
    idx_wait(0)
    fire_gathers(0)

    @pl.when(wid + NW < NCHUNKS)
    def _():
        fire_idx(1, wid + NW)

    def pair(i, carry):
        for k in (0, 1):
            q = k
            cid = wid + (2 * i + k) * NW

            @pl.when(cid < NCHUNKS)
            def _(q=q, cid=cid):
                gather_wait(q)

                @pl.when(cid + NW < NCHUNKS)
                def _():
                    idx_wait(1 - q)
                    fire_gathers(1 - q)

                @pl.when(cid >= 2 * NW)
                def _():
                    wb_wait(q)

                compute(q)

                @pl.when(cid + 2 * NW < NCHUNKS)
                def _():
                    fire_idx(q, cid + 2 * NW)

                pltpu.async_copy(
                    out_v.at[q],
                    out_hbm.at[pl.ds(pl.multiple_of(cid * CHUNK, 8), CHUNK)],
                    sem_w[q])
        return carry

    lax.fori_loop(0, TSTEPS // 2, pair, None)

    for t in range(TSTEPS):
        cid = wid + t * NW

        @pl.when((cid < NCHUNKS) & (cid + 2 * NW >= NCHUNKS))
        def _(q=t % 2):
            wb_wait(q)



def _sc_score(p, rule_table, b_bl, nodes, ops):
    mesh = plsc.VectorSubcoreMesh(core_axis_name="c", subcore_axis_name="s")
    fn = pl.kernel(
        _sc_body,
        out_type=jax.ShapeDtypeStruct((M,), jnp.float32),
        mesh=mesh,
        scratch_types=[
            pltpu.VMEM((N_OPS, RPAD), jnp.float32),
            pltpu.VMEM((2, CHUNK), jnp.int32),
            pltpu.VMEM((2, CHUNK), jnp.int32),
            pltpu.VMEM((2, CHUNK, RULE_DIM), jnp.float32),
            pltpu.VMEM((CHUNK, RPAD), jnp.float32),
            pltpu.VMEM((2, CHUNK), jnp.float32),
            pltpu.VMEM((L,), jnp.float32),
            pltpu.SemaphoreType.DMA,
            pltpu.SemaphoreType.DMA,
            pltpu.SemaphoreType.DMA,
            pltpu.SemaphoreType.DMA,
            pltpu.SemaphoreType.DMA,
            pltpu.SemaphoreType.DMA,
        ],
        compiler_params=pltpu.CompilerParams(
            needs_layout_passes=False, use_tc_tiling_on_sc=False),
    )
    return fn(p, rule_table, b_bl, nodes, ops)


def kernel(h_nodes, rule_table, W_bl, b_bl, cand_nodes, cand_ops):
    w = W_bl[0]
    p = _project(h_nodes, w)
    rule_pad = jnp.pad(rule_table, ((0, 0), (0, RPAD - RULE_DIM)))
    nodes = cand_nodes.astype(jnp.int32)
    ops = cand_ops.astype(jnp.int32)
    b16 = jnp.broadcast_to(b_bl.astype(jnp.float32), (L,))
    return _sc_score(p, rule_pad, b16, nodes, ops)

# --- scband reference (transcript-rebuilt; emitter-appended) ---
"""Pipeline reference for scband-candidate-policy-value-net-51780125721230 (READ-ONLY COPY).

The authoritative reference and input builder live on the scoring server;
editing this copy changes nothing except your own understanding.
"""

import jax, jax.numpy as jnp
import numpy as np

SUM_N = 100000
HID = 128
M = 500000
N_OPS = 1000
RULE_DIM = 32

def setup_inputs(seed: int = 0) -> dict:
    key = jax.random.key(seed)
    k1, k2, k3, k4, k5, k6 = jax.random.split(key, 6)
    h_nodes = jax.random.normal(k1, (SUM_N, HID), dtype=jnp.float32)
    cand_nodes = jax.random.randint(k2, (M,), 0, SUM_N, dtype=jnp.int64)
    cand_ops = jax.random.randint(k3, (M,), 0, N_OPS, dtype=jnp.int64)
    # learned params: nn.Embedding(n_ops, rule_dim) and nn.Bilinear(hid, rule, 1, bias=True)
    rule_table = jax.random.normal(k4, (N_OPS, RULE_DIM), dtype=jnp.float32)
    bound = 1.0 / np.sqrt(HID)
    W_bl = jax.random.uniform(k5, (1, HID, RULE_DIM), dtype=jnp.float32, minval=-bound, maxval=bound)
    b_bl = jax.random.uniform(k6, (1,), dtype=jnp.float32, minval=-bound, maxval=bound)
    return {
        'h_nodes': h_nodes,
        'rule_table': rule_table,
        'W_bl': W_bl,
        'b_bl': b_bl,
        'cand_nodes': cand_nodes,
        'cand_ops': cand_ops,
    }

def reference(h_nodes, rule_table, W_bl, b_bl, cand_nodes, cand_ops):
    # H = h_nodes[cand_nodes]  -> gather [M, HID]
    Hc = jnp.take(h_nodes, cand_nodes, axis=0)
    # E = self.rule_table(cand_ops) -> embedding lookup [M, RULE_DIM]
    Ec = jnp.take(rule_table, cand_ops, axis=0)
    # nn.Bilinear: y_o = x1 @ W[o] @ x2 + b[o], out_features = 1
    S = jnp.einsum('mh,ohr,mr->mo', Hc, W_bl, Ec) + b_bl
    return S.squeeze(-1)

if __name__ == "__main__":
    import jax
    _d = setup_inputs()
    print(jax.jit(kernel)(*tuple(_d.values())))

</pallas_src>

<mosaic_0001>
#map = affine_map<(d0, d1) -> (0, 0)>
#map1 = affine_map<(d0, d1) -> (0)>
module attributes {stable_mosaic.version = 14 : i64} {
  func.func @_sc_body(%arg0: i32, %arg1: i32, %arg2: memref<100000x32xf32, #tpu.memory_space<hbm>>, %arg3: memref<1000x33xf32, #tpu.memory_space<hbm>>, %arg4: memref<16xf32, #tpu.memory_space<hbm>>, %arg5: memref<500000xi32, #tpu.memory_space<hbm>>, %arg6: memref<500000xi32, #tpu.memory_space<hbm>>, %arg7: memref<500000xf32, #tpu.memory_space<hbm>>, %arg8: memref<1000x33xf32, #tpu.memory_space<vmem>>, %arg9: memref<2x800xi32, #tpu.memory_space<vmem>>, %arg10: memref<2x800xi32, #tpu.memory_space<vmem>>, %arg11: memref<2x800x32xf32, #tpu.memory_space<vmem>>, %arg12: memref<800x33xf32, #tpu.memory_space<vmem>>, %arg13: memref<2x800xf32, #tpu.memory_space<vmem>>, %arg14: memref<16xf32, #tpu.memory_space<vmem>>, %arg15: memref<!tpu.dma_semaphore, #tpu.memory_space<semaphore_mem>>, %arg16: memref<!tpu.dma_semaphore, #tpu.memory_space<semaphore_mem>>, %arg17: memref<!tpu.dma_semaphore, #tpu.memory_space<semaphore_mem>>, %arg18: memref<!tpu.dma_semaphore, #tpu.memory_space<semaphore_mem>>, %arg19: memref<!tpu.dma_semaphore, #tpu.memory_space<semaphore_mem>>, %arg20: memref<!tpu.dma_semaphore, #tpu.memory_space<semaphore_mem>>) attributes {dimension_semantics = [#tpu.dimension_semantics<core_parallel>, #tpu.dimension_semantics<subcore_parallel>], iteration_bounds = array<i64: 2, 16>, scalar_prefetch = 0 : i64, scratch_operands = 13 : i64, tpu.core_type = #tpu.core_type<sc_vector_subcore>, window_params = [{transform_indices = #map}, {transform_indices = #map}, {transform_indices = #map1}, {transform_indices = #map1}, {transform_indices = #map1}, {transform_indices = #map1}]} {
    %mul3A = arith.constant 2 : i32
    %mul3A_0 = arith.muli %arg1, %mul3A : i32
    %add3A = arith.addi %mul3A_0, %arg0 : i32
    "tpu.region"() ({
      %run_scoped3A = tpu.sem_alloc : memref<!tpu.dma_semaphore, #tpu.memory_space<semaphore_mem>>
      tpu.enqueue_dma source(%arg3 : memref<1000x33xf32, #tpu.memory_space<hbm>>) target(%arg8 : memref<1000x33xf32, #tpu.memory_space<vmem>>) target_semaphore(%run_scoped3A : memref<!tpu.dma_semaphore, #tpu.memory_space<semaphore_mem>>)
      tpu.wait_dma2 semaphore(%run_scoped3A : memref<!tpu.dma_semaphore, #tpu.memory_space<semaphore_mem>>) src(%arg3 : memref<1000x33xf32, #tpu.memory_space<hbm>>) dst(%arg8 : memref<1000x33xf32, #tpu.memory_space<vmem>>)
      tpu.yield
    }) : () -> ()
    "tpu.region"() ({
      %run_scoped3A = tpu.sem_alloc : memref<!tpu.dma_semaphore, #tpu.memory_space<semaphore_mem>>
      tpu.enqueue_dma source(%arg4 : memref<16xf32, #tpu.memory_space<hbm>>) target(%arg14 : memref<16xf32, #tpu.memory_space<vmem>>) target_semaphore(%run_scoped3A : memref<!tpu.dma_semaphore, #tpu.memory_space<semaphore_mem>>)
      tpu.wait_dma2 semaphore(%run_scoped3A : memref<!tpu.dma_semaphore, #tpu.memory_space<semaphore_mem>>) src(%arg4 : memref<16xf32, #tpu.memory_space<hbm>>) dst(%arg14 : memref<16xf32, #tpu.memory_space<vmem>>)
      tpu.yield
    }) : () -> ()
    %get3A = arith.constant 0 : index
    %get3A_1 = tpu.vector_load %arg14[%get3A] {strides = array<i32>} : memref<16xf32, #tpu.memory_space<vmem>>, vector<16xf32>,
    %iota3A = tpu.iota {dimensions = array<i32: 0>} : vector<16xi32>
    %mul3A_2 = arith.constant 800 : i32
    %mul3A_3 = arith.muli %add3A, %mul3A_2 : i32
    %multiple_of3A = tpu.assume_multiple %mul3A_3, 8 : i32
    %dma_start3A = arith.constant 0 : i32
    %dma_start3A_4 = arith.constant 0 : i32
    %dma_start3A_5 = tpu.memref_slice %arg9[%dma_start3A, %dma_start3A_4] : memref<2x800xi32, #tpu.memory_space<vmem>> -> memref<1x800xi32, #tpu.memory_space<vmem>>
    %dma_start3A_6 = tpu.memref_squeeze %dma_start3A_5 : memref<1x800xi32, #tpu.memory_space<vmem>> -> memref<800xi32, #tpu.memory_space<vmem>>
    %dma_start3A_7 = tpu.memref_slice %arg5[%multiple_of3A] : memref<500000xi32, #tpu.memory_space<hbm>> -> memref<800xi32, #tpu.memory_space<hbm>>
    %dma_start3A_8 = arith.constant 0 : i32
    %dma_start3A_9 = tpu.memref_slice %arg9[%dma_start3A, %dma_start3A_8] : memref<2x800xi32, #tpu.memory_space<vmem>> -> memref<1x800xi32, #tpu.memory_space<vmem>>
    %dma_start3A_10 = tpu.memref_squeeze %dma_start3A_9 : memref<1x800xi32, #tpu.memory_space<vmem>> -> memref<800xi32, #tpu.memory_space<vmem>>
    %dma_start3A_11 = tpu.memref_slice %arg5[%multiple_of3A] : memref<500000xi32, #tpu.memory_space<hbm>> -> memref<800xi32, #tpu.memory_space<hbm>>
    tpu.enqueue_dma source(%dma_start3A_11 : memref<800xi32, #tpu.memory_space<hbm>>) target(%dma_start3A_10 : memref<800xi32, #tpu.memory_space<vmem>>) target_semaphore(%arg17 : memref<!tpu.dma_semaphore, #tpu.memory_space<semaphore_mem>>)
    %dma_start3A_12 = arith.constant 0 : i32
    %dma_start3A_13 = arith.constant 0 : i32
    %dma_start3A_14 = tpu.memref_slice %arg10[%dma_start3A_12, %dma_start3A_13] : memref<2x800xi32, #tpu.memory_space<vmem>> -> memref<1x800xi32, #tpu.memory_space<vmem>>
    %dma_start3A_15 = tpu.memref_squeeze %dma_start3A_14 : memref<1x800xi32, #tpu.memory_space<vmem>> -> memref<800xi32, #tpu.memory_space<vmem>>
    %dma_start3A_16 = tpu.memref_slice %arg6[%multiple_of3A] : memref<500000xi32, #tpu.memory_space<hbm>> -> memref<800xi32, #tpu.memory_space<hbm>>
    %dma_start3A_17 = arith.constant 0 : i32
    %dma_start3A_18 = tpu.memref_slice %arg10[%dma_start3A_12, %dma_start3A_17] : memref<2x800xi32, #tpu.memory_space<vmem>> -> memref<1x800xi32, #tpu.memory_space<vmem>>
    %dma_start3A_19 = tpu.memref_squeeze %dma_start3A_18 : memref<1x800xi32, #tpu.memory_space<vmem>> -> memref<800xi32, #tpu.memory_space<vmem>>
    %dma_start3A_20 = tpu.memref_slice %arg6[%multiple_of3A] : memref<500000xi32, #tpu.memory_space<hbm>> -> memref<800xi32, #tpu.memory_space<hbm>>
    tpu.enqueue_dma source(%dma_start3A_20 : memref<800xi32, #tpu.memory_space<hbm>>) target(%dma_start3A_19 : memref<800xi32, #tpu.memory_space<vmem>>) target_semaphore(%arg17 : memref<!tpu.dma_semaphore, #tpu.memory_space<semaphore_mem>>)
    %dma_wait3A = arith.constant 0 : i32
    %dma_wait3A_21 = arith.constant 0 : i32
    %dma_wait3A_22 = tpu.memref_slice %arg9[%dma_wait3A, %dma_wait3A_21] : memref<2x800xi32, #tpu.memory_space<vmem>> -> memref<1x800xi32, #tpu.memory_space<vmem>>
    %dma_wait3A_23 = tpu.memref_squeeze %dma_wait3A_22 : memref<1x800xi32, #tpu.memory_space<vmem>> -> memref<800xi32, #tpu.memory_space<vmem>>
    %dma_wait3A_24 = arith.constant 0 : i32
    %dma_wait3A_25 = tpu.memref_slice %arg5[%dma_wait3A_24] : memref<500000xi32, #tpu.memory_space<hbm>> -> memref<800xi32, #tpu.memory_space<hbm>>
    %dma_wait3A_26 = arith.constant 0 : i32
    %dma_wait3A_27 = tpu.memref_slice %arg9[%dma_wait3A, %dma_wait3A_26] : memref<2x800xi32, #tpu.memory_space<vmem>> -> memref<1x800xi32, #tpu.memory_space<vmem>>
    %dma_wait3A_28 = tpu.memref_squeeze %dma_wait3A_27 : memref<1x800xi32, #tpu.memory_space<vmem>> -> memref<800xi32, #tpu.memory_space<vmem>>
    %dma_wait3A_29 = arith.constant 0 : i32
    %dma_wait3A_30 = tpu.memref_slice %arg5[%dma_wait3A_29] : memref<500000xi32, #tpu.memory_space<hbm>> -> memref<800xi32, #tpu.memory_space<hbm>>
    tpu.wait_dma2 semaphore(%arg17 : memref<!tpu.dma_semaphore, #tpu.memory_space<semaphore_mem>>) src(%dma_wait3A_30 : memref<800xi32, #tpu.memory_space<hbm>>) dst(%dma_wait3A_28 : memref<800xi32, #tpu.memory_space<vmem>>)
    %dma_wait3A_31 = arith.constant 0 : i32
    %dma_wait3A_32 = arith.constant 0 : i32
    %dma_wait3A_33 = tpu.memref_slice %arg10[%dma_wait3A_31, %dma_wait3A_32] : memref<2x800xi32, #tpu.memory_space<vmem>> -> memref<1x800xi32, #tpu.memory_space<vmem>>
    %dma_wait3A_34 = tpu.memref_squeeze %dma_wait3A_33 : memref<1x800xi32, #tpu.memory_space<vmem>> -> memref<800xi32, #tpu.memory_space<vmem>>
    %dma_wait3A_35 = arith.constant 0 : i32
    %dma_wait3A_36 = tpu.memref_slice %arg6[%dma_wait3A_35] : memref<500000xi32, #tpu.memory_space<hbm>> -> memref<800xi32, #tpu.memory_space<hbm>>
    %dma_wait3A_37 = arith.constant 0 : i32
    %dma_wait3A_38 = tpu.memref_slice %arg10[%dma_wait3A_31, %dma_wait3A_37] : memref<2x800xi32, #tpu.memory_space<vmem>> -> memref<1x800xi32, #tpu.memory_space<vmem>>
    %dma_wait3A_39 = tpu.memref_squeeze %dma_wait3A_38 : memref<1x800xi32, #tpu.memory_space<vmem>> -> memref<800xi32, #tpu.memory_space<vmem>>
    %dma_wait3A_40 = arith.constant 0 : i32
    %dma_wait3A_41 = tpu.memref_slice %arg6[%dma_wait3A_40] : memref<500000xi32, #tpu.memory_space<hbm>> -> memref<800xi32, #tpu.memory_space<hbm>>
    tpu.wait_dma2 semaphore(%arg17 : memref<!tpu.dma_semaphore, #tpu.memory_space<semaphore_mem>>) src(%dma_wait3A_41 : memref<800xi32, #tpu.memory_space<hbm>>) dst(%dma_wait3A_39 : memref<800xi32, #tpu.memory_space<vmem>>)
    %dma_start3A_42 = arith.constant 0 : i32
    %dma_start3A_43 = arith.constant 0 : i32
    %dma_start3A_44 = arith.constant 0 : i32
    %dma_start3A_45 = arith.constant 0 : i32
    %dma_start3A_46 = tpu.memref_slice %arg11[%dma_start3A_43, %dma_start3A_44, %dma_start3A_45] : memref<2x800x32xf32, #tpu.memory_space<vmem>> -> memref<1x80x32xf32, #tpu.memory_space<vmem>>
    %dma_start3A_47 = tpu.memref_squeeze %dma_start3A_46 : memref<1x80x32xf32, #tpu.memory_space<vmem>> -> memref<80x32xf32, #tpu.memory_space<vmem>>
    %dma_start3A_48 = arith.constant 0 : i32
    %dma_start3A_49 = tpu.memref_slice %arg9[%dma_start3A_42, %dma_start3A_48] : memref<2x800xi32, #tpu.memory_space<vmem>> -> memref<1x80xi32, #tpu.memory_space<vmem>>
    %dma_start3A_50 = tpu.memref_squeeze %dma_start3A_49 : memref<1x80xi32, #tpu.memory_space<vmem>> -> memref<80xi32, #tpu.memory_space<vmem>>
    %dma_start3A_51 = arith.constant 0 : i32
    %dma_start3A_52 = arith.constant 0 : i32
    %dma_start3A_53 = tpu.memref_slice %arg2[%dma_start3A_51, %dma_start3A_52] : memref<100000x32xf32, #tpu.memory_space<hbm>> -> memref<100000x32xf32, #tpu.memory_space<hbm>>
    tpu.enqueue_indirect_dma source(%dma_start3A_53 : memref<100000x32xf32, #tpu.memory_space<hbm>>) target(%dma_start3A_47 : memref<80x32xf32, #tpu.memory_space<vmem>>) offsets(%dma_start3A_50 : memref<80xi32, #tpu.memory_space<vmem>>) semaphore(%arg15 : memref<!tpu.dma_semaphore, #tpu.memory_space<semaphore_mem>>)
    %dma_start3A_54 = arith.constant 0 : i32
    %dma_start3A_55 = arith.constant 0 : i32
    %dma_start3A_56 = arith.constant 80 : i32
    %dma_start3A_57 = arith.constant 0 : i32
    %dma_start3A_58 = tpu.memref_slice %arg11[%dma_start3A_55, %dma_start3A_56, %dma_start3A_57] : memref<2x800x32xf32, #tpu.memory_space<vmem>> -> memref<1x80x32xf32, #tpu.memory_space<vmem>>
    %dma_start3A_59 = tpu.memref_squeeze %dma_start3A_58 : memref<1x80x32xf32, #tpu.memory_space<vmem>> -> memref<80x32xf32, #tpu.memory_space<vmem>>
    %dma_start3A_60 = arith.constant 80 : i32
    %dma_start3A_61 = tpu.memref_slice %arg9[%dma_start3A_54, %dma_start3A_60] : memref<2x800xi32, #tpu.memory_space<vmem>> -> memref<1x80xi32, #tpu.memory_space<vmem>>
    %dma_start3A_62 = tpu.memref_squeeze %dma_start3A_61 : memref<1x80xi32, #tpu.memory_space<vmem>> -> memref<80xi32, #tpu.memory_space<vmem>>
    %dma_start3A_63 = arith.constant 0 : i32
    %dma_start3A_64 = arith.constant 0 : i32
    %dma_start3A_65 = tpu.memref_slice %arg2[%dma_start3A_63, %dma_start3A_64] : memref<100000x32xf32, #tpu.memory_space<hbm>> -> memref<100000x32xf32, #tpu.memory_space<hbm>>
    tpu.enqueue_indirect_dma source(%dma_start3A_65 : memref<100000x32xf32, #tpu.memory_space<hbm>>) target(%dma_start3A_59 : memref<80x32xf32, #tpu.memory_space<vmem>>) offsets(%dma_start3A_62 : memref<80xi32, #tpu.memory_space<vmem>>) semaphore(%arg15 : memref<!tpu.dma_semaphore, #tpu.memory_space<semaphore_mem>>)
    %dma_start3A_66 = arith.constant 0 : i32
    %dma_start3A_67 = arith.constant 0 : i32
    %dma_start3A_68 = arith.constant 160 : i32
    %dma_start3A_69 = arith.constant 0 : i32
    %dma_start3A_70 = tpu.memref_slice %arg11[%dma_start3A_67, %dma_start3A_68, %dma_start3A_69] : memref<2x800x32xf32, #tpu.memory_space<vmem>> -> memref<1x80x32xf32, #tpu.memory_space<vmem>>
    %dma_start3A_71 = tpu.memref_squeeze %dma_start3A_70 : memref<1x80x32xf32, #tpu.memory_space<vmem>> -> memref<80x32xf32, #tpu.memory_space<vmem>>
    %dma_start3A_72 = arith.constant 160 : i32
    %dma_start3A_73 = tpu.memref_slice %arg9[%dma_start3A_66, %dma_start3A_72] : memref<2x800xi32, #tpu.memory_space<vmem>> -> memref<1x80xi32, #tpu.memory_space<vmem>>
    %dma_start3A_74 = tpu.memref_squeeze %dma_start3A_73 : memref<1x80xi32, #tpu.memory_space<vmem>> -> memref<80xi32, #tpu.memory_space<vmem>>
    %dma_start3A_75 = arith.constant 0 : i32
    %dma_start3A_76 = arith.constant 0 : i32
    %dma_start3A_77 = tpu.memref_slice %arg2[%dma_start3A_75, %dma_start3A_76] : memref<100000x32xf32, #tpu.memory_space<hbm>> -> memref<100000x32xf32, #tpu.memory_space<hbm>>
    tpu.enqueue_indirect_dma source(%dma_start3A_77 : memref<100000x32xf32, #tpu.memory_space<hbm>>) target(%dma_start3A_71 : memref<80x32xf32, #tpu.memory_space<vmem>>) offsets(%dma_start3A_74 : memref<80xi32, #tpu.memory_space<vmem>>) semaphore(%arg15 : memref<!tpu.dma_semaphore, #tpu.memory_space<semaphore_mem>>)
    %dma_start3A_78 = arith.constant 0 : i32
    %dma_start3A_79 = arith.constant 0 : i32
    %dma_start3A_80 = arith.constant 240 : i32
    %dma_start3A_81 = arith.constant 0 : i32
    %dma_start3A_82 = tpu.memref_slice %arg11[%dma_start3A_79, %dma_start3A_80, %dma_start3A_81] : memref<2x800x32xf32, #tpu.memory_space<vmem>> -> memref<1x80x32xf32, #tpu.memory_space<vmem>>
    %dma_start3A_83 = tpu.memref_squeeze %dma_start3A_82 : memref<1x80x32xf32, #tpu.memory_space<vmem>> -> memref<80x32xf32, #tpu.memory_space<vmem>>
    %dma_start3A_84 = arith.constant 240 : i32
    %dma_start3A_85 = tpu.memref_slice %arg9[%dma_start3A_78, %dma_start3A_84] : memref<2x800xi32, #tpu.memory_space<vmem>> -> memref<1x80xi32, #tpu.memory_space<vmem>>
    %dma_start3A_86 = tpu.memref_squeeze %dma_start3A_85 : memref<1x80xi32, #tpu.memory_space<vmem>> -> memref<80xi32, #tpu.memory_space<vmem>>
    %dma_start3A_87 = arith.constant 0 : i32
    %dma_start3A_88 = arith.constant 0 : i32
    %dma_start3A_89 = tpu.memref_slice %arg2[%dma_start3A_87, %dma_start3A_88] : memref<100000x32xf32, #tpu.memory_space<hbm>> -> memref<100000x32xf32, #tpu.memory_space<hbm>>
    tpu.enqueue_indirect_dma source(%dma_start3A_89 : memref<100000x32xf32, #tpu.memory_space<hbm>>) target(%dma_start3A_83 : memref<80x32xf32, #tpu.memory_space<vmem>>) offsets(%dma_start3A_86 : memref<80xi32, #tpu.memory_space<vmem>>) semaphore(%arg15 : memref<!tpu.dma_semaphore, #tpu.memory_space<semaphore_mem>>)
    %dma_start3A_90 = arith.constant 0 : i32
    %dma_start3A_91 = arith.constant 0 : i32
    %dma_start3A_92 = arith.constant 320 : i32
    %dma_start3A_93 = arith.constant 0 : i32
    %dma_start3A_94 = tpu.memref_slice %arg11[%dma_start3A_91, %dma_start3A_92, %dma_start3A_93] : memref<2x800x32xf32, #tpu.memory_space<vmem>> -> memref<1x80x32xf32, #tpu.memory_space<vmem>>
    %dma_start3A_95 = tpu.memref_squeeze %dma_start3A_94 : memref<1x80x32xf32, #tpu.memory_space<vmem>> -> memref<80x32xf32, #tpu.memory_space<vmem>>
    %dma_start3A_96 = arith.constant 320 : i32
    %dma_start3A_97 = tpu.memref_slice %arg9[%dma_start3A_90, %dma_start3A_96] : memref<2x800xi32, #tpu.memory_space<vmem>> -> memref<1x80xi32, #tpu.memory_space<vmem>>
    %dma_start3A_98 = tpu.memref_squeeze %dma_start3A_97 : memref<1x80xi32, #tpu.memory_space<vmem>> -> memref<80xi32, #tpu.memory_space<vmem>>
    %dma_start3A_99 = arith.constant 0 : i32
    %dma_start3A_100 = arith.constant 0 : i32
    %dma_start3A_101 = tpu.memref_slice %arg2[%dma_start3A_99, %dma_start3A_100] : memref<100000x32xf32, #tpu.memory_space<hbm>> -> memref<100000x32xf32, #tpu.memory_space<hbm>>
    tpu.enqueue_indirect_dma source(%dma_start3A_101 : memref<100000x32xf32, #tpu.memory_space<hbm>>) target(%dma_start3A_95 : memref<80x32xf32, #tpu.memory_space<vmem>>) offsets(%dma_start3A_98 : memref<80xi32, #tpu.memory_space<vmem>>) semaphore(%arg15 : memref<!tpu.dma_semaphore, #tpu.memory_space<semaphore_mem>>)
    %dma_start3A_102 = arith.constant 0 : i32
    %dma_start3A_103 = arith.constant 0 : i32
    %dma_start3A_104 = arith.constant 400 : i32
    %dma_start3A_105 = arith.constant 0 : i32
    %dma_start3A_106 = tpu.memref_slice %arg11[%dma_start3A_103, %dma_start3A_104, %dma_start3A_105] : memref<2x800x32xf32, #tpu.memory_space<vmem>> -> memref<1x80x32xf32, #tpu.memory_space<vmem>>
    %dma_start3A_107 = tpu.memref_squeeze %dma_start3A_106 : memref<1x80x32xf32, #tpu.memory_space<vmem>> -> memref<80x32xf32, #tpu.memory_space<vmem>>
    %dma_start3A_108 = arith.constant 400 : i32
    %dma_start3A_109 = tpu.memref_slice %arg9[%dma_start3A_102, %dma_start3A_108] : memref<2x800xi32, #tpu.memory_space<vmem>> -> memref<1x80xi32, #tpu.memory_space<vmem>>
    %dma_start3A_110 = tpu.memref_squeeze %dma_start3A_109 : memref<1x80xi32, #tpu.memory_space<vmem>> -> memref<80xi32, #tpu.memory_space<vmem>>
    %dma_start3A_111 = arith.constant 0 : i32
    %dma_start3A_112 = arith.constant 0 : i32
    %dma_start3A_113 = tpu.memref_slice %arg2[%dma_start3A_111, %dma_start3A_112] : memref<100000x32xf32, #tpu.memory_space<hbm>> -> memref<100000x32xf32, #tpu.memory_space<hbm>>
    tpu.enqueue_indirect_dma source(%dma_start3A_113 : memref<100000x32xf32, #tpu.memory_space<hbm>>) target(%dma_start3A_107 : memref<80x32xf32, #tpu.memory_space<vmem>>) offsets(%dma_start3A_110 : memref<80xi32, #tpu.memory_space<vmem>>) semaphore(%arg15 : memref<!tpu.dma_semaphore, #tpu.memory_space<semaphore_mem>>)
    %dma_start3A_114 = arith.constant 0 : i32
    %dma_start3A_115 = arith.constant 0 : i32
    %dma_start3A_116 = arith.constant 480 : i32
    %dma_start3A_117 = arith.constant 0 : i32
    %dma_start3A_118 = tpu.memref_slice %arg11[%dma_start3A_115, %dma_start3A_116, %dma_start3A_117] : memref<2x800x32xf32, #tpu.memory_space<vmem>> -> memref<1x80x32xf32, #tpu.memory_space<vmem>>
    %dma_start3A_119 = tpu.memref_squeeze %dma_start3A_118 : memref<1x80x32xf32, #tpu.memory_space<vmem>> -> memref<80x32xf32, #tpu.memory_space<vmem>>
    %dma_start3A_120 = arith.constant 480 : i32
    %dma_start3A_121 = tpu.memref_slice %arg9[%dma_start3A_114, %dma_start3A_120] : memref<2x800xi32, #tpu.memory_space<vmem>> -> memref<1x80xi32, #tpu.memory_space<vmem>>
    %dma_start3A_122 = tpu.memref_squeeze %dma_start3A_121 : memref<1x80xi32, #tpu.memory_space<vmem>> -> memref<80xi32, #tpu.memory_space<vmem>>
    %dma_start3A_123 = arith.constant 0 : i32
    %dma_start3A_124 = arith.constant 0 : i32
    %dma_start3A_125 = tpu.memref_slice %arg2[%dma_start3A_123, %dma_start3A_124] : memref<100000x32xf32, #tpu.memory_space<hbm>> -> memref<100000x32xf32, #tpu.memory_space<hbm>>
    tpu.enqueue_indirect_dma source(%dma_start3A_125 : memref<100000x32xf32, #tpu.memory_space<hbm>>) target(%dma_start3A_119 : memref<80x32xf32, #tpu.memory_space<vmem>>) offsets(%dma_start3A_122 : memref<80xi32, #tpu.memory_space<vmem>>) semaphore(%arg15 : memref<!tpu.dma_semaphore, #tpu.memory_space<semaphore_mem>>)
    %dma_start3A_126 = arith.constant 0 : i32
    %dma_start3A_127 = arith.constant 0 : i32
    %dma_start3A_128 = arith.constant 560 : i32
    %dma_start3A_129 = arith.constant 0 : i32
    %dma_start3A_130 = tpu.memref_slice %arg11[%dma_start3A_127, %dma_start3A_128, %dma_start3A_129] : memref<2x800x32xf32, #tpu.memory_space<vmem>> -> memref<1x80x32xf32, #tpu.memory_space<vmem>>
    %dma_start3A_131 = tpu.memref_squeeze %dma_start3A_130 : memref<1x80x32xf32, #tpu.memory_space<vmem>> -> memref<80x32xf32, #tpu.memory_space<vmem>>
    %dma_start3A_132 = arith.constant 560 : i32
    %dma_start3A_133 = tpu.memref_slice %arg9[%dma_start3A_126, %dma_start3A_132] : memref<2x800xi32, #tpu.memory_space<vmem>> -> memref<1x80xi32, #tpu.memory_space<vmem>>
    %dma_start3A_134 = tpu.memref_squeeze %dma_start3A_133 : memref<1x80xi32, #tpu.memory_space<vmem>> -> memref<80xi32, #tpu.memory_space<vmem>>
    %dma_start3A_135 = arith.constant 0 : i32
    %dma_start3A_136 = arith.constant 0 : i32
    %dma_start3A_137 = tpu.memref_slice %arg2[%dma_start3A_135, %dma_start3A_136] : memref<100000x32xf32, #tpu.memory_space<hbm>> -> memref<100000x32xf32, #tpu.memory_space<hbm>>
    tpu.enqueue_indirect_dma source(%dma_start3A_137 : memref<100000x32xf32, #tpu.memory_space<hbm>>) target(%dma_start3A_131 : memref<80x32xf32, #tpu.memory_space<vmem>>) offsets(%dma_start3A_134 : memref<80xi32, #tpu.memory_space<vmem>>) semaphore(%arg15 : memref<!tpu.dma_semaphore, #tpu.memory_space<semaphore_mem>>)
    %dma_start3A_138 = arith.constant 0 : i32
    %dma_start3A_139 = arith.constant 0 : i32
    %dma_start3A_140 = arith.constant 640 : i32
    %dma_start3A_141 = arith.constant 0 : i32
    %dma_start3A_142 = tpu.memref_slice %arg11[%dma_start3A_139, %dma_start3A_140, %dma_start3A_141] : memref<2x800x32xf32, #tpu.memory_space<vmem>> -> memref<1x80x32xf32, #tpu.memory_space<vmem>>
    %dma_start3A_143 = tpu.memref_squeeze %dma_start3A_142 : memref<1x80x32xf32, #tpu.memory_space<vmem>> -> memref<80x32xf32, #tpu.memory_space<vmem>>
    %dma_start3A_144 = arith.constant 640 : i32
    %dma_start3A_145 = tpu.memref_slice %arg9[%dma_start3A_138, %dma_start3A_144] : memref<2x800xi32, #tpu.memory_space<vmem>> -> memref<1x80xi32, #tpu.memory_space<vmem>>
    %dma_start3A_146 = tpu.memref_squeeze %dma_start3A_145 : memref<1x80xi32, #tpu.memory_space<vmem>> -> memref<80xi32, #tpu.memory_space<vmem>>
    %dma_start3A_147 = arith.constant 0 : i32
    %dma_start3A_148 = arith.constant 0 : i32
    %dma_start3A_149 = tpu.memref_slice %arg2[%dma_start3A_147, %dma_start3A_148] : memref<100000x32xf32, #tpu.memory_space<hbm>> -> memref<100000x32xf32, #tpu.memory_space<hbm>>
    tpu.enqueue_indirect_dma source(%dma_start3A_149 : memref<100000x32xf32, #tpu.memory_space<hbm>>) target(%dma_start3A_143 : memref<80x32xf32, #tpu.memory_space<vmem>>) offsets(%dma_start3A_146 : memref<80xi32, #tpu.memory_space<vmem>>) semaphore(%arg15 : memref<!tpu.dma_semaphore, #tpu.memory_space<semaphore_mem>>)
    %dma_start3A_150 = arith.constant 0 : i32
    %dma_start3A_151 = arith.constant 0 : i32
    %dma_start3A_152 = arith.constant 720 : i32
    %dma_start3A_153 = arith.constant 0 : i32
    %dma_start3A_154 = tpu.memref_slice %arg11[%dma_start3A_151, %dma_start3A_152, %dma_start3A_153] : memref<2x800x32xf32, #tpu.memory_space<vmem>> -> memref<1x80x32xf32, #tpu.memory_space<vmem>>
    %dma_start3A_155 = tpu.memref_squeeze %dma_start3A_154 : memref<1x80x32xf32, #tpu.memory_space<vmem>> -> memref<80x32xf32, #tpu.memory_space<vmem>>
    %dma_start3A_156 = arith.constant 720 : i32
    %dma_start3A_157 = tpu.memref_slice %arg9[%dma_start3A_150, %dma_start3A_156] : memref<2x800xi32, #tpu.memory_space<vmem>> -> memref<1x80xi32, #tpu.memory_space<vmem>>
    %dma_start3A_158 = tpu.memref_squeeze %dma_start3A_157 : memref<1x80xi32, #tpu.memory_space<vmem>> -> memref<80xi32, #tpu.memory_space<vmem>>
    %dma_start3A_159 = arith.constant 0 : i32
    %dma_start3A_160 = arith.constant 0 : i32
    %dma_start3A_161 = tpu.memref_slice %arg2[%dma_start3A_159, %dma_start3A_160] : memref<100000x32xf32, #tpu.memory_space<hbm>> -> memref<100000x32xf32, #tpu.memory_space<hbm>>
    tpu.enqueue_indirect_dma source(%dma_start3A_161 : memref<100000x32xf32, #tpu.memory_space<hbm>>) target(%dma_start3A_155 : memref<80x32xf32, #tpu.memory_space<vmem>>) offsets(%dma_start3A_158 : memref<80xi32, #tpu.memory_space<vmem>>) semaphore(%arg15 : memref<!tpu.dma_semaphore, #tpu.memory_space<semaphore_mem>>)
    %add3A_162 = arith.constant 32 : i32
    %add3A_163 = arith.addi %add3A, %add3A_162 : i32
    %lt3A = arith.constant 625 : i32
    %lt3A_164 = arith.cmpi slt, %add3A_163, %lt3A : i32
    %convert_element_type3A = arith.extui %lt3A_164 : i1 to i32
    %cond3A = arith.constant 0 : i32
    %cond3A_165 = arith.cmpi ne, %convert_element_type3A, %cond3A : i32
    scf.if %cond3A_165 {
      %add3A_408 = arith.constant 32 : i32
      %add3A_409 = arith.addi %add3A, %add3A_408 : i32
      %mul3A_410 = arith.constant 800 : i32
      %mul3A_411 = arith.muli %add3A_409, %mul3A_410 : i32
      %multiple_of3A_412 = tpu.assume_multiple %mul3A_411, 8 : i32
      %dma_start3A_413 = arith.constant 1 : i32
      %dma_start3A_414 = arith.constant 0 : i32
      %dma_start3A_415 = tpu.memref_slice %arg9[%dma_start3A_413, %dma_start3A_414] : memref<2x800xi32, #tpu.memory_space<vmem>> -> memref<1x800xi32, #tpu.memory_space<vmem>>
      %dma_start3A_416 = tpu.memref_squeeze %dma_start3A_415 : memref<1x800xi32, #tpu.memory_space<vmem>> -> memref<800xi32, #tpu.memory_space<vmem>>
      %dma_start3A_417 = tpu.memref_slice %arg5[%multiple_of3A_412] : memref<500000xi32, #tpu.memory_space<hbm>> -> memref<800xi32, #tpu.memory_space<hbm>>
      %dma_start3A_418 = arith.constant 0 : i32
      %dma_start3A_419 = tpu.memref_slice %arg9[%dma_start3A_413, %dma_start3A_418] : memref<2x800xi32, #tpu.memory_space<vmem>> -> memref<1x800xi32, #tpu.memory_space<vmem>>
      %dma_start3A_420 = tpu.memref_squeeze %dma_start3A_419 : memref<1x800xi32, #tpu.memory_space<vmem>> -> memref<800xi32, #tpu.memory_space<vmem>>
      %dma_start3A_421 = tpu.memref_slice %arg5[%multiple_of3A_412] : memref<500000xi32, #tpu.memory_space<hbm>> -> memref<800xi32, #tpu.memory_space<hbm>>
      tpu.enqueue_dma source(%dma_start3A_421 : memref<800xi32, #tpu.memory_space<hbm>>) target(%dma_start3A_420 : memref<800xi32, #tpu.memory_space<vmem>>) target_semaphore(%arg18 : memref<!tpu.dma_semaphore, #tpu.memory_space<semaphore_mem>>)
      %dma_start3A_422 = arith.constant 1 : i32
      %dma_start3A_423 = arith.constant 0 : i32
      %dma_start3A_424 = tpu.memref_slice %arg10[%dma_start3A_422, %dma_start3A_423] : memref<2x800xi32, #tpu.memory_space<vmem>> -> memref<1x800xi32, #tpu.memory_space<vmem>>
      %dma_start3A_425 = tpu.memref_squeeze %dma_start3A_424 : memref<1x800xi32, #tpu.memory_space<vmem>> -> memref<800xi32, #tpu.memory_space<vmem>>
      %dma_start3A_426 = tpu.memref_slice %arg6[%multiple_of3A_412] : memref<500000xi32, #tpu.memory_space<hbm>> -> memref<800xi32, #tpu.memory_space<hbm>>
      %dma_start3A_427 = arith.constant 0 : i32
      %dma_start3A_428 = tpu.memref_slice %arg10[%dma_start3A_422, %dma_start3A_427] : memref<2x800xi32, #tpu.memory_space<vmem>> -> memref<1x800xi32, #tpu.memory_space<vmem>>
      %dma_start3A_429 = tpu.memref_squeeze %dma_start3A_428 : memref<1x800xi32, #tpu.memory_space<vmem>> -> memref<800xi32, #tpu.memory_space<vmem>>
      %dma_start3A_430 = tpu.memref_slice %arg6[%multiple_of3A_412] : memref<500000xi32, #tpu.memory_space<hbm>> -> memref<800xi32, #tpu.memory_space<hbm>>
      tpu.enqueue_dma source(%dma_start3A_430 : memref<800xi32, #tpu.memory_space<hbm>>) target(%dma_start3A_429 : memref<800xi32, #tpu.memory_space<vmem>>) target_semaphore(%arg18 : memref<!tpu.dma_semaphore, #tpu.memory_space<semaphore_mem>>)
    } else {
    }
    %scan3A = arith.constant 0 : i32
    %scan3A_166 = arith.constant 10 : i32
    %scan3A_167 = arith.addi %scan3A, %scan3A_166 : i32
    %scan3A_168 = arith.constant 1 : i32
    scf.for %scan3A_408 = %scan3A to %scan3A_167 step %scan3A_168  : i32 {
      %mul3A_409 = arith.constant 2 : i32
      %mul3A_410 = arith.muli %mul3A_409, %scan3A_408 : i32
      %add3A_411 = arith.constant 0 : i32
      %add3A_412 = arith.addi %mul3A_410, %add3A_411 : i32
      %mul3A_413 = arith.constant 32 : i32
      %mul3A_414 = arith.muli %add3A_412, %mul3A_413 : i32
      %add3A_415 = arith.addi %add3A, %mul3A_414 : i32
      %lt3A_416 = arith.constant 625 : i32
      %lt3A_417 = arith.cmpi slt, %add3A_415, %lt3A_416 : i32
      %convert_element_type3A_418 = arith.extui %lt3A_417 : i1 to i32
      %cond3A_419 = arith.constant 0 : i32
      %cond3A_420 = arith.cmpi ne, %convert_element_type3A_418, %cond3A_419 : i32
      scf.if %cond3A_420 {
        %dma_wait3A_433 = arith.constant 0 : i32
        %dma_wait3A_434 = arith.constant 0 : i32
        %dma_wait3A_435 = arith.constant 0 : i32
        %dma_wait3A_436 = tpu.memref_slice %arg11[%dma_wait3A_433, %dma_wait3A_434, %dma_wait3A_435] : memref<2x800x32xf32, #tpu.memory_space<vmem>> -> memref<1x800x32xf32, #tpu.memory_space<vmem>>
        %dma_wait3A_437 = tpu.memref_squeeze %dma_wait3A_436 : memref<1x800x32xf32, #tpu.memory_space<vmem>> -> memref<800x32xf32, #tpu.memory_space<vmem>>
        %dma_wait3A_438 = arith.constant 0 : i32
        %dma_wait3A_439 = arith.constant 0 : i32
        %dma_wait3A_440 = tpu.memref_slice %arg2[%dma_wait3A_438, %dma_wait3A_439] : memref<100000x32xf32, #tpu.memory_space<hbm>> -> memref<800x32xf32, #tpu.memory_space<hbm>>
        %dma_wait3A_441 = arith.constant 0 : i32
        %dma_wait3A_442 = arith.constant 0 : i32
        %dma_wait3A_443 = tpu.memref_slice %arg11[%dma_wait3A_433, %dma_wait3A_441, %dma_wait3A_442] : memref<2x800x32xf32, #tpu.memory_space<vmem>> -> memref<1x800x32xf32, #tpu.memory_space<vmem>>
        %dma_wait3A_444 = tpu.memref_squeeze %dma_wait3A_443 : memref<1x800x32xf32, #tpu.memory_space<vmem>> -> memref<800x32xf32, #tpu.memory_space<vmem>>
        %dma_wait3A_445 = arith.constant 0 : i32
        %dma_wait3A_446 = arith.constant 0 : i32
        %dma_wait3A_447 = tpu.memref_slice %arg2[%dma_wait3A_445, %dma_wait3A_446] : memref<100000x32xf32, #tpu.memory_space<hbm>> -> memref<800x32xf32, #tpu.memory_space<hbm>>
        tpu.wait_dma2 semaphore(%arg15 : memref<!tpu.dma_semaphore, #tpu.memory_space<semaphore_mem>>) src(%dma_wait3A_447 : memref<800x32xf32, #tpu.memory_space<hbm>>) dst(%dma_wait3A_444 : memref<800x32xf32, #tpu.memory_space<vmem>>)
        %add3A_448 = arith.constant 32 : i32
        %add3A_449 = arith.addi %add3A_415, %add3A_448 : i32
        %lt3A_450 = arith.constant 625 : i32
        %lt3A_451 = arith.cmpi slt, %add3A_449, %lt3A_450 : i32
        %convert_element_type3A_452 = arith.extui %lt3A_451 : i1 to i32
        %cond3A_453 = arith.constant 0 : i32
        %cond3A_454 = arith.cmpi ne, %convert_element_type3A_452, %cond3A_453 : i32
        scf.if %cond3A_454 {
          %dma_wait3A_492 = arith.constant 1 : i32
          %dma_wait3A_493 = arith.constant 0 : i32
          %dma_wait3A_494 = tpu.memref_slice %arg9[%dma_wait3A_492, %dma_wait3A_493] : memref<2x800xi32, #tpu.memory_space<vmem>> -> memref<1x800xi32, #tpu.memory_space<vmem>>
          %dma_wait3A_495 = tpu.memref_squeeze %dma_wait3A_494 : memref<1x800xi32, #tpu.memory_space<vmem>> -> memref<800xi32, #tpu.memory_space<vmem>>
          %dma_wait3A_496 = arith.constant 0 : i32
          %dma_wait3A_497 = tpu.memref_slice %arg5[%dma_wait3A_496] : memref<500000xi32, #tpu.memory_space<hbm>> -> memref<800xi32, #tpu.memory_space<hbm>>
          %dma_wait3A_498 = arith.constant 0 : i32
          %dma_wait3A_499 = tpu.memref_slice %arg9[%dma_wait3A_492, %dma_wait3A_498] : memref<2x800xi32, #tpu.memory_space<vmem>> -> memref<1x800xi32, #tpu.memory_space<vmem>>
          %dma_wait3A_500 = tpu.memref_squeeze %dma_wait3A_499 : memref<1x800xi32, #tpu.memory_space<vmem>> -> memref<800xi32, #tpu.memory_space<vmem>>
          %dma_wait3A_501 = arith.constant 0 : i32
          %dma_wait3A_502 = tpu.memref_slice %arg5[%dma_wait3A_501] : memref<500000xi32, #tpu.memory_space<hbm>> -> memref<800xi32, #tpu.memory_space<hbm>>
          tpu.wait_dma2 semaphore(%arg18 : memref<!tpu.dma_semaphore, #tpu.memory_space<semaphore_mem>>) src(%dma_wait3A_502 : memref<800xi32, #tpu.memory_space<hbm>>) dst(%dma_wait3A_500 : memref<800xi32, #tpu.memory_space<vmem>>)
          %dma_wait3A_503 = arith.constant 1 : i32
          %dma_wait3A_504 = arith.constant 0 : i32
          %dma_wait3A_505 = tpu.memref_slice %arg10[%dma_wait3A_503, %dma_wait3A_504] : memref<2x800xi32, #tpu.memory_space<vmem>> -> memref<1x800xi32, #tpu.memory_space<vmem>>
          %dma_wait3A_506 = tpu.memref_squeeze %dma_wait3A_505 : memref<1x800xi32, #tpu.memory_space<vmem>> -> memref<800xi32, #tpu.memory_space<vmem>>
          %dma_wait3A_507 = arith.constant 0 : i32
          %dma_wait3A_508 = tpu.memref_slice %arg6[%dma_wait3A_507] : memref<500000xi32, #tpu.memory_space<hbm>> -> memref<800xi32, #tpu.memory_space<hbm>>
          %dma_wait3A_509 = arith.constant 0 : i32
          %dma_wait3A_510 = tpu.memref_slice %arg10[%dma_wait3A_503, %dma_wait3A_509] : memref<2x800xi32, #tpu.memory_space<vmem>> -> memref<1x800xi32, #tpu.memory_space<vmem>>
          %dma_wait3A_511 = tpu.memref_squeeze %dma_wait3A_510 : memref<1x800xi32, #tpu.memory_space<vmem>> -> memref<800xi32, #tpu.memory_space<vmem>>
          %dma_wait3A_512 = arith.constant 0 : i32
          %dma_wait3A_513 = tpu.memref_slice %arg6[%dma_wait3A_512] : memref<500000xi32, #tpu.memory_space<hbm>> -> memref<800xi32, #tpu.memory_space<hbm>>
          tpu.wait_dma2 semaphore(%arg18 : memref<!tpu.dma_semaphore, #tpu.memory_space<semaphore_mem>>) src(%dma_wait3A_513 : memref<800xi32, #tpu.memory_space<hbm>>) dst(%dma_wait3A_511 : memref<800xi32, #tpu.memory_space<vmem>>)
          %dma_start3A_514 = arith.constant 1 : i32
          %dma_start3A_515 = arith.constant 1 : i32
          %dma_start3A_516 = arith.constant 0 : i32
          %dma_start3A_517 = arith.constant 0 : i32
          %dma_start3A_518 = tpu.memref_slice %arg11[%dma_start3A_515, %dma_start3A_516, %dma_start3A_517] : memref<2x800x32xf32, #tpu.memory_space<vmem>> -> memref<1x80x32xf32, #tpu.memory_space<vmem>>
          %dma_start3A_519 = tpu.memref_squeeze %dma_start3A_518 : memref<1x80x32xf32, #tpu.memory_space<vmem>> -> memref<80x32xf32, #tpu.memory_space<vmem>>
          %dma_start3A_520 = arith.constant 0 : i32
          %dma_start3A_521 = tpu.memref_slice %arg9[%dma_start3A_514, %dma_start3A_520] : memref<2x800xi32, #tpu.memory_space<vmem>> -> memref<1x80xi32, #tpu.memory_space<vmem>>
          %dma_start3A_522 = tpu.memref_squeeze %dma_start3A_521 : memref<1x80xi32, #tpu.memory_space<vmem>> -> memref<80xi32, #tpu.memory_space<vmem>>
          %dma_start3A_523 = arith.constant 0 : i32
          %dma_start3A_524 = arith.constant 0 : i32
          %dma_start3A_525 = tpu.memref_slice %arg2[%dma_start3A_523, %dma_start3A_524] : memref<100000x32xf32, #tpu.memory_space<hbm>> -> memref<100000x32xf32, #tpu.memory_space<hbm>>
          tpu.enqueue_indirect_dma source(%dma_start3A_525 : memref<100000x32xf32, #tpu.memory_space<hbm>>) target(%dma_start3A_519 : memref<80x32xf32, #tpu.memory_space<vmem>>) offsets(%dma_start3A_522 : memref<80xi32, #tpu.memory_space<vmem>>) semaphore(%arg16 : memref<!tpu.dma_semaphore, #tpu.memory_space<semaphore_mem>>)
          %dma_start3A_526 = arith.constant 1 : i32
          %dma_start3A_527 = arith.constant 1 : i32
          %dma_start3A_528 = arith.constant 80 : i32
          %dma_start3A_529 = arith.constant 0 : i32
          %dma_start3A_530 = tpu.memref_slice %arg11[%dma_start3A_527, %dma_start3A_528, %dma_start3A_529] : memref<2x800x32xf32, #tpu.memory_space<vmem>> -> memref<1x80x32xf32, #tpu.memory_space<vmem>>
          %dma_start3A_531 = tpu.memref_squeeze %dma_start3A_530 : memref<1x80x32xf32, #tpu.memory_space<vmem>> -> memref<80x32xf32, #tpu.memory_space<vmem>>
          %dma_start3A_532 = arith.constant 80 : i32
          %dma_start3A_533 = tpu.memref_slice %arg9[%dma_start3A_526, %dma_start3A_532] : memref<2x800xi32, #tpu.memory_space<vmem>> -> memref<1x80xi32, #tpu.memory_space<vmem>>
          %dma_start3A_534 = tpu.memref_squeeze %dma_start3A_533 : memref<1x80xi32, #tpu.memory_space<vmem>> -> memref<80xi32, #tpu.memory_space<vmem>>
          %dma_start3A_535 = arith.constant 0 : i32
          %dma_start3A_536 = arith.constant 0 : i32
          %dma_start3A_537 = tpu.memref_slice %arg2[%dma_start3A_535, %dma_start3A_536] : memref<100000x32xf32, #tpu.memory_space<hbm>> -> memref<100000x32xf32, #tpu.memory_space<hbm>>
          tpu.enqueue_indirect_dma source(%dma_start3A_537 : memref<100000x32xf32, #tpu.memory_space<hbm>>) target(%dma_start3A_531 : memref<80x32xf32, #tpu.memory_space<vmem>>) offsets(%dma_start3A_534 : memref<80xi32, #tpu.memory_space<vmem>>) semaphore(%arg16 : memref<!tpu.dma_semaphore, #tpu.memory_space<semaphore_mem>>)
          %dma_start3A_538 = arith.constant 1 : i32
          %dma_start3A_539 = arith.constant 1 : i32
          %dma_start3A_540 = arith.constant 160 : i32
          %dma_start3A_541 = arith.constant 0 : i32
          %dma_start3A_542 = tpu.memref_slice %arg11[%dma_start3A_539, %dma_start3A_540, %dma_start3A_541] : memref<2x800x32xf32, #tpu.memory_space<vmem>> -> memref<1x80x32xf32, #tpu.memory_space<vmem>>
          %dma_start3A_543 = tpu.memref_squeeze %dma_start3A_542 : memref<1x80x32xf32, #tpu.memory_space<vmem>> -> memref<80x32xf32, #tpu.memory_space<vmem>>
          %dma_start3A_544 = arith.constant 160 : i32
          %dma_start3A_545 = tpu.memref_slice %arg9[%dma_start3A_538, %dma_start3A_544] : memref<2x800xi32, #tpu.memory_space<vmem>> -> memref<1x80xi32, #tpu.memory_space<vmem>>
          %dma_start3A_546 = tpu.memref_squeeze %dma_start3A_545 : memref<1x80xi32, #tpu.memory_space<vmem>> -> memref<80xi32, #tpu.memory_space<vmem>>
          %dma_start3A_547 = arith.constant 0 : i32
          %dma_start3A_548 = arith.constant 0 : i32
          %dma_start3A_549 = tpu.memref_slice %arg2[%dma_start3A_547, %dma_start3A_548] : memref<100000x32xf32, #tpu.memory_space<hbm>> -> memref<100000x32xf32, #tpu.memory_space<hbm>>
          tpu.enqueue_indirect_dma source(%dma_start3A_549 : memref<100000x32xf32, #tpu.memory_space<hbm>>) target(%dma_start3A_543 : memref<80x32xf32, #tpu.memory_space<vmem>>) offsets(%dma_start3A_546 : memref<80xi32, #tpu.memory_space<vmem>>) semaphore(%arg16 : memref<!tpu.dma_semaphore, #tpu.memory_space<semaphore_mem>>)
          %dma_start3A_550 = arith.constant 1 : i32
          %dma_start3A_551 = arith.constant 1 : i32
          %dma_start3A_552 = arith.constant 240 : i32
          %dma_start3A_553 = arith.constant 0 : i32
          %dma_start3A_554 = tpu.memref_slice %arg11[%dma_start3A_551, %dma_start3A_552, %dma_start3A_553] : memref<2x800x32xf32, #tpu.memory_space<vmem>> -> memref<1x80x32xf32, #tpu.memory_space<vmem>>
          %dma_start3A_555 = tpu.memref_squeeze %dma_start3A_554 : memref<1x80x32xf32, #tpu.memory_space<vmem>> -> memref<80x32xf32, #tpu.memory_space<vmem>>
          %dma_start3A_556 = arith.constant 240 : i32
          %dma_start3A_557 = tpu.memref_slice %arg9[%dma_start3A_550, %dma_start3A_556] : memref<2x800xi32, #tpu.memory_space<vmem>> -> memref<1x80xi32, #tpu.memory_space<vmem>>
          %dma_start3A_558 = tpu.memref_squeeze %dma_start3A_557 : memref<1x80xi32, #tpu.memory_space<vmem>> -> memref<80xi32, #tpu.memory_space<vmem>>
          %dma_start3A_559 = arith.constant 0 : i32
          %dma_start3A_560 = arith.constant 0 : i32
          %dma_start3A_561 = tpu.memref_slice %arg2[%dma_start3A_559, %dma_start3A_560] : memref<100000x32xf32, #tpu.memory_space<hbm>> -> memref<100000x32xf32, #tpu.memory_space<hbm>>
          tpu.enqueue_indirect_dma source(%dma_start3A_561 : memref<100000x32xf32, #tpu.memory_space<hbm>>) target(%dma_start3A_555 : memref<80x32xf32, #tpu.memory_space<vmem>>) offsets(%dma_start3A_558 : memref<80xi32, #tpu.memory_space<vmem>>) semaphore(%arg16 : memref<!tpu.dma_semaphore, #tpu.memory_space<semaphore_mem>>)
          %dma_start3A_562 = arith.constant 1 : i32
          %dma_start3A_563 = arith.constant 1 : i32
          %dma_start3A_564 = arith.constant 320 : i32
          %dma_start3A_565 = arith.constant 0 : i32
          %dma_start3A_566 = tpu.memref_slice %arg11[%dma_start3A_563, %dma_start3A_564, %dma_start3A_565] : memref<2x800x32xf32, #tpu.memory_space<vmem>> -> memref<1x80x32xf32, #tpu.memory_space<vmem>>
          %dma_start3A_567 = tpu.memref_squeeze %dma_start3A_566 : memref<1x80x32xf32, #tpu.memory_space<vmem>> -> memref<80x32xf32, #tpu.memory_space<vmem>>
          %dma_start3A_568 = arith.constant 320 : i32
          %dma_start3A_569 = tpu.memref_slice %arg9[%dma_start3A_562, %dma_start3A_568] : memref<2x800xi32, #tpu.memory_space<vmem>> -> memref<1x80xi32, #tpu.memory_space<vmem>>
          %dma_start3A_570 = tpu.memref_squeeze %dma_start3A_569 : memref<1x80xi32, #tpu.memory_space<vmem>> -> memref<80xi32, #tpu.memory_space<vmem>>
          %dma_start3A_571 = arith.constant 0 : i32
          %dma_start3A_572 = arith.constant 0 : i32
          %dma_start3A_573 = tpu.memref_slice %arg2[%dma_start3A_571, %dma_start3A_572] : memref<100000x32xf32, #tpu.memory_space<hbm>> -> memref<100000x32xf32, #tpu.memory_space<hbm>>
          tpu.enqueue_indirect_dma source(%dma_start3A_573 : memref<100000x32xf32, #tpu.memory_space<hbm>>) target(%dma_start3A_567 : memref<80x32xf32, #tpu.memory_space<vmem>>) offsets(%dma_start3A_570 : memref<80xi32, #tpu.memory_space<vmem>>) semaphore(%arg16 : memref<!tpu.dma_semaphore, #tpu.memory_space<semaphore_mem>>)
          %dma_start3A_574 = arith.constant 1 : i32
          %dma_start3A_575 = arith.constant 1 : i32
          %dma_start3A_576 = arith.constant 400 : i32
          %dma_start3A_577 = arith.constant 0 : i32
          %dma_start3A_578 = tpu.memref_slice %arg11[%dma_start3A_575, %dma_start3A_576, %dma_start3A_577] : memref<2x800x32xf32, #tpu.memory_space<vmem>> -> memref<1x80x32xf32, #tpu.memory_space<vmem>>
          %dma_start3A_579 = tpu.memref_squeeze %dma_start3A_578 : memref<1x80x32xf32, #tpu.memory_space<vmem>> -> memref<80x32xf32, #tpu.memory_space<vmem>>
          %dma_start3A_580 = arith.constant 400 : i32
          %dma_start3A_581 = tpu.memref_slice %arg9[%dma_start3A_574, %dma_start3A_580] : memref<2x800xi32, #tpu.memory_space<vmem>> -> memref<1x80xi32, #tpu.memory_space<vmem>>
          %dma_start3A_582 = tpu.memref_squeeze %dma_start3A_581 : memref<1x80xi32, #tpu.memory_space<vmem>> -> memref<80xi32, #tpu.memory_space<vmem>>
          %dma_start3A_583 = arith.constant 0 : i32
          %dma_start3A_584 = arith.constant 0 : i32
          %dma_start3A_585 = tpu.memref_slice %arg2[%dma_start3A_583, %dma_start3A_584] : memref<100000x32xf32, #tpu.memory_space<hbm>> -> memref<100000x32xf32, #tpu.memory_space<hbm>>
          tpu.enqueue_indirect_dma source(%dma_start3A_585 : memref<100000x32xf32, #tpu.memory_space<hbm>>) target(%dma_start3A_579 : memref<80x32xf32, #tpu.memory_space<vmem>>) offsets(%dma_start3A_582 : memref<80xi32, #tpu.memory_space<vmem>>) semaphore(%arg16 : memref<!tpu.dma_semaphore, #tpu.memory_space<semaphore_mem>>)
          %dma_start3A_586 = arith.constant 1 : i32
          %dma_start3A_587 = arith.constant 1 : i32
          %dma_start3A_588 = arith.constant 480 : i32
          %dma_start3A_589 = arith.constant 0 : i32
          %dma_start3A_590 = tpu.memref_slice %arg11[%dma_start3A_587, %dma_start3A_588, %dma_start3A_589] : memref<2x800x32xf32, #tpu.memory_space<vmem>> -> memref<1x80x32xf32, #tpu.memory_space<vmem>>
          %dma_start3A_591 = tpu.memref_squeeze %dma_start3A_590 : memref<1x80x32xf32, #tpu.memory_space<vmem>> -> memref<80x32xf32, #tpu.memory_space<vmem>>
          %dma_start3A_592 = arith.constant 480 : i32
          %dma_start3A_593 = tpu.memref_slice %arg9[%dma_start3A_586, %dma_start3A_592] : memref<2x800xi32, #tpu.memory_space<vmem>> -> memref<1x80xi32, #tpu.memory_space<vmem>>
          %dma_start3A_594 = tpu.memref_squeeze %dma_start3A_593 : memref<1x80xi32, #tpu.memory_space<vmem>> -> memref<80xi32, #tpu.memory_space<vmem>>
          %dma_start3A_595 = arith.constant 0 : i32
          %dma_start3A_596 = arith.constant 0 : i32
          %dma_start3A_597 = tpu.memref_slice %arg2[%dma_start3A_595, %dma_start3A_596] : memref<100000x32xf32, #tpu.memory_space<hbm>> -> memref<100000x32xf32, #tpu.memory_space<hbm>>
          tpu.enqueue_indirect_dma source(%dma_start3A_597 : memref<100000x32xf32, #tpu.memory_space<hbm>>) target(%dma_start3A_591 : memref<80x32xf32, #tpu.memory_space<vmem>>) offsets(%dma_start3A_594 : memref<80xi32, #tpu.memory_space<vmem>>) semaphore(%arg16 : memref<!tpu.dma_semaphore, #tpu.memory_space<semaphore_mem>>)
          %dma_start3A_598 = arith.constant 1 : i32
          %dma_start3A_599 = arith.constant 1 : i32
          %dma_start3A_600 = arith.constant 560 : i32
          %dma_start3A_601 = arith.constant 0 : i32
          %dma_start3A_602 = tpu.memref_slice %arg11[%dma_start3A_599, %dma_start3A_600, %dma_start3A_601] : memref<2x800x32xf32, #tpu.memory_space<vmem>> -> memref<1x80x32xf32, #tpu.memory_space<vmem>>
          %dma_start3A_603 = tpu.memref_squeeze %dma_start3A_602 : memref<1x80x32xf32, #tpu.memory_space<vmem>> -> memref<80x32xf32, #tpu.memory_space<vmem>>
          %dma_start3A_604 = arith.constant 560 : i32
          %dma_start3A_605 = tpu.memref_slice %arg9[%dma_start3A_598, %dma_start3A_604] : memref<2x800xi32, #tpu.memory_space<vmem>> -> memref<1x80xi32, #tpu.memory_space<vmem>>
          %dma_start3A_606 = tpu.memref_squeeze %dma_start3A_605 : memref<1x80xi32, #tpu.memory_space<vmem>> -> memref<80xi32, #tpu.memory_space<vmem>>
          %dma_start3A_607 = arith.constant 0 : i32
          %dma_start3A_608 = arith.constant 0 : i32
          %dma_start3A_609 = tpu.memref_slice %arg2[%dma_start3A_607, %dma_start3A_608] : memref<100000x32xf32, #tpu.memory_space<hbm>> -> memref<100000x32xf32, #tpu.memory_space<hbm>>
          tpu.enqueue_indirect_dma source(%dma_start3A_609 : memref<100000x32xf32, #tpu.memory_space<hbm>>) target(%dma_start3A_603 : memref<80x32xf32, #tpu.memory_space<vmem>>) offsets(%dma_start3A_606 : memref<80xi32, #tpu.memory_space<vmem>>) semaphore(%arg16 : memref<!tpu.dma_semaphore, #tpu.memory_space<semaphore_mem>>)
          %dma_start3A_610 = arith.constant 1 : i32
          %dma_start3A_611 = arith.constant 1 : i32
          %dma_start3A_612 = arith.constant 640 : i32
          %dma_start3A_613 = arith.constant 0 : i32
          %dma_start3A_614 = tpu.memref_slice %arg11[%dma_start3A_611, %dma_start3A_612, %dma_start3A_613] : memref<2x800x32xf32, #tpu.memory_space<vmem>> -> memref<1x80x32xf32, #tpu.memory_space<vmem>>
          %dma_start3A_615 = tpu.memref_squeeze %dma_start3A_614 : memref<1x80x32xf32, #tpu.memory_space<vmem>> -> memref<80x32xf32, #tpu.memory_space<vmem>>
          %dma_start3A_616 = arith.constant 640 : i32
          %dma_start3A_617 = tpu.memref_slice %arg9[%dma_start3A_610, %dma_start3A_616] : memref<2x800xi32, #tpu.memory_space<vmem>> -> memref<1x80xi32, #tpu.memory_space<vmem>>
          %dma_start3A_618 = tpu.memref_squeeze %dma_start3A_617 : memref<1x80xi32, #tpu.memory_space<vmem>> -> memref<80xi32, #tpu.memory_space<vmem>>
          %dma_start3A_619 = arith.constant 0 : i32
          %dma_start3A_620 = arith.constant 0 : i32
          %dma_start3A_621 = tpu.memref_slice %arg2[%dma_start3A_619, %dma_start3A_620] : memref<100000x32xf32, #tpu.memory_space<hbm>> -> memref<100000x32xf32, #tpu.memory_space<hbm>>
          tpu.enqueue_indirect_dma source(%dma_start3A_621 : memref<100000x32xf32, #tpu.memory_space<hbm>>) target(%dma_start3A_615 : memref<80x32xf32, #tpu.memory_space<vmem>>) offsets(%dma_start3A_618 : memref<80xi32, #tpu.memory_space<vmem>>) semaphore(%arg16 : memref<!tpu.dma_semaphore, #tpu.memory_space<semaphore_mem>>)
          %dma_start3A_622 = arith.constant 1 : i32
          %dma_start3A_623 = arith.constant 1 : i32
          %dma_start3A_624 = arith.constant 720 : i32
          %dma_start3A_625 = arith.constant 0 : i32
          %dma_start3A_626 = tpu.memref_slice %arg11[%dma_start3A_623, %dma_start3A_624, %dma_start3A_625] : memref<2x800x32xf32, #tpu.memory_space<vmem>> -> memref<1x80x32xf32, #tpu.memory_space<vmem>>
          %dma_start3A_627 = tpu.memref_squeeze %dma_start3A_626 : memref<1x80x32xf32, #tpu.memory_space<vmem>> -> memref<80x32xf32, #tpu.memory_space<vmem>>
          %dma_start3A_628 = arith.constant 720 : i32
          %dma_start3A_629 = tpu.memref_slice %arg9[%dma_start3A_622, %dma_start3A_628] : memref<2x800xi32, #tpu.memory_space<vmem>> -> memref<1x80xi32, #tpu.memory_space<vmem>>
          %dma_start3A_630 = tpu.memref_squeeze %dma_start3A_629 : memref<1x80xi32, #tpu.memory_space<vmem>> -> memref<80xi32, #tpu.memory_space<vmem>>
          %dma_start3A_631 = arith.constant 0 : i32
          %dma_start3A_632 = arith.constant 0 : i32
          %dma_start3A_633 = tpu.memref_slice %arg2[%dma_start3A_631, %dma_start3A_632] : memref<100000x32xf32, #tpu.memory_space<hbm>> -> memref<100000x32xf32, #tpu.memory_space<hbm>>
          tpu.enqueue_indirect_dma source(%dma_start3A_633 : memref<100000x32xf32, #tpu.memory_space<hbm>>) target(%dma_start3A_627 : memref<80x32xf32, #tpu.memory_space<vmem>>) offsets(%dma_start3A_630 : memref<80xi32, #tpu.memory_space<vmem>>) semaphore(%arg16 : memref<!tpu.dma_semaphore, #tpu.memory_space<semaphore_mem>>)
        } else {
        }
        %ge3A_455 = arith.constant 64 : i32
        %ge3A_456 = arith.cmpi sge, %add3A_415, %ge3A_455 : i32
        %convert_element_type3A_457 = arith.extui %ge3A_456 : i1 to i32
        %cond3A_458 = arith.constant 0 : i32
        %cond3A_459 = arith.cmpi ne, %convert_element_type3A_457, %cond3A_458 : i32
        scf.if %cond3A_459 {
          %dma_wait3A_492 = arith.constant 0 : i32
          %dma_wait3A_493 = arith.constant 0 : i32
          %dma_wait3A_494 = tpu.memref_slice %arg13[%dma_wait3A_492, %dma_wait3A_493] : memref<2x800xf32, #tpu.memory_space<vmem>> -> memref<1x800xf32, #tpu.memory_space<vmem>>
          %dma_wait3A_495 = tpu.memref_squeeze %dma_wait3A_494 : memref<1x800xf32, #tpu.memory_space<vmem>> -> memref<800xf32, #tpu.memory_space<vmem>>
          %dma_wait3A_496 = arith.constant 0 : i32
          %dma_wait3A_497 = tpu.memref_slice %arg7[%dma_wait3A_496] : memref<500000xf32, #tpu.memory_space<hbm>> -> memref<800xf32, #tpu.memory_space<hbm>>
          %dma_wait3A_498 = arith.constant 0 : i32
          %dma_wait3A_499 = tpu.memref_slice %arg13[%dma_wait3A_492, %dma_wait3A_498] : memref<2x800xf32, #tpu.memory_space<vmem>> -> memref<1x800xf32, #tpu.memory_space<vmem>>
          %dma_wait3A_500 = tpu.memref_squeeze %dma_wait3A_499 : memref<1x800xf32, #tpu.memory_space<vmem>> -> memref<800xf32, #tpu.memory_space<vmem>>
          %dma_wait3A_501 = arith.constant 0 : i32
          %dma_wait3A_502 = tpu.memref_slice %arg7[%dma_wait3A_501] : memref<500000xf32, #tpu.memory_space<hbm>> -> memref<800xf32, #tpu.memory_space<hbm>>
          tpu.wait_dma2 semaphore(%arg19 : memref<!tpu.dma_semaphore, #tpu.memory_space<semaphore_mem>>) src(%dma_wait3A_502 : memref<800xf32, #tpu.memory_space<hbm>>) dst(%dma_wait3A_500 : memref<800xf32, #tpu.memory_space<vmem>>)
        } else {
        }
        %scan3A_460 = arith.constant 0 : i32
        %scan3A_461 = arith.constant 0 : i32
        %scan3A_462 = arith.constant 100 : i32
        %scan3A_463 = arith.addi %scan3A_461, %scan3A_462 : i32
        %scan3A_464 = arith.constant 1 : i32
        scf.for %scan3A_492 = %scan3A_461 to %scan3A_463 step %scan3A_464  : i32 {
          %mul3A_493 = arith.constant 8 : i32
          %mul3A_494 = arith.muli %scan3A_492, %mul3A_493 : i32
          %add3A_495 = arith.constant 0 : i32
          %add3A_496 = arith.addi %mul3A_494, %add3A_495 : i32
          %get3A_497 = arith.constant 0 : i32
          %get3A_498 = arith.constant 0 : i32
          %get3A_499 = tpu.memref_slice %arg11[%scan3A_460, %get3A_497, %get3A_498] : memref<2x800x32xf32, #tpu.memory_space<vmem>> -> memref<1x800x32xf32, #tpu.memory_space<vmem>>
          %get3A_500 = tpu.memref_squeeze %get3A_499 : memref<1x800x32xf32, #tpu.memory_space<vmem>> -> memref<800x32xf32, #tpu.memory_space<vmem>>
          %get3A_501 = arith.index_cast %add3A_496 : i32 to index
          %get3A_502 = arith.constant 0 : index
          %get3A_503 = tpu.vector_load %get3A_500[%get3A_501, %get3A_502] {strides = array<i32>} : memref<800x32xf32, #tpu.memory_space<vmem>>, vector<16xf32>,
          %swap3A = arith.index_cast %add3A_496 : i32 to index
          %swap3A_504 = arith.constant 0 : index
          %swap3A_505 = tpu.vector_load %arg12[%swap3A, %swap3A_504] {strides = array<i32>} : memref<800x33xf32, #tpu.memory_space<vmem>>, vector<16xf32>,
          tpu.vector_store %arg12[%swap3A, %swap3A_504], %get3A_503 {strides = array<i32>} : memref<800x33xf32, #tpu.memory_space<vmem>>, vector<16xf32>,
          %get3A_506 = arith.constant 0 : i32
          %get3A_507 = arith.constant 0 : i32
          %get3A_508 = tpu.memref_slice %arg11[%scan3A_460, %get3A_506, %get3A_507] : memref<2x800x32xf32, #tpu.memory_space<vmem>> -> memref<1x800x32xf32, #tpu.memory_space<vmem>>
          %get3A_509 = tpu.memref_squeeze %get3A_508 : memref<1x800x32xf32, #tpu.memory_space<vmem>> -> memref<800x32xf32, #tpu.memory_space<vmem>>
          %get3A_510 = arith.index_cast %add3A_496 : i32 to index
          %get3A_511 = arith.constant 16 : index
          %get3A_512 = tpu.vector_load %get3A_509[%get3A_510, %get3A_511] {strides = array<i32>} : memref<800x32xf32, #tpu.memory_space<vmem>>, vector<16xf32>,
          %swap3A_513 = arith.index_cast %add3A_496 : i32 to index
          %swap3A_514 = arith.constant 16 : index
          %swap3A_515 = tpu.vector_load %arg12[%swap3A_513, %swap3A_514] {strides = array<i32>} : memref<800x33xf32, #tpu.memory_space<vmem>>, vector<16xf32>,
          tpu.vector_store %arg12[%swap3A_513, %swap3A_514], %get3A_512 {strides = array<i32>} : memref<800x33xf32, #tpu.memory_space<vmem>>, vector<16xf32>,
          %mul3A_516 = arith.constant 8 : i32
          %mul3A_517 = arith.muli %scan3A_492, %mul3A_516 : i32
          %add3A_518 = arith.constant 1 : i32
          %add3A_519 = arith.addi %mul3A_517, %add3A_518 : i32
          %get3A_520 = arith.constant 0 : i32
          %get3A_521 = arith.constant 0 : i32
          %get3A_522 = tpu.memref_slice %arg11[%scan3A_460, %get3A_520, %get3A_521] : memref<2x800x32xf32, #tpu.memory_space<vmem>> -> memref<1x800x32xf32, #tpu.memory_space<vmem>>
          %get3A_523 = tpu.memref_squeeze %get3A_522 : memref<1x800x32xf32, #tpu.memory_space<vmem>> -> memref<800x32xf32, #tpu.memory_space<vmem>>
          %get3A_524 = arith.index_cast %add3A_519 : i32 to index
          %get3A_525 = arith.constant 0 : index
          %get3A_526 = tpu.vector_load %get3A_523[%get3A_524, %get3A_525] {strides = array<i32>} : memref<800x32xf32, #tpu.memory_space<vmem>>, vector<16xf32>,
          %swap3A_527 = arith.index_cast %add3A_519 : i32 to index
          %swap3A_528 = arith.constant 0 : index
          %swap3A_529 = tpu.vector_load %arg12[%swap3A_527, %swap3A_528] {strides = array<i32>} : memref<800x33xf32, #tpu.memory_space<vmem>>, vector<16xf32>,
          tpu.vector_store %arg12[%swap3A_527, %swap3A_528], %get3A_526 {strides = array<i32>} : memref<800x33xf32, #tpu.memory_space<vmem>>, vector<16xf32>,
          %get3A_530 = arith.constant 0 : i32
          %get3A_531 = arith.constant 0 : i32
          %get3A_532 = tpu.memref_slice %arg11[%scan3A_460, %get3A_530, %get3A_531] : memref<2x800x32xf32, #tpu.memory_space<vmem>> -> memref<1x800x32xf32, #tpu.memory_space<vmem>>
          %get3A_533 = tpu.memref_squeeze %get3A_532 : memref<1x800x32xf32, #tpu.memory_space<vmem>> -> memref<800x32xf32, #tpu.memory_space<vmem>>
          %get3A_534 = arith.index_cast %add3A_519 : i32 to index
          %get3A_535 = arith.constant 16 : index
          %get3A_536 = tpu.vector_load %get3A_533[%get3A_534, %get3A_535] {strides = array<i32>} : memref<800x32xf32, #tpu.memory_space<vmem>>, vector<16xf32>,
          %swap3A_537 = arith.index_cast %add3A_519 : i32 to index
          %swap3A_538 = arith.constant 16 : index
          %swap3A_539 = tpu.vector_load %arg12[%swap3A_537, %swap3A_538] {strides = array<i32>} : memref<800x33xf32, #tpu.memory_space<vmem>>, vector<16xf32>,
          tpu.vector_store %arg12[%swap3A_537, %swap3A_538], %get3A_536 {strides = array<i32>} : memref<800x33xf32, #tpu.memory_space<vmem>>, vector<16xf32>,
          %mul3A_540 = arith.constant 8 : i32
          %mul3A_541 = arith.muli %scan3A_492, %mul3A_540 : i32
          %add3A_542 = arith.constant 2 : i32
          %add3A_543 = arith.addi %mul3A_541, %add3A_542 : i32
          %get3A_544 = arith.constant 0 : i32
          %get3A_545 = arith.constant 0 : i32
          %get3A_546 = tpu.memref_slice %arg11[%scan3A_460, %get3A_544, %get3A_545] : memref<2x800x32xf32, #tpu.memory_space<vmem>> -> memref<1x800x32xf32, #tpu.memory_space<vmem>>
          %get3A_547 = tpu.memref_squeeze %get3A_546 : memref<1x800x32xf32, #tpu.memory_space<vmem>> -> memref<800x32xf32, #tpu.memory_space<vmem>>
          %get3A_548 = arith.index_cast %add3A_543 : i32 to index
          %get3A_549 = arith.constant 0 : index
          %get3A_550 = tpu.vector_load %get3A_547[%get3A_548, %get3A_549] {strides = array<i32>} : memref<800x32xf32, #tpu.memory_space<vmem>>, vector<16xf32>,
          %swap3A_551 = arith.index_cast %add3A_543 : i32 to index
          %swap3A_552 = arith.constant 0 : index
          %swap3A_553 = tpu.vector_load %arg12[%swap3A_551, %swap3A_552] {strides = array<i32>} : memref<800x33xf32, #tpu.memory_space<vmem>>, vector<16xf32>,
          tpu.vector_store %arg12[%swap3A_551, %swap3A_552], %get3A_550 {strides = array<i32>} : memref<800x33xf32, #tpu.memory_space<vmem>>, vector<16xf32>,
          %get3A_554 = arith.constant 0 : i32
          %get3A_555 = arith.constant 0 : i32
          %get3A_556 = tpu.memref_slice %arg11[%scan3A_460, %get3A_554, %get3A_555] : memref<2x800x32xf32, #tpu.memory_space<vmem>> -> memref<1x800x32xf32, #tpu.memory_space<vmem>>
          %get3A_557 = tpu.memref_squeeze %get3A_556 : memref<1x800x32xf32, #tpu.memory_space<vmem>> -> memref<800x32xf32, #tpu.memory_space<vmem>>
          %get3A_558 = arith.index_cast %add3A_543 : i32 to index
          %get3A_559 = arith.constant 16 : index
          %get3A_560 = tpu.vector_load %get3A_557[%get3A_558, %get3A_559] {strides = array<i32>} : memref<800x32xf32, #tpu.memory_space<vmem>>, vector<16xf32>,
          %swap3A_561 = arith.index_cast %add3A_543 : i32 to index
          %swap3A_562 = arith.constant 16 : index
          %swap3A_563 = tpu.vector_load %arg12[%swap3A_561, %swap3A_562] {strides = array<i32>} : memref<800x33xf32, #tpu.memory_space<vmem>>, vector<16xf32>,
          tpu.vector_store %arg12[%swap3A_561, %swap3A_562], %get3A_560 {strides = array<i32>} : memref<800x33xf32, #tpu.memory_space<vmem>>, vector<16xf32>,
          %mul3A_564 = arith.constant 8 : i32
          %mul3A_565 = arith.muli %scan3A_492, %mul3A_564 : i32
          %add3A_566 = arith.constant 3 : i32
          %add3A_567 = arith.addi %mul3A_565, %add3A_566 : i32
          %get3A_568 = arith.constant 0 : i32
          %get3A_569 = arith.constant 0 : i32
          %get3A_570 = tpu.memref_slice %arg11[%scan3A_460, %get3A_568, %get3A_569] : memref<2x800x32xf32, #tpu.memory_space<vmem>> -> memref<1x800x32xf32, #tpu.memory_space<vmem>>
          %get3A_571 = tpu.memref_squeeze %get3A_570 : memref<1x800x32xf32, #tpu.memory_space<vmem>> -> memref<800x32xf32, #tpu.memory_space<vmem>>
          %get3A_572 = arith.index_cast %add3A_567 : i32 to index
          %get3A_573 = arith.constant 0 : index
          %get3A_574 = tpu.vector_load %get3A_571[%get3A_572, %get3A_573] {strides = array<i32>} : memref<800x32xf32, #tpu.memory_space<vmem>>, vector<16xf32>,
          %swap3A_575 = arith.index_cast %add3A_567 : i32 to index
          %swap3A_576 = arith.constant 0 : index
          %swap3A_577 = tpu.vector_load %arg12[%swap3A_575, %swap3A_576] {strides = array<i32>} : memref<800x33xf32, #tpu.memory_space<vmem>>, vector<16xf32>,
          tpu.vector_store %arg12[%swap3A_575, %swap3A_576], %get3A_574 {strides = array<i32>} : memref<800x33xf32, #tpu.memory_space<vmem>>, vector<16xf32>,
          %get3A_578 = arith.constant 0 : i32
          %get3A_579 = arith.constant 0 : i32
          %get3A_580 = tpu.memref_slice %arg11[%scan3A_460, %get3A_578, %get3A_579] : memref<2x800x32xf32, #tpu.memory_space<vmem>> -> memref<1x800x32xf32, #tpu.memory_space<vmem>>
          %get3A_581 = tpu.memref_squeeze %get3A_580 : memref<1x800x32xf32, #tpu.memory_space<vmem>> -> memref<800x32xf32, #tpu.memory_space<vmem>>
          %get3A_582 = arith.index_cast %add3A_567 : i32 to index
          %get3A_583 = arith.constant 16 : index
          %get3A_584 = tpu.vector_load %get3A_581[%get3A_582, %get3A_583] {strides = array<i32>} : memref<800x32xf32, #tpu.memory_space<vmem>>, vector<16xf32>,
          %swap3A_585 = arith.index_cast %add3A_567 : i32 to index
          %swap3A_586 = arith.constant 16 : index
          %swap3A_587 = tpu.vector_load %arg12[%swap3A_585, %swap3A_586] {strides = array<i32>} : memref<800x33xf32, #tpu.memory_space<vmem>>, vector<16xf32>,
          tpu.vector_store %arg12[%swap3A_585, %swap3A_586], %get3A_584 {strides = array<i32>} : memref<800x33xf32, #tpu.memory_space<vmem>>, vector<16xf32>,
          %mul3A_588 = arith.constant 8 : i32
          %mul3A_589 = arith.muli %scan3A_492, %mul3A_588 : i32
          %add3A_590 = arith.constant 4 : i32
          %add3A_591 = arith.addi %mul3A_589, %add3A_590 : i32
          %get3A_592 = arith.constant 0 : i32
          %get3A_593 = arith.constant 0 : i32
          %get3A_594 = tpu.memref_slice %arg11[%scan3A_460, %get3A_592, %get3A_593] : memref<2x800x32xf32, #tpu.memory_space<vmem>> -> memref<1x800x32xf32, #tpu.memory_space<vmem>>
          %get3A_595 = tpu.memref_squeeze %get3A_594 : memref<1x800x32xf32, #tpu.memory_space<vmem>> -> memref<800x32xf32, #tpu.memory_space<vmem>>
          %get3A_596 = arith.index_cast %add3A_591 : i32 to index
          %get3A_597 = arith.constant 0 : index
          %get3A_598 = tpu.vector_load %get3A_595[%get3A_596, %get3A_597] {strides = array<i32>} : memref<800x32xf32, #tpu.memory_space<vmem>>, vector<16xf32>,
          %swap3A_599 = arith.index_cast %add3A_591 : i32 to index
          %swap3A_600 = arith.constant 0 : index
          %swap3A_601 = tpu.vector_load %arg12[%swap3A_599, %swap3A_600] {strides = array<i32>} : memref<800x33xf32, #tpu.memory_space<vmem>>, vector<16xf32>,
          tpu.vector_store %arg12[%swap3A_599, %swap3A_600], %get3A_598 {strides = array<i32>} : memref<800x33xf32, #tpu.memory_space<vmem>>, vector<16xf32>,
          %get3A_602 = arith.constant 0 : i32
          %get3A_603 = arith.constant 0 : i32
          %get3A_604 = tpu.memref_slice %arg11[%scan3A_460, %get3A_602, %get3A_603] : memref<2x800x32xf32, #tpu.memory_space<vmem>> -> memref<1x800x32xf32, #tpu.memory_space<vmem>>
          %get3A_605 = tpu.memref_squeeze %get3A_604 : memref<1x800x32xf32, #tpu.memory_space<vmem>> -> memref<800x32xf32, #tpu.memory_space<vmem>>
          %get3A_606 = arith.index_cast %add3A_591 : i32 to index
          %get3A_607 = arith.constant 16 : index
          %get3A_608 = tpu.vector_load %get3A_605[%get3A_606, %get3A_607] {strides = array<i32>} : memref<800x32xf32, #tpu.memory_space<vmem>>, vector<16xf32>,
          %swap3A_609 = arith.index_cast %add3A_591 : i32 to index
          %swap3A_610 = arith.constant 16 : index
          %swap3A_611 = tpu.vector_load %arg12[%swap3A_609, %swap3A_610] {strides = array<i32>} : memref<800x33xf32, #tpu.memory_space<vmem>>, vector<16xf32>,
          tpu.vector_store %arg12[%swap3A_609, %swap3A_610], %get3A_608 {strides = array<i32>} : memref<800x33xf32, #tpu.memory_space<vmem>>, vector<16xf32>,
          %mul3A_612 = arith.constant 8 : i32
          %mul3A_613 = arith.muli %scan3A_492, %mul3A_612 : i32
          %add3A_614 = arith.constant 5 : i32
          %add3A_615 = arith.addi %mul3A_613, %add3A_614 : i32
          %get3A_616 = arith.constant 0 : i32
          %get3A_617 = arith.constant 0 : i32
          %get3A_618 = tpu.memref_slice %arg11[%scan3A_460, %get3A_616, %get3A_617] : memref<2x800x32xf32, #tpu.memory_space<vmem>> -> memref<1x800x32xf32, #tpu.memory_space<vmem>>
          %get3A_619 = tpu.memref_squeeze %get3A_618 : memref<1x800x32xf32, #tpu.memory_space<vmem>> -> memref<800x32xf32, #tpu.memory_space<vmem>>
          %get3A_620 = arith.index_cast %add3A_615 : i32 to index
          %get3A_621 = arith.constant 0 : index
          %get3A_622 = tpu.vector_load %get3A_619[%get3A_620, %get3A_621] {strides = array<i32>} : memref<800x32xf32, #tpu.memory_space<vmem>>, vector<16xf32>,
          %swap3A_623 = arith.index_cast %add3A_615 : i32 to index
          %swap3A_624 = arith.constant 0 : index
          %swap3A_625 = tpu.vector_load %arg12[%swap3A_623, %swap3A_624] {strides = array<i32>} : memref<800x33xf32, #tpu.memory_space<vmem>>, vector<16xf32>,
          tpu.vector_store %arg12[%swap3A_623, %swap3A_624], %get3A_622 {strides = array<i32>} : memref<800x33xf32, #tpu.memory_space<vmem>>, vector<16xf32>,
          %get3A_626 = arith.constant 0 : i32
          %get3A_627 = arith.constant 0 : i32
          %get3A_628 = tpu.memref_slice %arg11[%scan3A_460, %get3A_626, %get3A_627] : memref<2x800x32xf32, #tpu.memory_space<vmem>> -> memref<1x800x32xf32, #tpu.memory_space<vmem>>
          %get3A_629 = tpu.memref_squeeze %get3A_628 : memref<1x800x32xf32, #tpu.memory_space<vmem>> -> memref<800x32xf32, #tpu.memory_space<vmem>>
          %get3A_630 = arith.index_cast %add3A_615 : i32 to index
          %get3A_631 = arith.constant 16 : index
          %get3A_632 = tpu.vector_load %get3A_629[%get3A_630, %get3A_631] {strides = array<i32>} : memref<800x32xf32, #tpu.memory_space<vmem>>, vector<16xf32>,
          %swap3A_633 = arith.index_cast %add3A_615 : i32 to index
          %swap3A_634 = arith.constant 16 : index
          %swap3A_635 = tpu.vector_load %arg12[%swap3A_633, %swap3A_634] {strides = array<i32>} : memref<800x33xf32, #tpu.memory_space<vmem>>, vector<16xf32>,
          tpu.vector_store %arg12[%swap3A_633, %swap3A_634], %get3A_632 {strides = array<i32>} : memref<800x33xf32, #tpu.memory_space<vmem>>, vector<16xf32>,
          %mul3A_636 = arith.constant 8 : i32
          %mul3A_637 = arith.muli %scan3A_492, %mul3A_636 : i32
          %add3A_638 = arith.constant 6 : i32
          %add3A_639 = arith.addi %mul3A_637, %add3A_638 : i32
          %get3A_640 = arith.constant 0 : i32
          %get3A_641 = arith.constant 0 : i32
          %get3A_642 = tpu.memref_slice %arg11[%scan3A_460, %get3A_640, %get3A_641] : memref<2x800x32xf32, #tpu.memory_space<vmem>> -> memref<1x800x32xf32, #tpu.memory_space<vmem>>
          %get3A_643 = tpu.memref_squeeze %get3A_642 : memref<1x800x32xf32, #tpu.memory_space<vmem>> -> memref<800x32xf32, #tpu.memory_space<vmem>>
          %get3A_644 = arith.index_cast %add3A_639 : i32 to index
          %get3A_645 = arith.constant 0 : index
          %get3A_646 = tpu.vector_load %get3A_643[%get3A_644, %get3A_645] {strides = array<i32>} : memref<800x32xf32, #tpu.memory_space<vmem>>, vector<16xf32>,
          %swap3A_647 = arith.index_cast %add3A_639 : i32 to index
          %swap3A_648 = arith.constant 0 : index
          %swap3A_649 = tpu.vector_load %arg12[%swap3A_647, %swap3A_648] {strides = array<i32>} : memref<800x33xf32, #tpu.memory_space<vmem>>, vector<16xf32>,
          tpu.vector_store %arg12[%swap3A_647, %swap3A_648], %get3A_646 {strides = array<i32>} : memref<800x33xf32, #tpu.memory_space<vmem>>, vector<16xf32>,
          %get3A_650 = arith.constant 0 : i32
          %get3A_651 = arith.constant 0 : i32
          %get3A_652 = tpu.memref_slice %arg11[%scan3A_460, %get3A_650, %get3A_651] : memref<2x800x32xf32, #tpu.memory_space<vmem>> -> memref<1x800x32xf32, #tpu.memory_space<vmem>>
          %get3A_653 = tpu.memref_squeeze %get3A_652 : memref<1x800x32xf32, #tpu.memory_space<vmem>> -> memref<800x32xf32, #tpu.memory_space<vmem>>
          %get3A_654 = arith.index_cast %add3A_639 : i32 to index
          %get3A_655 = arith.constant 16 : index
          %get3A_656 = tpu.vector_load %get3A_653[%get3A_654, %get3A_655] {strides = array<i32>} : memref<800x32xf32, #tpu.memory_space<vmem>>, vector<16xf32>,
          %swap3A_657 = arith.index_cast %add3A_639 : i32 to index
          %swap3A_658 = arith.constant 16 : index
          %swap3A_659 = tpu.vector_load %arg12[%swap3A_657, %swap3A_658] {strides = array<i32>} : memref<800x33xf32, #tpu.memory_space<vmem>>, vector<16xf32>,
          tpu.vector_store %arg12[%swap3A_657, %swap3A_658], %get3A_656 {strides = array<i32>} : memref<800x33xf32, #tpu.memory_space<vmem>>, vector<16xf32>,
          %mul3A_660 = arith.constant 8 : i32
          %mul3A_661 = arith.muli %scan3A_492, %mul3A_660 : i32
          %add3A_662 = arith.constant 7 : i32
          %add3A_663 = arith.addi %mul3A_661, %add3A_662 : i32
          %get3A_664 = arith.constant 0 : i32
          %get3A_665 = arith.constant 0 : i32
          %get3A_666 = tpu.memref_slice %arg11[%scan3A_460, %get3A_664, %get3A_665] : memref<2x800x32xf32, #tpu.memory_space<vmem>> -> memref<1x800x32xf32, #tpu.memory_space<vmem>>
          %get3A_667 = tpu.memref_squeeze %get3A_666 : memref<1x800x32xf32, #tpu.memory_space<vmem>> -> memref<800x32xf32, #tpu.memory_space<vmem>>
          %get3A_668 = arith.index_cast %add3A_663 : i32 to index
          %get3A_669 = arith.constant 0 : index
          %get3A_670 = tpu.vector_load %get3A_667[%get3A_668, %get3A_669] {strides = array<i32>} : memref<800x32xf32, #tpu.memory_space<vmem>>, vector<16xf32>,
          %swap3A_671 = arith.index_cast %add3A_663 : i32 to index
          %swap3A_672 = arith.constant 0 : index
          %swap3A_673 = tpu.vector_load %arg12[%swap3A_671, %swap3A_672] {strides = array<i32>} : memref<800x33xf32, #tpu.memory_space<vmem>>, vector<16xf32>,
          tpu.vector_store %arg12[%swap3A_671, %swap3A_672], %get3A_670 {strides = array<i32>} : memref<800x33xf32, #tpu.memory_space<vmem>>, vector<16xf32>,
          %get3A_674 = arith.constant 0 : i32
          %get3A_675 = arith.constant 0 : i32
          %get3A_676 = tpu.memref_slice %arg11[%scan3A_460, %get3A_674, %get3A_675] : memref<2x800x32xf32, #tpu.memory_space<vmem>> -> memref<1x800x32xf32, #tpu.memory_space<vmem>>
          %get3A_677 = tpu.memref_squeeze %get3A_676 : memref<1x800x32xf32, #tpu.memory_space<vmem>> -> memref<800x32xf32, #tpu.memory_space<vmem>>
          %get3A_678 = arith.index_cast %add3A_663 : i32 to index
          %get3A_679 = arith.constant 16 : index
          %get3A_680 = tpu.vector_load %get3A_677[%get3A_678, %get3A_679] {strides = array<i32>} : memref<800x32xf32, #tpu.memory_space<vmem>>, vector<16xf32>,
          %swap3A_681 = arith.index_cast %add3A_663 : i32 to index
          %swap3A_682 = arith.constant 16 : index
          %swap3A_683 = tpu.vector_load %arg12[%swap3A_681, %swap3A_682] {strides = array<i32>} : memref<800x33xf32, #tpu.memory_space<vmem>>, vector<16xf32>,
          tpu.vector_store %arg12[%swap3A_681, %swap3A_682], %get3A_680 {strides = array<i32>} : memref<800x33xf32, #tpu.memory_space<vmem>>, vector<16xf32>,
        }
        %scan3A_465 = arith.constant 100 : i32
        %scan3A_466 = arith.constant 0 : i32
        %scan3A_467 = arith.constant 0 : i32
        %scan3A_468 = arith.constant 0 : i32
        %scan3A_469 = arith.constant 50 : i32
        %scan3A_470 = arith.addi %scan3A_468, %scan3A_469 : i32
        %scan3A_471 = arith.constant 1 : i32
        scf.for %scan3A_492 = %scan3A_468 to %scan3A_470 step %scan3A_471  : i32 {
          %mul3A_493 = arith.constant 16 : i32
          %mul3A_494 = arith.muli %scan3A_492, %mul3A_493 : i32
          %add3A_495 = vector.broadcast %mul3A_494 : i32 to vector<16xi32>
          %add3A_496 = arith.addi %iota3A, %add3A_495 : vector<16xi32>
          %mul3A_497 = arith.constant 16 : i32
          %mul3A_498 = arith.muli %scan3A_492, %mul3A_497 : i32
          %get3A_499 = arith.constant 0 : i32
          %get3A_500 = tpu.memref_slice %arg10[%scan3A_466, %get3A_499] : memref<2x800xi32, #tpu.memory_space<vmem>> -> memref<1x800xi32, #tpu.memory_space<vmem>>
          %get3A_501 = tpu.memref_squeeze %get3A_500 : memref<1x800xi32, #tpu.memory_space<vmem>> -> memref<800xi32, #tpu.memory_space<vmem>>
          %get3A_502 = arith.index_cast %mul3A_498 : i32 to index
          %get3A_503 = tpu.vector_load %get3A_501[%get3A_502] {strides = array<i32>} : memref<800xi32, #tpu.memory_space<vmem>>, vector<16xi32>,
          %broadcast_in_dim3A = arith.constant 0 : i32
          %broadcast_in_dim3A_504 = vector.broadcast %broadcast_in_dim3A : i32 to vector<16xi32>
          %gather3A = tpu.vector_load_idx %arg12[%add3A_496, %broadcast_in_dim3A_504] : memref<800x33xf32, #tpu.memory_space<vmem>>[vector<16xi32>, vector<16xi32>], vector<16xf32>,
          %gather3A_505 = tpu.vector_load_idx %arg8[%get3A_503, %broadcast_in_dim3A_504] : memref<1000x33xf32, #tpu.memory_space<vmem>>[vector<16xi32>, vector<16xi32>], vector<16xf32>,
          %mul3A_506 = arith.mulf %gather3A, %gather3A_505 : vector<16xf32>
          %add3A_507 = arith.addf %get3A_1, %mul3A_506 : vector<16xf32>
          %broadcast_in_dim3A_508 = arith.constant 1 : i32
          %broadcast_in_dim3A_509 = vector.broadcast %broadcast_in_dim3A_508 : i32 to vector<16xi32>
          %gather3A_510 = tpu.vector_load_idx %arg12[%add3A_496, %broadcast_in_dim3A_509] : memref<800x33xf32, #tpu.memory_space<vmem>>[vector<16xi32>, vector<16xi32>], vector<16xf32>,
          %gather3A_511 = tpu.vector_load_idx %arg8[%get3A_503, %broadcast_in_dim3A_509] : memref<1000x33xf32, #tpu.memory_space<vmem>>[vector<16xi32>, vector<16xi32>], vector<16xf32>,
          %mul3A_512 = arith.mulf %gather3A_510, %gather3A_511 : vector<16xf32>
          %add3A_513 = arith.addf %add3A_507, %mul3A_512 : vector<16xf32>
          %broadcast_in_dim3A_514 = arith.constant 2 : i32
          %broadcast_in_dim3A_515 = vector.broadcast %broadcast_in_dim3A_514 : i32 to vector<16xi32>
          %gather3A_516 = tpu.vector_load_idx %arg12[%add3A_496, %broadcast_in_dim3A_515] : memref<800x33xf32, #tpu.memory_space<vmem>>[vector<16xi32>, vector<16xi32>], vector<16xf32>,
          %gather3A_517 = tpu.vector_load_idx %arg8[%get3A_503, %broadcast_in_dim3A_515] : memref<1000x33xf32, #tpu.memory_space<vmem>>[vector<16xi32>, vector<16xi32>], vector<16xf32>,
          %mul3A_518 = arith.mulf %gather3A_516, %gather3A_517 : vector<16xf32>
          %add3A_519 = arith.addf %add3A_513, %mul3A_518 : vector<16xf32>
          %broadcast_in_dim3A_520 = arith.constant 3 : i32
          %broadcast_in_dim3A_521 = vector.broadcast %broadcast_in_dim3A_520 : i32 to vector<16xi32>
          %gather3A_522 = tpu.vector_load_idx %arg12[%add3A_496, %broadcast_in_dim3A_521] : memref<800x33xf32, #tpu.memory_space<vmem>>[vector<16xi32>, vector<16xi32>], vector<16xf32>,
          %gather3A_523 = tpu.vector_load_idx %arg8[%get3A_503, %broadcast_in_dim3A_521] : memref<1000x33xf32, #tpu.memory_space<vmem>>[vector<16xi32>, vector<16xi32>], vector<16xf32>,
          %mul3A_524 = arith.mulf %gather3A_522, %gather3A_523 : vector<16xf32>
          %add3A_525 = arith.addf %add3A_519, %mul3A_524 : vector<16xf32>
          %broadcast_in_dim3A_526 = arith.constant 4 : i32
          %broadcast_in_dim3A_527 = vector.broadcast %broadcast_in_dim3A_526 : i32 to vector<16xi32>
          %gather3A_528 = tpu.vector_load_idx %arg12[%add3A_496, %broadcast_in_dim3A_527] : memref<800x33xf32, #tpu.memory_space<vmem>>[vector<16xi32>, vector<16xi32>], vector<16xf32>,
          %gather3A_529 = tpu.vector_load_idx %arg8[%get3A_503, %broadcast_in_dim3A_527] : memref<1000x33xf32, #tpu.memory_space<vmem>>[vector<16xi32>, vector<16xi32>], vector<16xf32>,
          %mul3A_530 = arith.mulf %gather3A_528, %gather3A_529 : vector<16xf32>
          %add3A_531 = arith.addf %add3A_525, %mul3A_530 : vector<16xf32>
          %broadcast_in_dim3A_532 = arith.constant 5 : i32
          %broadcast_in_dim3A_533 = vector.broadcast %broadcast_in_dim3A_532 : i32 to vector<16xi32>
          %gather3A_534 = tpu.vector_load_idx %arg12[%add3A_496, %broadcast_in_dim3A_533] : memref<800x33xf32, #tpu.memory_space<vmem>>[vector<16xi32>, vector<16xi32>], vector<16xf32>,
          %gather3A_535 = tpu.vector_load_idx %arg8[%get3A_503, %broadcast_in_dim3A_533] : memref<1000x33xf32, #tpu.memory_space<vmem>>[vector<16xi32>, vector<16xi32>], vector<16xf32>,
          %mul3A_536 = arith.mulf %gather3A_534, %gather3A_535 : vector<16xf32>
          %add3A_537 = arith.addf %add3A_531, %mul3A_536 : vector<16xf32>
          %broadcast_in_dim3A_538 = arith.constant 6 : i32
          %broadcast_in_dim3A_539 = vector.broadcast %broadcast_in_dim3A_538 : i32 to vector<16xi32>
          %gather3A_540 = tpu.vector_load_idx %arg12[%add3A_496, %broadcast_in_dim3A_539] : memref<800x33xf32, #tpu.memory_space<vmem>>[vector<16xi32>, vector<16xi32>], vector<16xf32>,
          %gather3A_541 = tpu.vector_load_idx %arg8[%get3A_503, %broadcast_in_dim3A_539] : memref<1000x33xf32, #tpu.memory_space<vmem>>[vector<16xi32>, vector<16xi32>], vector<16xf32>,
          %mul3A_542 = arith.mulf %gather3A_540, %gather3A_541 : vector<16xf32>
          %add3A_543 = arith.addf %add3A_537, %mul3A_542 : vector<16xf32>
          %broadcast_in_dim3A_544 = arith.constant 7 : i32
          %broadcast_in_dim3A_545 = vector.broadcast %broadcast_in_dim3A_544 : i32 to vector<16xi32>
          %gather3A_546 = tpu.vector_load_idx %arg12[%add3A_496, %broadcast_in_dim3A_545] : memref<800x33xf32, #tpu.memory_space<vmem>>[vector<16xi32>, vector<16xi32>], vector<16xf32>,
          %gather3A_547 = tpu.vector_load_idx %arg8[%get3A_503, %broadcast_in_dim3A_545] : memref<1000x33xf32, #tpu.memory_space<vmem>>[vector<16xi32>, vector<16xi32>], vector<16xf32>,
          %mul3A_548 = arith.mulf %gather3A_546, %gather3A_547 : vector<16xf32>
          %add3A_549 = arith.addf %add3A_543, %mul3A_548 : vector<16xf32>
          %broadcast_in_dim3A_550 = arith.constant 8 : i32
          %broadcast_in_dim3A_551 = vector.broadcast %broadcast_in_dim3A_550 : i32 to vector<16xi32>
          %gather3A_552 = tpu.vector_load_idx %arg12[%add3A_496, %broadcast_in_dim3A_551] : memref<800x33xf32, #tpu.memory_space<vmem>>[vector<16xi32>, vector<16xi32>], vector<16xf32>,
          %gather3A_553 = tpu.vector_load_idx %arg8[%get3A_503, %broadcast_in_dim3A_551] : memref<1000x33xf32, #tpu.memory_space<vmem>>[vector<16xi32>, vector<16xi32>], vector<16xf32>,
          %mul3A_554 = arith.mulf %gather3A_552, %gather3A_553 : vector<16xf32>
          %add3A_555 = arith.addf %add3A_549, %mul3A_554 : vector<16xf32>
          %broadcast_in_dim3A_556 = arith.constant 9 : i32
          %broadcast_in_dim3A_557 = vector.broadcast %broadcast_in_dim3A_556 : i32 to vector<16xi32>
          %gather3A_558 = tpu.vector_load_idx %arg12[%add3A_496, %broadcast_in_dim3A_557] : memref<800x33xf32, #tpu.memory_space<vmem>>[vector<16xi32>, vector<16xi32>], vector<16xf32>,
          %gather3A_559 = tpu.vector_load_idx %arg8[%get3A_503, %broadcast_in_dim3A_557] : memref<1000x33xf32, #tpu.memory_space<vmem>>[vector<16xi32>, vector<16xi32>], vector<16xf32>,
          %mul3A_560 = arith.mulf %gather3A_558, %gather3A_559 : vector<16xf32>
          %add3A_561 = arith.addf %add3A_555, %mul3A_560 : vector<16xf32>
          %broadcast_in_dim3A_562 = arith.constant 10 : i32
          %broadcast_in_dim3A_563 = vector.broadcast %broadcast_in_dim3A_562 : i32 to vector<16xi32>
          %gather3A_564 = tpu.vector_load_idx %arg12[%add3A_496, %broadcast_in_dim3A_563] : memref<800x33xf32, #tpu.memory_space<vmem>>[vector<16xi32>, vector<16xi32>], vector<16xf32>,
          %gather3A_565 = tpu.vector_load_idx %arg8[%get3A_503, %broadcast_in_dim3A_563] : memref<1000x33xf32, #tpu.memory_space<vmem>>[vector<16xi32>, vector<16xi32>], vector<16xf32>,
          %mul3A_566 = arith.mulf %gather3A_564, %gather3A_565 : vector<16xf32>
          %add3A_567 = arith.addf %add3A_561, %mul3A_566 : vector<16xf32>
          %broadcast_in_dim3A_568 = arith.constant 11 : i32
          %broadcast_in_dim3A_569 = vector.broadcast %broadcast_in_dim3A_568 : i32 to vector<16xi32>
          %gather3A_570 = tpu.vector_load_idx %arg12[%add3A_496, %broadcast_in_dim3A_569] : memref<800x33xf32, #tpu.memory_space<vmem>>[vector<16xi32>, vector<16xi32>], vector<16xf32>,
          %gather3A_571 = tpu.vector_load_idx %arg8[%get3A_503, %broadcast_in_dim3A_569] : memref<1000x33xf32, #tpu.memory_space<vmem>>[vector<16xi32>, vector<16xi32>], vector<16xf32>,
          %mul3A_572 = arith.mulf %gather3A_570, %gather3A_571 : vector<16xf32>
          %add3A_573 = arith.addf %add3A_567, %mul3A_572 : vector<16xf32>
          %broadcast_in_dim3A_574 = arith.constant 12 : i32
          %broadcast_in_dim3A_575 = vector.broadcast %broadcast_in_dim3A_574 : i32 to vector<16xi32>
          %gather3A_576 = tpu.vector_load_idx %arg12[%add3A_496, %broadcast_in_dim3A_575] : memref<800x33xf32, #tpu.memory_space<vmem>>[vector<16xi32>, vector<16xi32>], vector<16xf32>,
          %gather3A_577 = tpu.vector_load_idx %arg8[%get3A_503, %broadcast_in_dim3A_575] : memref<1000x33xf32, #tpu.memory_space<vmem>>[vector<16xi32>, vector<16xi32>], vector<16xf32>,
          %mul3A_578 = arith.mulf %gather3A_576, %gather3A_577 : vector<16xf32>
          %add3A_579 = arith.addf %add3A_573, %mul3A_578 : vector<16xf32>
          %broadcast_in_dim3A_580 = arith.constant 13 : i32
          %broadcast_in_dim3A_581 = vector.broadcast %broadcast_in_dim3A_580 : i32 to vector<16xi32>
          %gather3A_582 = tpu.vector_load_idx %arg12[%add3A_496, %broadcast_in_dim3A_581] : memref<800x33xf32, #tpu.memory_space<vmem>>[vector<16xi32>, vector<16xi32>], vector<16xf32>,
          %gather3A_583 = tpu.vector_load_idx %arg8[%get3A_503, %broadcast_in_dim3A_581] : memref<1000x33xf32, #tpu.memory_space<vmem>>[vector<16xi32>, vector<16xi32>], vector<16xf32>,
          %mul3A_584 = arith.mulf %gather3A_582, %gather3A_583 : vector<16xf32>
          %add3A_585 = arith.addf %add3A_579, %mul3A_584 : vector<16xf32>
          %broadcast_in_dim3A_586 = arith.constant 14 : i32
          %broadcast_in_dim3A_587 = vector.broadcast %broadcast_in_dim3A_586 : i32 to vector<16xi32>
          %gather3A_588 = tpu.vector_load_idx %arg12[%add3A_496, %broadcast_in_dim3A_587] : memref<800x33xf32, #tpu.memory_space<vmem>>[vector<16xi32>, vector<16xi32>], vector<16xf32>,
          %gather3A_589 = tpu.vector_load_idx %arg8[%get3A_503, %broadcast_in_dim3A_587] : memref<1000x33xf32, #tpu.memory_space<vmem>>[vector<16xi32>, vector<16xi32>], vector<16xf32>,
          %mul3A_590 = arith.mulf %gather3A_588, %gather3A_589 : vector<16xf32>
          %add3A_591 = arith.addf %add3A_585, %mul3A_590 : vector<16xf32>
          %broadcast_in_dim3A_592 = arith.constant 15 : i32
          %broadcast_in_dim3A_593 = vector.broadcast %broadcast_in_dim3A_592 : i32 to vector<16xi32>
          %gather3A_594 = tpu.vector_load_idx %arg12[%add3A_496, %broadcast_in_dim3A_593] : memref<800x33xf32, #tpu.memory_space<vmem>>[vector<16xi32>, vector<16xi32>], vector<16xf32>,
          %gather3A_595 = tpu.vector_load_idx %arg8[%get3A_503, %broadcast_in_dim3A_593] : memref<1000x33xf32, #tpu.memory_space<vmem>>[vector<16xi32>, vector<16xi32>], vector<16xf32>,
          %mul3A_596 = arith.mulf %gather3A_594, %gather3A_595 : vector<16xf32>
          %add3A_597 = arith.addf %add3A_591, %mul3A_596 : vector<16xf32>
          %broadcast_in_dim3A_598 = arith.constant 16 : i32
          %broadcast_in_dim3A_599 = vector.broadcast %broadcast_in_dim3A_598 : i32 to vector<16xi32>
          %gather3A_600 = tpu.vector_load_idx %arg12[%add3A_496, %broadcast_in_dim3A_599] : memref<800x33xf32, #tpu.memory_space<vmem>>[vector<16xi32>, vector<16xi32>], vector<16xf32>,
          %gather3A_601 = tpu.vector_load_idx %arg8[%get3A_503, %broadcast_in_dim3A_599] : memref<1000x33xf32, #tpu.memory_space<vmem>>[vector<16xi32>, vector<16xi32>], vector<16xf32>,
          %mul3A_602 = arith.mulf %gather3A_600, %gather3A_601 : vector<16xf32>
          %add3A_603 = arith.addf %add3A_597, %mul3A_602 : vector<16xf32>
          %broadcast_in_dim3A_604 = arith.constant 17 : i32
          %broadcast_in_dim3A_605 = vector.broadcast %broadcast_in_dim3A_604 : i32 to vector<16xi32>
          %gather3A_606 = tpu.vector_load_idx %arg12[%add3A_496, %broadcast_in_dim3A_605] : memref<800x33xf32, #tpu.memory_space<vmem>>[vector<16xi32>, vector<16xi32>], vector<16xf32>,
          %gather3A_607 = tpu.vector_load_idx %arg8[%get3A_503, %broadcast_in_dim3A_605] : memref<1000x33xf32, #tpu.memory_space<vmem>>[vector<16xi32>, vector<16xi32>], vector<16xf32>,
          %mul3A_608 = arith.mulf %gather3A_606, %gather3A_607 : vector<16xf32>
          %add3A_609 = arith.addf %add3A_603, %mul3A_608 : vector<16xf32>
          %broadcast_in_dim3A_610 = arith.constant 18 : i32
          %broadcast_in_dim3A_611 = vector.broadcast %broadcast_in_dim3A_610 : i32 to vector<16xi32>
          %gather3A_612 = tpu.vector_load_idx %arg12[%add3A_496, %broadcast_in_dim3A_611] : memref<800x33xf32, #tpu.memory_space<vmem>>[vector<16xi32>, vector<16xi32>], vector<16xf32>,
          %gather3A_613 = tpu.vector_load_idx %arg8[%get3A_503, %broadcast_in_dim3A_611] : memref<1000x33xf32, #tpu.memory_space<vmem>>[vector<16xi32>, vector<16xi32>], vector<16xf32>,
          %mul3A_614 = arith.mulf %gather3A_612, %gather3A_613 : vector<16xf32>
          %add3A_615 = arith.addf %add3A_609, %mul3A_614 : vector<16xf32>
          %broadcast_in_dim3A_616 = arith.constant 19 : i32
          %broadcast_in_dim3A_617 = vector.broadcast %broadcast_in_dim3A_616 : i32 to vector<16xi32>
          %gather3A_618 = tpu.vector_load_idx %arg12[%add3A_496, %broadcast_in_dim3A_617] : memref<800x33xf32, #tpu.memory_space<vmem>>[vector<16xi32>, vector<16xi32>], vector<16xf32>,
          %gather3A_619 = tpu.vector_load_idx %arg8[%get3A_503, %broadcast_in_dim3A_617] : memref<1000x33xf32, #tpu.memory_space<vmem>>[vector<16xi32>, vector<16xi32>], vector<16xf32>,
          %mul3A_620 = arith.mulf %gather3A_618, %gather3A_619 : vector<16xf32>
          %add3A_621 = arith.addf %add3A_615, %mul3A_620 : vector<16xf32>
          %broadcast_in_dim3A_622 = arith.constant 20 : i32
          %broadcast_in_dim3A_623 = vector.broadcast %broadcast_in_dim3A_622 : i32 to vector<16xi32>
          %gather3A_624 = tpu.vector_load_idx %arg12[%add3A_496, %broadcast_in_dim3A_623] : memref<800x33xf32, #tpu.memory_space<vmem>>[vector<16xi32>, vector<16xi32>], vector<16xf32>,
          %gather3A_625 = tpu.vector_load_idx %arg8[%get3A_503, %broadcast_in_dim3A_623] : memref<1000x33xf32, #tpu.memory_space<vmem>>[vector<16xi32>, vector<16xi32>], vector<16xf32>,
          %mul3A_626 = arith.mulf %gather3A_624, %gather3A_625 : vector<16xf32>
          %add3A_627 = arith.addf %add3A_621, %mul3A_626 : vector<16xf32>
          %broadcast_in_dim3A_628 = arith.constant 21 : i32
          %broadcast_in_dim3A_629 = vector.broadcast %broadcast_in_dim3A_628 : i32 to vector<16xi32>
          %gather3A_630 = tpu.vector_load_idx %arg12[%add3A_496, %broadcast_in_dim3A_629] : memref<800x33xf32, #tpu.memory_space<vmem>>[vector<16xi32>, vector<16xi32>], vector<16xf32>,
          %gather3A_631 = tpu.vector_load_idx %arg8[%get3A_503, %broadcast_in_dim3A_629] : memref<1000x33xf32, #tpu.memory_space<vmem>>[vector<16xi32>, vector<16xi32>], vector<16xf32>,
          %mul3A_632 = arith.mulf %gather3A_630, %gather3A_631 : vector<16xf32>
          %add3A_633 = arith.addf %add3A_627, %mul3A_632 : vector<16xf32>
          %broadcast_in_dim3A_634 = arith.constant 22 : i32
          %broadcast_in_dim3A_635 = vector.broadcast %broadcast_in_dim3A_634 : i32 to vector<16xi32>
          %gather3A_636 = tpu.vector_load_idx %arg12[%add3A_496, %broadcast_in_dim3A_635] : memref<800x33xf32, #tpu.memory_space<vmem>>[vector<16xi32>, vector<16xi32>], vector<16xf32>,
          %gather3A_637 = tpu.vector_load_idx %arg8[%get3A_503, %broadcast_in_dim3A_635] : memref<1000x33xf32, #tpu.memory_space<vmem>>[vector<16xi32>, vector<16xi32>], vector<16xf32>,
          %mul3A_638 = arith.mulf %gather3A_636, %gather3A_637 : vector<16xf32>
          %add3A_639 = arith.addf %add3A_633, %mul3A_638 : vector<16xf32>
          %broadcast_in_dim3A_640 = arith.constant 23 : i32
          %broadcast_in_dim3A_641 = vector.broadcast %broadcast_in_dim3A_640 : i32 to vector<16xi32>
          %gather3A_642 = tpu.vector_load_idx %arg12[%add3A_496, %broadcast_in_dim3A_641] : memref<800x33xf32, #tpu.memory_space<vmem>>[vector<16xi32>, vector<16xi32>], vector<16xf32>,
          %gather3A_643 = tpu.vector_load_idx %arg8[%get3A_503, %broadcast_in_dim3A_641] : memref<1000x33xf32, #tpu.memory_space<vmem>>[vector<16xi32>, vector<16xi32>], vector<16xf32>,
          %mul3A_644 = arith.mulf %gather3A_642, %gather3A_643 : vector<16xf32>
          %add3A_645 = arith.addf %add3A_639, %mul3A_644 : vector<16xf32>
          %broadcast_in_dim3A_646 = arith.constant 24 : i32
          %broadcast_in_dim3A_647 = vector.broadcast %broadcast_in_dim3A_646 : i32 to vector<16xi32>
          %gather3A_648 = tpu.vector_load_idx %arg12[%add3A_496, %broadcast_in_dim3A_647] : memref<800x33xf32, #tpu.memory_space<vmem>>[vector<16xi32>, vector<16xi32>], vector<16xf32>,
          %gather3A_649 = tpu.vector_load_idx %arg8[%get3A_503, %broadcast_in_dim3A_647] : memref<1000x33xf32, #tpu.memory_space<vmem>>[vector<16xi32>, vector<16xi32>], vector<16xf32>,
          %mul3A_650 = arith.mulf %gather3A_648, %gather3A_649 : vector<16xf32>
          %add3A_651 = arith.addf %add3A_645, %mul3A_650 : vector<16xf32>
          %broadcast_in_dim3A_652 = arith.constant 25 : i32
          %broadcast_in_dim3A_653 = vector.broadcast %broadcast_in_dim3A_652 : i32 to vector<16xi32>
          %gather3A_654 = tpu.vector_load_idx %arg12[%add3A_496, %broadcast_in_dim3A_653] : memref<800x33xf32, #tpu.memory_space<vmem>>[vector<16xi32>, vector<16xi32>], vector<16xf32>,
          %gather3A_655 = tpu.vector_load_idx %arg8[%get3A_503, %broadcast_in_dim3A_653] : memref<1000x33xf32, #tpu.memory_space<vmem>>[vector<16xi32>, vector<16xi32>], vector<16xf32>,
          %mul3A_656 = arith.mulf %gather3A_654, %gather3A_655 : vector<16xf32>
          %add3A_657 = arith.addf %add3A_651, %mul3A_656 : vector<16xf32>
          %broadcast_in_dim3A_658 = arith.constant 26 : i32
          %broadcast_in_dim3A_659 = vector.broadcast %broadcast_in_dim3A_658 : i32 to vector<16xi32>
          %gather3A_660 = tpu.vector_load_idx %arg12[%add3A_496, %broadcast_in_dim3A_659] : memref<800x33xf32, #tpu.memory_space<vmem>>[vector<16xi32>, vector<16xi32>], vector<16xf32>,
          %gather3A_661 = tpu.vector_load_idx %arg8[%get3A_503, %broadcast_in_dim3A_659] : memref<1000x33xf32, #tpu.memory_space<vmem>>[vector<16xi32>, vector<16xi32>], vector<16xf32>,
          %mul3A_662 = arith.mulf %gather3A_660, %gather3A_661 : vector<16xf32>
          %add3A_663 = arith.addf %add3A_657, %mul3A_662 : vector<16xf32>
          %broadcast_in_dim3A_664 = arith.constant 27 : i32
          %broadcast_in_dim3A_665 = vector.broadcast %broadcast_in_dim3A_664 : i32 to vector<16xi32>
          %gather3A_666 = tpu.vector_load_idx %arg12[%add3A_496, %broadcast_in_dim3A_665] : memref<800x33xf32, #tpu.memory_space<vmem>>[vector<16xi32>, vector<16xi32>], vector<16xf32>,
          %gather3A_667 = tpu.vector_load_idx %arg8[%get3A_503, %broadcast_in_dim3A_665] : memref<1000x33xf32, #tpu.memory_space<vmem>>[vector<16xi32>, vector<16xi32>], vector<16xf32>,
          %mul3A_668 = arith.mulf %gather3A_666, %gather3A_667 : vector<16xf32>
          %add3A_669 = arith.addf %add3A_663, %mul3A_668 : vector<16xf32>
          %broadcast_in_dim3A_670 = arith.constant 28 : i32
          %broadcast_in_dim3A_671 = vector.broadcast %broadcast_in_dim3A_670 : i32 to vector<16xi32>
          %gather3A_672 = tpu.vector_load_idx %arg12[%add3A_496, %broadcast_in_dim3A_671] : memref<800x33xf32, #tpu.memory_space<vmem>>[vector<16xi32>, vector<16xi32>], vector<16xf32>,
          %gather3A_673 = tpu.vector_load_idx %arg8[%get3A_503, %broadcast_in_dim3A_671] : memref<1000x33xf32, #tpu.memory_space<vmem>>[vector<16xi32>, vector<16xi32>], vector<16xf32>,
          %mul3A_674 = arith.mulf %gather3A_672, %gather3A_673 : vector<16xf32>
          %add3A_675 = arith.addf %add3A_669, %mul3A_674 : vector<16xf32>
          %broadcast_in_dim3A_676 = arith.constant 29 : i32
          %broadcast_in_dim3A_677 = vector.broadcast %broadcast_in_dim3A_676 : i32 to vector<16xi32>
          %gather3A_678 = tpu.vector_load_idx %arg12[%add3A_496, %broadcast_in_dim3A_677] : memref<800x33xf32, #tpu.memory_space<vmem>>[vector<16xi32>, vector<16xi32>], vector<16xf32>,
          %gather3A_679 = tpu.vector_load_idx %arg8[%get3A_503, %broadcast_in_dim3A_677] : memref<1000x33xf32, #tpu.memory_space<vmem>>[vector<16xi32>, vector<16xi32>], vector<16xf32>,
          %mul3A_680 = arith.mulf %gather3A_678, %gather3A_679 : vector<16xf32>
          %add3A_681 = arith.addf %add3A_675, %mul3A_680 : vector<16xf32>
          %broadcast_in_dim3A_682 = arith.constant 30 : i32
          %broadcast_in_dim3A_683 = vector.broadcast %broadcast_in_dim3A_682 : i32 to vector<16xi32>
          %gather3A_684 = tpu.vector_load_idx %arg12[%add3A_496, %broadcast_in_dim3A_683] : memref<800x33xf32, #tpu.memory_space<vmem>>[vector<16xi32>, vector<16xi32>], vector<16xf32>,
          %gather3A_685 = tpu.vector_load_idx %arg8[%get3A_503, %broadcast_in_dim3A_683] : memref<1000x33xf32, #tpu.memory_space<vmem>>[vector<16xi32>, vector<16xi32>], vector<16xf32>,
          %mul3A_686 = arith.mulf %gather3A_684, %gather3A_685 : vector<16xf32>
          %add3A_687 = arith.addf %add3A_681, %mul3A_686 : vector<16xf32>
          %broadcast_in_dim3A_688 = arith.constant 31 : i32
          %broadcast_in_dim3A_689 = vector.broadcast %broadcast_in_dim3A_688 : i32 to vector<16xi32>
          %gather3A_690 = tpu.vector_load_idx %arg12[%add3A_496, %broadcast_in_dim3A_689] : memref<800x33xf32, #tpu.memory_space<vmem>>[vector<16xi32>, vector<16xi32>], vector<16xf32>,
          %gather3A_691 = tpu.vector_load_idx %arg8[%get3A_503, %broadcast_in_dim3A_689] : memref<1000x33xf32, #tpu.memory_space<vmem>>[vector<16xi32>, vector<16xi32>], vector<16xf32>,
          %mul3A_692 = arith.mulf %gather3A_690, %gather3A_691 : vector<16xf32>
          %add3A_693 = arith.addf %add3A_687, %mul3A_692 : vector<16xf32>
          %mul3A_694 = arith.constant 16 : i32
          %mul3A_695 = arith.muli %scan3A_492, %mul3A_694 : i32
          %swap3A = arith.constant 0 : i32
          %swap3A_696 = tpu.memref_slice %arg13[%scan3A_467, %swap3A] : memref<2x800xf32, #tpu.memory_space<vmem>> -> memref<1x800xf32, #tpu.memory_space<vmem>>
          %swap3A_697 = tpu.memref_squeeze %swap3A_696 : memref<1x800xf32, #tpu.memory_space<vmem>> -> memref<800xf32, #tpu.memory_space<vmem>>
          %swap3A_698 = arith.index_cast %mul3A_695 : i32 to index
          %swap3A_699 = tpu.vector_load %swap3A_697[%swap3A_698] {strides = array<i32>} : memref<800xf32, #tpu.memory_space<vmem>>, vector<16xf32>,
          tpu.vector_store %swap3A_697[%swap3A_698], %add3A_693 {strides = array<i32>} : memref<800xf32, #tpu.memory_space<vmem>>, vector<16xf32>,
        }
        %scan3A_472 = arith.constant 50 : i32
        %add3A_473 = arith.constant 64 : i32
        %add3A_474 = arith.addi %add3A_415, %add3A_473 : i32
        %lt3A_475 = arith.constant 625 : i32
        %lt3A_476 = arith.cmpi slt, %add3A_474, %lt3A_475 : i32
        %convert_element_type3A_477 = arith.extui %lt3A_476 : i1 to i32
        %cond3A_478 = arith.constant 0 : i32
        %cond3A_479 = arith.cmpi ne, %convert_element_type3A_477, %cond3A_478 : i32
        scf.if %cond3A_479 {
          %add3A_492 = arith.constant 64 : i32
          %add3A_493 = arith.addi %add3A_415, %add3A_492 : i32
          %mul3A_494 = arith.constant 800 : i32
          %mul3A_495 = arith.muli %add3A_493, %mul3A_494 : i32
          %multiple_of3A_496 = tpu.assume_multiple %mul3A_495, 8 : i32
          %dma_start3A_497 = arith.constant 0 : i32
          %dma_start3A_498 = arith.constant 0 : i32
          %dma_start3A_499 = tpu.memref_slice %arg9[%dma_start3A_497, %dma_start3A_498] : memref<2x800xi32, #tpu.memory_space<vmem>> -> memref<1x800xi32, #tpu.memory_space<vmem>>
          %dma_start3A_500 = tpu.memref_squeeze %dma_start3A_499 : memref<1x800xi32, #tpu.memory_space<vmem>> -> memref<800xi32, #tpu.memory_space<vmem>>
          %dma_start3A_501 = tpu.memref_slice %arg5[%multiple_of3A_496] : memref<500000xi32, #tpu.memory_space<hbm>> -> memref<800xi32, #tpu.memory_space<hbm>>
          %dma_start3A_502 = arith.constant 0 : i32
          %dma_start3A_503 = tpu.memref_slice %arg9[%dma_start3A_497, %dma_start3A_502] : memref<2x800xi32, #tpu.memory_space<vmem>> -> memref<1x800xi32, #tpu.memory_space<vmem>>
          %dma_start3A_504 = tpu.memref_squeeze %dma_start3A_503 : memref<1x800xi32, #tpu.memory_space<vmem>> -> memref<800xi32, #tpu.memory_space<vmem>>
          %dma_start3A_505 = tpu.memref_slice %arg5[%multiple_of3A_496] : memref<500000xi32, #tpu.memory_space<hbm>> -> memref<800xi32, #tpu.memory_space<hbm>>
          tpu.enqueue_dma source(%dma_start3A_505 : memref<800xi32, #tpu.memory_space<hbm>>) target(%dma_start3A_504 : memref<800xi32, #tpu.memory_space<vmem>>) target_semaphore(%arg17 : memref<!tpu.dma_semaphore, #tpu.memory_space<semaphore_mem>>)
          %dma_start3A_506 = arith.constant 0 : i32
          %dma_start3A_507 = arith.constant 0 : i32
          %dma_start3A_508 = tpu.memref_slice %arg10[%dma_start3A_506, %dma_start3A_507] : memref<2x800xi32, #tpu.memory_space<vmem>> -> memref<1x800xi32, #tpu.memory_space<vmem>>
          %dma_start3A_509 = tpu.memref_squeeze %dma_start3A_508 : memref<1x800xi32, #tpu.memory_space<vmem>> -> memref<800xi32, #tpu.memory_space<vmem>>
          %dma_start3A_510 = tpu.memref_slice %arg6[%multiple_of3A_496] : memref<500000xi32, #tpu.memory_space<hbm>> -> memref<800xi32, #tpu.memory_space<hbm>>
          %dma_start3A_511 = arith.constant 0 : i32
          %dma_start3A_512 = tpu.memref_slice %arg10[%dma_start3A_506, %dma_start3A_511] : memref<2x800xi32, #tpu.memory_space<vmem>> -> memref<1x800xi32, #tpu.memory_space<vmem>>
          %dma_start3A_513 = tpu.memref_squeeze %dma_start3A_512 : memref<1x800xi32, #tpu.memory_space<vmem>> -> memref<800xi32, #tpu.memory_space<vmem>>
          %dma_start3A_514 = tpu.memref_slice %arg6[%multiple_of3A_496] : memref<500000xi32, #tpu.memory_space<hbm>> -> memref<800xi32, #tpu.memory_space<hbm>>
          tpu.enqueue_dma source(%dma_start3A_514 : memref<800xi32, #tpu.memory_space<hbm>>) target(%dma_start3A_513 : memref<800xi32, #tpu.memory_space<vmem>>) target_semaphore(%arg17 : memref<!tpu.dma_semaphore, #tpu.memory_space<semaphore_mem>>)
        } else {
        }
        %mul3A_480 = arith.constant 800 : i32
        %mul3A_481 = arith.muli %add3A_415, %mul3A_480 : i32
        %multiple_of3A_482 = tpu.assume_multiple %mul3A_481, 8 : i32
        %dma_start3A_483 = arith.constant 0 : i32
        %dma_start3A_484 = arith.constant 0 : i32
        %dma_start3A_485 = tpu.memref_slice %arg13[%dma_start3A_483, %dma_start3A_484] : memref<2x800xf32, #tpu.memory_space<vmem>> -> memref<1x800xf32, #tpu.memory_space<vmem>>
        %dma_start3A_486 = tpu.memref_squeeze %dma_start3A_485 : memref<1x800xf32, #tpu.memory_space<vmem>> -> memref<800xf32, #tpu.memory_space<vmem>>
        %dma_start3A_487 = tpu.memref_slice %arg7[%multiple_of3A_482] : memref<500000xf32, #tpu.memory_space<hbm>> -> memref<800xf32, #tpu.memory_space<hbm>>
        %dma_start3A_488 = tpu.memref_slice %arg7[%multiple_of3A_482] : memref<500000xf32, #tpu.memory_space<hbm>> -> memref<800xf32, #tpu.memory_space<hbm>>
        %dma_start3A_489 = arith.constant 0 : i32
        %dma_start3A_490 = tpu.memref_slice %arg13[%dma_start3A_483, %dma_start3A_489] : memref<2x800xf32, #tpu.memory_space<vmem>> -> memref<1x800xf32, #tpu.memory_space<vmem>>
        %dma_start3A_491 = tpu.memref_squeeze %dma_start3A_490 : memref<1x800xf32, #tpu.memory_space<vmem>> -> memref<800xf32, #tpu.memory_space<vmem>>
        tpu.enqueue_dma source(%dma_start3A_491 : memref<800xf32, #tpu.memory_space<vmem>>) target(%dma_start3A_488 : memref<800xf32, #tpu.memory_space<hbm>>) target_semaphore(%arg19 : memref<!tpu.dma_semaphore, #tpu.memory_space<semaphore_mem>>)
      } else {
      }
      %mul3A_421 = arith.constant 2 : i32
      %mul3A_422 = arith.muli %mul3A_421, %scan3A_408 : i32
      %add3A_423 = arith.constant 1 : i32
      %add3A_424 = arith.addi %mul3A_422, %add3A_423 : i32
      %mul3A_425 = arith.constant 32 : i32
      %mul3A_426 = arith.muli %add3A_424, %mul3A_425 : i32
      %add3A_427 = arith.addi %add3A, %mul3A_426 : i32
      %lt3A_428 = arith.constant 625 : i32
      %lt3A_429 = arith.cmpi slt, %add3A_427, %lt3A_428 : i32
      %convert_element_type3A_430 = arith.extui %lt3A_429 : i1 to i32
      %cond3A_431 = arith.constant 0 : i32
      %cond3A_432 = arith.cmpi ne, %convert_element_type3A_430, %cond3A_431 : i32
      scf.if %cond3A_432 {
        %dma_wait3A_433 = arith.constant 1 : i32
        %dma_wait3A_434 = arith.constant 0 : i32
        %dma_wait3A_435 = arith.constant 0 : i32
        %dma_wait3A_436 = tpu.memref_slice %arg11[%dma_wait3A_433, %dma_wait3A_434, %dma_wait3A_435] : memref<2x800x32xf32, #tpu.memory_space<vmem>> -> memref<1x800x32xf32, #tpu.memory_space<vmem>>
        %dma_wait3A_437 = tpu.memref_squeeze %dma_wait3A_436 : memref<1x800x32xf32, #tpu.memory_space<vmem>> -> memref<800x32xf32, #tpu.memory_space<vmem>>
        %dma_wait3A_438 = arith.constant 0 : i32
        %dma_wait3A_439 = arith.constant 0 : i32
        %dma_wait3A_440 = tpu.memref_slice %arg2[%dma_wait3A_438, %dma_wait3A_439] : memref<100000x32xf32, #tpu.memory_space<hbm>> -> memref<800x32xf32, #tpu.memory_space<hbm>>
        %dma_wait3A_441 = arith.constant 0 : i32
        %dma_wait3A_442 = arith.constant 0 : i32
        %dma_wait3A_443 = tpu.memref_slice %arg11[%dma_wait3A_433, %dma_wait3A_441, %dma_wait3A_442] : memref<2x800x32xf32, #tpu.memory_space<vmem>> -> memref<1x800x32xf32, #tpu.memory_space<vmem>>
        %dma_wait3A_444 = tpu.memref_squeeze %dma_wait3A_443 : memref<1x800x32xf32, #tpu.memory_space<vmem>> -> memref<800x32xf32, #tpu.memory_space<vmem>>
        %dma_wait3A_445 = arith.constant 0 : i32
        %dma_wait3A_446 = arith.constant 0 : i32
        %dma_wait3A_447 = tpu.memref_slice %arg2[%dma_wait3A_445, %dma_wait3A_446] : memref<100000x32xf32, #tpu.memory_space<hbm>> -> memref<800x32xf32, #tpu.memory_space<hbm>>
        tpu.wait_dma2 semaphore(%arg16 : memref<!tpu.dma_semaphore, #tpu.memory_space<semaphore_mem>>) src(%dma_wait3A_447 : memref<800x32xf32, #tpu.memory_space<hbm>>) dst(%dma_wait3A_444 : memref<800x32xf32, #tpu.memory_space<vmem>>)
        %add3A_448 = arith.constant 32 : i32
        %add3A_449 = arith.addi %add3A_427, %add3A_448 : i32
        %lt3A_450 = arith.constant 625 : i32
        %lt3A_451 = arith.cmpi slt, %add3A_449, %lt3A_450 : i32
        %convert_element_type3A_452 = arith.extui %lt3A_451 : i1 to i32
        %cond3A_453 = arith.constant 0 : i32
        %cond3A_454 = arith.cmpi ne, %convert_element_type3A_452, %cond3A_453 : i32
        scf.if %cond3A_454 {
          %dma_wait3A_492 = arith.constant 0 : i32
          %dma_wait3A_493 = arith.constant 0 : i32
          %dma_wait3A_494 = tpu.memref_slice %arg9[%dma_wait3A_492, %dma_wait3A_493] : memref<2x800xi32, #tpu.memory_space<vmem>> -> memref<1x800xi32, #tpu.memory_space<vmem>>
          %dma_wait3A_495 = tpu.memref_squeeze %dma_wait3A_494 : memref<1x800xi32, #tpu.memory_space<vmem>> -> memref<800xi32, #tpu.memory_space<vmem>>
          %dma_wait3A_496 = arith.constant 0 : i32
          %dma_wait3A_497 = tpu.memref_slice %arg5[%dma_wait3A_496] : memref<500000xi32, #tpu.memory_space<hbm>> -> memref<800xi32, #tpu.memory_space<hbm>>
          %dma_wait3A_498 = arith.constant 0 : i32
          %dma_wait3A_499 = tpu.memref_slice %arg9[%dma_wait3A_492, %dma_wait3A_498] : memref<2x800xi32, #tpu.memory_space<vmem>> -> memref<1x800xi32, #tpu.memory_space<vmem>>
          %dma_wait3A_500 = tpu.memref_squeeze %dma_wait3A_499 : memref<1x800xi32, #tpu.memory_space<vmem>> -> memref<800xi32, #tpu.memory_space<vmem>>
          %dma_wait3A_501 = arith.constant 0 : i32
          %dma_wait3A_502 = tpu.memref_slice %arg5[%dma_wait3A_501] : memref<500000xi32, #tpu.memory_space<hbm>> -> memref<800xi32, #tpu.memory_space<hbm>>
          tpu.wait_dma2 semaphore(%arg17 : memref<!tpu.dma_semaphore, #tpu.memory_space<semaphore_mem>>) src(%dma_wait3A_502 : memref<800xi32, #tpu.memory_space<hbm>>) dst(%dma_wait3A_500 : memref<800xi32, #tpu.memory_space<vmem>>)
          %dma_wait3A_503 = arith.constant 0 : i32
          %dma_wait3A_504 = arith.constant 0 : i32
          %dma_wait3A_505 = tpu.memref_slice %arg10[%dma_wait3A_503, %dma_wait3A_504] : memref<2x800xi32, #tpu.memory_space<vmem>> -> memref<1x800xi32, #tpu.memory_space<vmem>>
          %dma_wait3A_506 = tpu.memref_squeeze %dma_wait3A_505 : memref<1x800xi32, #tpu.memory_space<vmem>> -> memref<800xi32, #tpu.memory_space<vmem>>
          %dma_wait3A_507 = arith.constant 0 : i32
          %dma_wait3A_508 = tpu.memref_slice %arg6[%dma_wait3A_507] : memref<500000xi32, #tpu.memory_space<hbm>> -> memref<800xi32, #tpu.memory_space<hbm>>
          %dma_wait3A_509 = arith.constant 0 : i32
          %dma_wait3A_510 = tpu.memref_slice %arg10[%dma_wait3A_503, %dma_wait3A_509] : memref<2x800xi32, #tpu.memory_space<vmem>> -> memref<1x800xi32, #tpu.memory_space<vmem>>
          %dma_wait3A_511 = tpu.memref_squeeze %dma_wait3A_510 : memref<1x800xi32, #tpu.memory_space<vmem>> -> memref<800xi32, #tpu.memory_space<vmem>>
          %dma_wait3A_512 = arith.constant 0 : i32
          %dma_wait3A_513 = tpu.memref_slice %arg6[%dma_wait3A_512] : memref<500000xi32, #tpu.memory_space<hbm>> -> memref<800xi32, #tpu.memory_space<hbm>>
          tpu.wait_dma2 semaphore(%arg17 : memref<!tpu.dma_semaphore, #tpu.memory_space<semaphore_mem>>) src(%dma_wait3A_513 : memref<800xi32, #tpu.memory_space<hbm>>) dst(%dma_wait3A_511 : memref<800xi32, #tpu.memory_space<vmem>>)
          %dma_start3A_514 = arith.constant 0 : i32
          %dma_start3A_515 = arith.constant 0 : i32
          %dma_start3A_516 = arith.constant 0 : i32
          %dma_start3A_517 = arith.constant 0 : i32
          %dma_start3A_518 = tpu.memref_slice %arg11[%dma_start3A_515, %dma_start3A_516, %dma_start3A_517] : memref<2x800x32xf32, #tpu.memory_space<vmem>> -> memref<1x80x32xf32, #tpu.memory_space<vmem>>
          %dma_start3A_519 = tpu.memref_squeeze %dma_start3A_518 : memref<1x80x32xf32, #tpu.memory_space<vmem>> -> memref<80x32xf32, #tpu.memory_space<vmem>>
          %dma_start3A_520 = arith.constant 0 : i32
          %dma_start3A_521 = tpu.memref_slice %arg9[%dma_start3A_514, %dma_start3A_520] : memref<2x800xi32, #tpu.memory_space<vmem>> -> memref<1x80xi32, #tpu.memory_space<vmem>>
          %dma_start3A_522 = tpu.memref_squeeze %dma_start3A_521 : memref<1x80xi32, #tpu.memory_space<vmem>> -> memref<80xi32, #tpu.memory_space<vmem>>
          %dma_start3A_523 = arith.constant 0 : i32
          %dma_start3A_524 = arith.constant 0 : i32
          %dma_start3A_525 = tpu.memref_slice %arg2[%dma_start3A_523, %dma_start3A_524] : memref<100000x32xf32, #tpu.memory_space<hbm>> -> memref<100000x32xf32, #tpu.memory_space<hbm>>
          tpu.enqueue_indirect_dma source(%dma_start3A_525 : memref<100000x32xf32, #tpu.memory_space<hbm>>) target(%dma_start3A_519 : memref<80x32xf32, #tpu.memory_space<vmem>>) offsets(%dma_start3A_522 : memref<80xi32, #tpu.memory_space<vmem>>) semaphore(%arg15 : memref<!tpu.dma_semaphore, #tpu.memory_space<semaphore_mem>>)
          %dma_start3A_526 = arith.constant 0 : i32
          %dma_start3A_527 = arith.constant 0 : i32
          %dma_start3A_528 = arith.constant 80 : i32
          %dma_start3A_529 = arith.constant 0 : i32
          %dma_start3A_530 = tpu.memref_slice %arg11[%dma_start3A_527, %dma_start3A_528, %dma_start3A_529] : memref<2x800x32xf32, #tpu.memory_space<vmem>> -> memref<1x80x32xf32, #tpu.memory_space<vmem>>
          %dma_start3A_531 = tpu.memref_squeeze %dma_start3A_530 : memref<1x80x32xf32, #tpu.memory_space<vmem>> -> memref<80x32xf32, #tpu.memory_space<vmem>>
          %dma_start3A_532 = arith.constant 80 : i32
          %dma_start3A_533 = tpu.memref_slice %arg9[%dma_start3A_526, %dma_start3A_532] : memref<2x800xi32, #tpu.memory_space<vmem>> -> memref<1x80xi32, #tpu.memory_space<vmem>>
          %dma_start3A_534 = tpu.memref_squeeze %dma_start3A_533 : memref<1x80xi32, #tpu.memory_space<vmem>> -> memref<80xi32, #tpu.memory_space<vmem>>
          %dma_start3A_535 = arith.constant 0 : i32
          %dma_start3A_536 = arith.constant 0 : i32
          %dma_start3A_537 = tpu.memref_slice %arg2[%dma_start3A_535, %dma_start3A_536] : memref<100000x32xf32, #tpu.memory_space<hbm>> -> memref<100000x32xf32, #tpu.memory_space<hbm>>
          tpu.enqueue_indirect_dma source(%dma_start3A_537 : memref<100000x32xf32, #tpu.memory_space<hbm>>) target(%dma_start3A_531 : memref<80x32xf32, #tpu.memory_space<vmem>>) offsets(%dma_start3A_534 : memref<80xi32, #tpu.memory_space<vmem>>) semaphore(%arg15 : memref<!tpu.dma_semaphore, #tpu.memory_space<semaphore_mem>>)
          %dma_start3A_538 = arith.constant 0 : i32
          %dma_start3A_539 = arith.constant 0 : i32
          %dma_start3A_540 = arith.constant 160 : i32
          %dma_start3A_541 = arith.constant 0 : i32
          %dma_start3A_542 = tpu.memref_slice %arg11[%dma_start3A_539, %dma_start3A_540, %dma_start3A_541] : memref<2x800x32xf32, #tpu.memory_space<vmem>> -> memref<1x80x32xf32, #tpu.memory_space<vmem>>
          %dma_start3A_543 = tpu.memref_squeeze %dma_start3A_542 : memref<1x80x32xf32, #tpu.memory_space<vmem>> -> memref<80x32xf32, #tpu.memory_space<vmem>>
          %dma_start3A_544 = arith.constant 160 : i32
          %dma_start3A_545 = tpu.memref_slice %arg9[%dma_start3A_538, %dma_start3A_544] : memref<2x800xi32, #tpu.memory_space<vmem>> -> memref<1x80xi32, #tpu.memory_space<vmem>>
          %dma_start3A_546 = tpu.memref_squeeze %dma_start3A_545 : memref<1x80xi32, #tpu.memory_space<vmem>> -> memref<80xi32, #tpu.memory_space<vmem>>
          %dma_start3A_547 = arith.constant 0 : i32
          %dma_start3A_548 = arith.constant 0 : i32
          %dma_start3A_549 = tpu.memref_slice %arg2[%dma_start3A_547, %dma_start3A_548] : memref<100000x32xf32, #tpu.memory_space<hbm>> -> memref<100000x32xf32, #tpu.memory_space<hbm>>
          tpu.enqueue_indirect_dma source(%dma_start3A_549 : memref<100000x32xf32, #tpu.memory_space<hbm>>) target(%dma_start3A_543 : memref<80x32xf32, #tpu.memory_space<vmem>>) offsets(%dma_start3A_546 : memref<80xi32, #tpu.memory_space<vmem>>) semaphore(%arg15 : memref<!tpu.dma_semaphore, #tpu.memory_space<semaphore_mem>>)
          %dma_start3A_550 = arith.constant 0 : i32
          %dma_start3A_551 = arith.constant 0 : i32
          %dma_start3A_552 = arith.constant 240 : i32
          %dma_start3A_553 = arith.constant 0 : i32
          %dma_start3A_554 = tpu.memref_slice %arg11[%dma_start3A_551, %dma_start3A_552, %dma_start3A_553] : memref<2x800x32xf32, #tpu.memory_space<vmem>> -> memref<1x80x32xf32, #tpu.memory_space<vmem>>
          %dma_start3A_555 = tpu.memref_squeeze %dma_start3A_554 : memref<1x80x32xf32, #tpu.memory_space<vmem>> -> memref<80x32xf32, #tpu.memory_space<vmem>>
          %dma_start3A_556 = arith.constant 240 : i32
          %dma_start3A_557 = tpu.memref_slice %arg9[%dma_start3A_550, %dma_start3A_556] : memref<2x800xi32, #tpu.memory_space<vmem>> -> memref<1x80xi32, #tpu.memory_space<vmem>>
          %dma_start3A_558 = tpu.memref_squeeze %dma_start3A_557 : memref<1x80xi32, #tpu.memory_space<vmem>> -> memref<80xi32, #tpu.memory_space<vmem>>
          %dma_start3A_559 = arith.constant 0 : i32
          %dma_start3A_560 = arith.constant 0 : i32
          %dma_start3A_561 = tpu.memref_slice %arg2[%dma_start3A_559, %dma_start3A_560] : memref<100000x32xf32, #tpu.memory_space<hbm>> -> memref<100000x32xf32, #tpu.memory_space<hbm>>
          tpu.enqueue_indirect_dma source(%dma_start3A_561 : memref<100000x32xf32, #tpu.memory_space<hbm>>) target(%dma_start3A_555 : memref<80x32xf32, #tpu.memory_space<vmem>>) offsets(%dma_start3A_558 : memref<80xi32, #tpu.memory_space<vmem>>) semaphore(%arg15 : memref<!tpu.dma_semaphore, #tpu.memory_space<semaphore_mem>>)
          %dma_start3A_562 = arith.constant 0 : i32
          %dma_start3A_563 = arith.constant 0 : i32
          %dma_start3A_564 = arith.constant 320 : i32
          %dma_start3A_565 = arith.constant 0 : i32
          %dma_start3A_566 = tpu.memref_slice %arg11[%dma_start3A_563, %dma_start3A_564, %dma_start3A_565] : memref<2x800x32xf32, #tpu.memory_space<vmem>> -> memref<1x80x32xf32, #tpu.memory_space<vmem>>
          %dma_start3A_567 = tpu.memref_squeeze %dma_start3A_566 : memref<1x80x32xf32, #tpu.memory_space<vmem>> -> memref<80x32xf32, #tpu.memory_space<vmem>>
          %dma_start3A_568 = arith.constant 320 : i32
          %dma_start3A_569 = tpu.memref_slice %arg9[%dma_start3A_562, %dma_start3A_568] : memref<2x800xi32, #tpu.memory_space<vmem>> -> memref<1x80xi32, #tpu.memory_space<vmem>>
          %dma_start3A_570 = tpu.memref_squeeze %dma_start3A_569 : memref<1x80xi32, #tpu.memory_space<vmem>> -> memref<80xi32, #tpu.memory_space<vmem>>
          %dma_start3A_571 = arith.constant 0 : i32
          %dma_start3A_572 = arith.constant 0 : i32
          %dma_start3A_573 = tpu.memref_slice %arg2[%dma_start3A_571, %dma_start3A_572] : memref<100000x32xf32, #tpu.memory_space<hbm>> -> memref<100000x32xf32, #tpu.memory_space<hbm>>
          tpu.enqueue_indirect_dma source(%dma_start3A_573 : memref<100000x32xf32, #tpu.memory_space<hbm>>) target(%dma_start3A_567 : memref<80x32xf32, #tpu.memory_space<vmem>>) offsets(%dma_start3A_570 : memref<80xi32, #tpu.memory_space<vmem>>) semaphore(%arg15 : memref<!tpu.dma_semaphore, #tpu.memory_space<semaphore_mem>>)
          %dma_start3A_574 = arith.constant 0 : i32
          %dma_start3A_575 = arith.constant 0 : i32
          %dma_start3A_576 = arith.constant 400 : i32
          %dma_start3A_577 = arith.constant 0 : i32
          %dma_start3A_578 = tpu.memref_slice %arg11[%dma_start3A_575, %dma_start3A_576, %dma_start3A_577] : memref<2x800x32xf32, #tpu.memory_space<vmem>> -> memref<1x80x32xf32, #tpu.memory_space<vmem>>
          %dma_start3A_579 = tpu.memref_squeeze %dma_start3A_578 : memref<1x80x32xf32, #tpu.memory_space<vmem>> -> memref<80x32xf32, #tpu.memory_space<vmem>>
          %dma_start3A_580 = arith.constant 400 : i32
          %dma_start3A_581 = tpu.memref_slice %arg9[%dma_start3A_574, %dma_start3A_580] : memref<2x800xi32, #tpu.memory_space<vmem>> -> memref<1x80xi32, #tpu.memory_space<vmem>>
          %dma_start3A_582 = tpu.memref_squeeze %dma_start3A_581 : memref<1x80xi32, #tpu.memory_space<vmem>> -> memref<80xi32, #tpu.memory_space<vmem>>
          %dma_start3A_583 = arith.constant 0 : i32
          %dma_start3A_584 = arith.constant 0 : i32
          %dma_start3A_585 = tpu.memref_slice %arg2[%dma_start3A_583, %dma_start3A_584] : memref<100000x32xf32, #tpu.memory_space<hbm>> -> memref<100000x32xf32, #tpu.memory_space<hbm>>
          tpu.enqueue_indirect_dma source(%dma_start3A_585 : memref<100000x32xf32, #tpu.memory_space<hbm>>) target(%dma_start3A_579 : memref<80x32xf32, #tpu.memory_space<vmem>>) offsets(%dma_start3A_582 : memref<80xi32, #tpu.memory_space<vmem>>) semaphore(%arg15 : memref<!tpu.dma_semaphore, #tpu.memory_space<semaphore_mem>>)
          %dma_start3A_586 = arith.constant 0 : i32
          %dma_start3A_587 = arith.constant 0 : i32
          %dma_start3A_588 = arith.constant 480 : i32
          %dma_start3A_589 = arith.constant 0 : i32
          %dma_start3A_590 = tpu.memref_slice %arg11[%dma_start3A_587, %dma_start3A_588, %dma_start3A_589] : memref<2x800x32xf32, #tpu.memory_space<vmem>> -> memref<1x80x32xf32, #tpu.memory_space<vmem>>
          %dma_start3A_591 = tpu.memref_squeeze %dma_start3A_590 : memref<1x80x32xf32, #tpu.memory_space<vmem>> -> memref<80x32xf32, #tpu.memory_space<vmem>>
          %dma_start3A_592 = arith.constant 480 : i32
          %dma_start3A_593 = tpu.memref_slice %arg9[%dma_start3A_586, %dma_start3A_592] : memref<2x800xi32, #tpu.memory_space<vmem>> -> memref<1x80xi32, #tpu.memory_space<vmem>>
          %dma_start3A_594 = tpu.memref_squeeze %dma_start3A_593 : memref<1x80xi32, #tpu.memory_space<vmem>> -> memref<80xi32, #tpu.memory_space<vmem>>
          %dma_start3A_595 = arith.constant 0 : i32
          %dma_start3A_596 = arith.constant 0 : i32
          %dma_start3A_597 = tpu.memref_slice %arg2[%dma_start3A_595, %dma_start3A_596] : memref<100000x32xf32, #tpu.memory_space<hbm>> -> memref<100000x32xf32, #tpu.memory_space<hbm>>
          tpu.enqueue_indirect_dma source(%dma_start3A_597 : memref<100000x32xf32, #tpu.memory_space<hbm>>) target(%dma_start3A_591 : memref<80x32xf32, #tpu.memory_space<vmem>>) offsets(%dma_start3A_594 : memref<80xi32, #tpu.memory_space<vmem>>) semaphore(%arg15 : memref<!tpu.dma_semaphore, #tpu.memory_space<semaphore_mem>>)
          %dma_start3A_598 = arith.constant 0 : i32
          %dma_start3A_599 = arith.constant 0 : i32
          %dma_start3A_600 = arith.constant 560 : i32
          %dma_start3A_601 = arith.constant 0 : i32
          %dma_start3A_602 = tpu.memref_slice %arg11[%dma_start3A_599, %dma_start3A_600, %dma_start3A_601] : memref<2x800x32xf32, #tpu.memory_space<vmem>> -> memref<1x80x32xf32, #tpu.memory_space<vmem>>
          %dma_start3A_603 = tpu.memref_squeeze %dma_start3A_602 : memref<1x80x32xf32, #tpu.memory_space<vmem>> -> memref<80x32xf32, #tpu.memory_space<vmem>>
          %dma_start3A_604 = arith.constant 560 : i32
          %dma_start3A_605 = tpu.memref_slice %arg9[%dma_start3A_598, %dma_start3A_604] : memref<2x800xi32, #tpu.memory_space<vmem>> -> memref<1x80xi32, #tpu.memory_space<vmem>>
          %dma_start3A_606 = tpu.memref_squeeze %dma_start3A_605 : memref<1x80xi32, #tpu.memory_space<vmem>> -> memref<80xi32, #tpu.memory_space<vmem>>
          %dma_start3A_607 = arith.constant 0 : i32
          %dma_start3A_608 = arith.constant 0 : i32
          %dma_start3A_609 = tpu.memref_slice %arg2[%dma_start3A_607, %dma_start3A_608] : memref<100000x32xf32, #tpu.memory_space<hbm>> -> memref<100000x32xf32, #tpu.memory_space<hbm>>
          tpu.enqueue_indirect_dma source(%dma_start3A_609 : memref<100000x32xf32, #tpu.memory_space<hbm>>) target(%dma_start3A_603 : memref<80x32xf32, #tpu.memory_space<vmem>>) offsets(%dma_start3A_606 : memref<80xi32, #tpu.memory_space<vmem>>) semaphore(%arg15 : memref<!tpu.dma_semaphore, #tpu.memory_space<semaphore_mem>>)
          %dma_start3A_610 = arith.constant 0 : i32
          %dma_start3A_611 = arith.constant 0 : i32
          %dma_start3A_612 = arith.constant 640 : i32
          %dma_start3A_613 = arith.constant 0 : i32
          %dma_start3A_614 = tpu.memref_slice %arg11[%dma_start3A_611, %dma_start3A_612, %dma_start3A_613] : memref<2x800x32xf32, #tpu.memory_space<vmem>> -> memref<1x80x32xf32, #tpu.memory_space<vmem>>
          %dma_start3A_615 = tpu.memref_squeeze %dma_start3A_614 : memref<1x80x32xf32, #tpu.memory_space<vmem>> -> memref<80x32xf32, #tpu.memory_space<vmem>>
          %dma_start3A_616 = arith.constant 640 : i32
          %dma_start3A_617 = tpu.memref_slice %arg9[%dma_start3A_610, %dma_start3A_616] : memref<2x800xi32, #tpu.memory_space<vmem>> -> memref<1x80xi32, #tpu.memory_space<vmem>>
          %dma_start3A_618 = tpu.memref_squeeze %dma_start3A_617 : memref<1x80xi32, #tpu.memory_space<vmem>> -> memref<80xi32, #tpu.memory_space<vmem>>
          %dma_start3A_619 = arith.constant 0 : i32
          %dma_start3A_620 = arith.constant 0 : i32
          %dma_start3A_621 = tpu.memref_slice %arg2[%dma_start3A_619, %dma_start3A_620] : memref<100000x32xf32, #tpu.memory_space<hbm>> -> memref<100000x32xf32, #tpu.memory_space<hbm>>
          tpu.enqueue_indirect_dma source(%dma_start3A_621 : memref<100000x32xf32, #tpu.memory_space<hbm>>) target(%dma_start3A_615 : memref<80x32xf32, #tpu.memory_space<vmem>>) offsets(%dma_start3A_618 : memref<80xi32, #tpu.memory_space<vmem>>) semaphore(%arg15 : memref<!tpu.dma_semaphore, #tpu.memory_space<semaphore_mem>>)
          %dma_start3A_622 = arith.constant 0 : i32
          %dma_start3A_623 = arith.constant 0 : i32
          %dma_start3A_624 = arith.constant 720 : i32
          %dma_start3A_625 = arith.constant 0 : i32
          %dma_start3A_626 = tpu.memref_slice %arg11[%dma_start3A_623, %dma_start3A_624, %dma_start3A_625] : memref<2x800x32xf32, #tpu.memory_space<vmem>> -> memref<1x80x32xf32, #tpu.memory_space<vmem>>
          %dma_start3A_627 = tpu.memref_squeeze %dma_start3A_626 : memref<1x80x32xf32, #tpu.memory_space<vmem>> -> memref<80x32xf32, #tpu.memory_space<vmem>>
          %dma_start3A_628 = arith.constant 720 : i32
          %dma_start3A_629 = tpu.memref_slice %arg9[%dma_start3A_622, %dma_start3A_628] : memref<2x800xi32, #tpu.memory_space<vmem>> -> memref<1x80xi32, #tpu.memory_space<vmem>>
          %dma_start3A_630 = tpu.memref_squeeze %dma_start3A_629 : memref<1x80xi32, #tpu.memory_space<vmem>> -> memref<80xi32, #tpu.memory_space<vmem>>
          %dma_start3A_631 = arith.constant 0 : i32
          %dma_start3A_632 = arith.constant 0 : i32
          %dma_start3A_633 = tpu.memref_slice %arg2[%dma_start3A_631, %dma_start3A_632] : memref<100000x32xf32, #tpu.memory_space<hbm>> -> memref<100000x32xf32, #tpu.memory_space<hbm>>
          tpu.enqueue_indirect_dma source(%dma_start3A_633 : memref<100000x32xf32, #tpu.memory_space<hbm>>) target(%dma_start3A_627 : memref<80x32xf32, #tpu.memory_space<vmem>>) offsets(%dma_start3A_630 : memref<80xi32, #tpu.memory_space<vmem>>) semaphore(%arg15 : memref<!tpu.dma_semaphore, #tpu.memory_space<semaphore_mem>>)
        } else {
        }
        %ge3A_455 = arith.constant 64 : i32
        %ge3A_456 = arith.cmpi sge, %add3A_427, %ge3A_455 : i32
        %convert_element_type3A_457 = arith.extui %ge3A_456 : i1 to i32
        %cond3A_458 = arith.constant 0 : i32
        %cond3A_459 = arith.cmpi ne, %convert_element_type3A_457, %cond3A_458 : i32
        scf.if %cond3A_459 {
          %dma_wait3A_492 = arith.constant 1 : i32
          %dma_wait3A_493 = arith.constant 0 : i32
          %dma_wait3A_494 = tpu.memref_slice %arg13[%dma_wait3A_492, %dma_wait3A_493] : memref<2x800xf32, #tpu.memory_space<vmem>> -> memref<1x800xf32, #tpu.memory_space<vmem>>
          %dma_wait3A_495 = tpu.memref_squeeze %dma_wait3A_494 : memref<1x800xf32, #tpu.memory_space<vmem>> -> memref<800xf32, #tpu.memory_space<vmem>>
          %dma_wait3A_496 = arith.constant 0 : i32
          %dma_wait3A_497 = tpu.memref_slice %arg7[%dma_wait3A_496] : memref<500000xf32, #tpu.memory_space<hbm>> -> memref<800xf32, #tpu.memory_space<hbm>>
          %dma_wait3A_498 = arith.constant 0 : i32
          %dma_wait3A_499 = tpu.memref_slice %arg13[%dma_wait3A_492, %dma_wait3A_498] : memref<2x800xf32, #tpu.memory_space<vmem>> -> memref<1x800xf32, #tpu.memory_space<vmem>>
          %dma_wait3A_500 = tpu.memref_squeeze %dma_wait3A_499 : memref<1x800xf32, #tpu.memory_space<vmem>> -> memref<800xf32, #tpu.memory_space<vmem>>
          %dma_wait3A_501 = arith.constant 0 : i32
          %dma_wait3A_502 = tpu.memref_slice %arg7[%dma_wait3A_501] : memref<500000xf32, #tpu.memory_space<hbm>> -> memref<800xf32, #tpu.memory_space<hbm>>
          tpu.wait_dma2 semaphore(%arg20 : memref<!tpu.dma_semaphore, #tpu.memory_space<semaphore_mem>>) src(%dma_wait3A_502 : memref<800xf32, #tpu.memory_space<hbm>>) dst(%dma_wait3A_500 : memref<800xf32, #tpu.memory_space<vmem>>)
        } else {
        }
        %scan3A_460 = arith.constant 1 : i32
        %scan3A_461 = arith.constant 0 : i32
        %scan3A_462 = arith.constant 100 : i32
        %scan3A_463 = arith.addi %scan3A_461, %scan3A_462 : i32
        %scan3A_464 = arith.constant 1 : i32
        scf.for %scan3A_492 = %scan3A_461 to %scan3A_463 step %scan3A_464  : i32 {
          %mul3A_493 = arith.constant 8 : i32
          %mul3A_494 = arith.muli %scan3A_492, %mul3A_493 : i32
          %add3A_495 = arith.constant 0 : i32
          %add3A_496 = arith.addi %mul3A_494, %add3A_495 : i32
          %get3A_497 = arith.constant 0 : i32
          %get3A_498 = arith.constant 0 : i32
          %get3A_499 = tpu.memref_slice %arg11[%scan3A_460, %get3A_497, %get3A_498] : memref<2x800x32xf32, #tpu.memory_space<vmem>> -> memref<1x800x32xf32, #tpu.memory_space<vmem>>
          %get3A_500 = tpu.memref_squeeze %get3A_499 : memref<1x800x32xf32, #tpu.memory_space<vmem>> -> memref<800x32xf32, #tpu.memory_space<vmem>>
          %get3A_501 = arith.index_cast %add3A_496 : i32 to index
          %get3A_502 = arith.constant 0 : index
          %get3A_503 = tpu.vector_load %get3A_500[%get3A_501, %get3A_502] {strides = array<i32>} : memref<800x32xf32, #tpu.memory_space<vmem>>, vector<16xf32>,
          %swap3A = arith.index_cast %add3A_496 : i32 to index
          %swap3A_504 = arith.constant 0 : index
          %swap3A_505 = tpu.vector_load %arg12[%swap3A, %swap3A_504] {strides = array<i32>} : memref<800x33xf32, #tpu.memory_space<vmem>>, vector<16xf32>,
          tpu.vector_store %arg12[%swap3A, %swap3A_504], %get3A_503 {strides = array<i32>} : memref<800x33xf32, #tpu.memory_space<vmem>>, vector<16xf32>,
          %get3A_506 = arith.constant 0 : i32
          %get3A_507 = arith.constant 0 : i32
          %get3A_508 = tpu.memref_slice %arg11[%scan3A_460, %get3A_506, %get3A_507] : memref<2x800x32xf32, #tpu.memory_space<vmem>> -> memref<1x800x32xf32, #tpu.memory_space<vmem>>
          %get3A_509 = tpu.memref_squeeze %get3A_508 : memref<1x800x32xf32, #tpu.memory_space<vmem>> -> memref<800x32xf32, #tpu.memory_space<vmem>>
          %get3A_510 = arith.index_cast %add3A_496 : i32 to index
          %get3A_511 = arith.constant 16 : index
          %get3A_512 = tpu.vector_load %get3A_509[%get3A_510, %get3A_511] {strides = array<i32>} : memref<800x32xf32, #tpu.memory_space<vmem>>, vector<16xf32>,
          %swap3A_513 = arith.index_cast %add3A_496 : i32 to index
          %swap3A_514 = arith.constant 16 : index
          %swap3A_515 = tpu.vector_load %arg12[%swap3A_513, %swap3A_514] {strides = array<i32>} : memref<800x33xf32, #tpu.memory_space<vmem>>, vector<16xf32>,
          tpu.vector_store %arg12[%swap3A_513, %swap3A_514], %get3A_512 {strides = array<i32>} : memref<800x33xf32, #tpu.memory_space<vmem>>, vector<16xf32>,
          %mul3A_516 = arith.constant 8 : i32
          %mul3A_517 = arith.muli %scan3A_492, %mul3A_516 : i32
          %add3A_518 = arith.constant 1 : i32
          %add3A_519 = arith.addi %mul3A_517, %add3A_518 : i32
          %get3A_520 = arith.constant 0 : i32
          %get3A_521 = arith.constant 0 : i32
          %get3A_522 = tpu.memref_slice %arg11[%scan3A_460, %get3A_520, %get3A_521] : memref<2x800x32xf32, #tpu.memory_space<vmem>> -> memref<1x800x32xf32, #tpu.memory_space<vmem>>
          %get3A_523 = tpu.memref_squeeze %get3A_522 : memref<1x800x32xf32, #tpu.memory_space<vmem>> -> memref<800x32xf32, #tpu.memory_space<vmem>>
          %get3A_524 = arith.index_cast %add3A_519 : i32 to index
          %get3A_525 = arith.constant 0 : index
          %get3A_526 = tpu.vector_load %get3A_523[%get3A_524, %get3A_525] {strides = array<i32>} : memref<800x32xf32, #tpu.memory_space<vmem>>, vector<16xf32>,
          %swap3A_527 = arith.index_cast %add3A_519 : i32 to index
          %swap3A_528 = arith.constant 0 : index
          %swap3A_529 = tpu.vector_load %arg12[%swap3A_527, %swap3A_528] {strides = array<i32>} : memref<800x33xf32, #tpu.memory_space<vmem>>, vector<16xf32>,
          tpu.vector_store %arg12[%swap3A_527, %swap3A_528], %get3A_526 {strides = array<i32>} : memref<800x33xf32, #tpu.memory_space<vmem>>, vector<16xf32>,
          %get3A_530 = arith.constant 0 : i32
          %get3A_531 = arith.constant 0 : i32
          %get3A_532 = tpu.memref_slice %arg11[%scan3A_460, %get3A_530, %get3A_531] : memref<2x800x32xf32, #tpu.memory_space<vmem>> -> memref<1x800x32xf32, #tpu.memory_space<vmem>>
          %get3A_533 = tpu.memref_squeeze %get3A_532 : memref<1x800x32xf32, #tpu.memory_space<vmem>> -> memref<800x32xf32, #tpu.memory_space<vmem>>
          %get3A_534 = arith.index_cast %add3A_519 : i32 to index
          %get3A_535 = arith.constant 16 : index
          %get3A_536 = tpu.vector_load %get3A_533[%get3A_534, %get3A_535] {strides = array<i32>} : memref<800x32xf32, #tpu.memory_space<vmem>>, vector<16xf32>,
          %swap3A_537 = arith.index_cast %add3A_519 : i32 to index
          %swap3A_538 = arith.constant 16 : index
          %swap3A_539 = tpu.vector_load %arg12[%swap3A_537, %swap3A_538] {strides = array<i32>} : memref<800x33xf32, #tpu.memory_space<vmem>>, vector<16xf32>,
          tpu.vector_store %arg12[%swap3A_537, %swap3A_538], %get3A_536 {strides = array<i32>} : memref<800x33xf32, #tpu.memory_space<vmem>>, vector<16xf32>,
          %mul3A_540 = arith.constant 8 : i32
          %mul3A_541 = arith.muli %scan3A_492, %mul3A_540 : i32
          %add3A_542 = arith.constant 2 : i32
          %add3A_543 = arith.addi %mul3A_541, %add3A_542 : i32
          %get3A_544 = arith.constant 0 : i32
          %get3A_545 = arith.constant 0 : i32
          %get3A_546 = tpu.memref_slice %arg11[%scan3A_460, %get3A_544, %get3A_545] : memref<2x800x32xf32, #tpu.memory_space<vmem>> -> memref<1x800x32xf32, #tpu.memory_space<vmem>>
          %get3A_547 = tpu.memref_squeeze %get3A_546 : memref<1x800x32xf32, #tpu.memory_space<vmem>> -> memref<800x32xf32, #tpu.memory_space<vmem>>
          %get3A_548 = arith.index_cast %add3A_543 : i32 to index
          %get3A_549 = arith.constant 0 : index
          %get3A_550 = tpu.vector_load %get3A_547[%get3A_548, %get3A_549] {strides = array<i32>} : memref<800x32xf32, #tpu.memory_space<vmem>>, vector<16xf32>,
          %swap3A_551 = arith.index_cast %add3A_543 : i32 to index
          %swap3A_552 = arith.constant 0 : index
          %swap3A_553 = tpu.vector_load %arg12[%swap3A_551, %swap3A_552] {strides = array<i32>} : memref<800x33xf32, #tpu.memory_space<vmem>>, vector<16xf32>,
          tpu.vector_store %arg12[%swap3A_551, %swap3A_552], %get3A_550 {strides = array<i32>} : memref<800x33xf32, #tpu.memory_space<vmem>>, vector<16xf32>,
          %get3A_554 = arith.constant 0 : i32
          %get3A_555 = arith.constant 0 : i32
          %get3A_556 = tpu.memref_slice %arg11[%scan3A_460, %get3A_554, %get3A_555] : memref<2x800x32xf32, #tpu.memory_space<vmem>> -> memref<1x800x32xf32, #tpu.memory_space<vmem>>
          %get3A_557 = tpu.memref_squeeze %get3A_556 : memref<1x800x32xf32, #tpu.memory_space<vmem>> -> memref<800x32xf32, #tpu.memory_space<vmem>>
          %get3A_558 = arith.index_cast %add3A_543 : i32 to index
          %get3A_559 = arith.constant 16 : index
          %get3A_560 = tpu.vector_load %get3A_557[%get3A_558, %get3A_559] {strides = array<i32>} : memref<800x32xf32, #tpu.memory_space<vmem>>, vector<16xf32>,
          %swap3A_561 = arith.index_cast %add3A_543 : i32 to index
          %swap3A_562 = arith.constant 16 : index
          %swap3A_563 = tpu.vector_load %arg12[%swap3A_561, %swap3A_562] {strides = array<i32>} : memref<800x33xf32, #tpu.memory_space<vmem>>, vector<16xf32>,
          tpu.vector_store %arg12[%swap3A_561, %swap3A_562], %get3A_560 {strides = array<i32>} : memref<800x33xf32, #tpu.memory_space<vmem>>, vector<16xf32>,
          %mul3A_564 = arith.constant 8 : i32
          %mul3A_565 = arith.muli %scan3A_492, %mul3A_564 : i32
          %add3A_566 = arith.constant 3 : i32
          %add3A_567 = arith.addi %mul3A_565, %add3A_566 : i32
          %get3A_568 = arith.constant 0 : i32
          %get3A_569 = arith.constant 0 : i32
          %get3A_570 = tpu.memref_slice %arg11[%scan3A_460, %get3A_568, %get3A_569] : memref<2x800x32xf32, #tpu.memory_space<vmem>> -> memref<1x800x32xf32, #tpu.memory_space<vmem>>
          %get3A_571 = tpu.memref_squeeze %get3A_570 : memref<1x800x32xf32, #tpu.memory_space<vmem>> -> memref<800x32xf32, #tpu.memory_space<vmem>>
          %get3A_572 = arith.index_cast %add3A_567 : i32 to index
          %get3A_573 = arith.constant 0 : index
          %get3A_574 = tpu.vector_load %get3A_571[%get3A_572, %get3A_573] {strides = array<i32>} : memref<800x32xf32, #tpu.memory_space<vmem>>, vector<16xf32>,
          %swap3A_575 = arith.index_cast %add3A_567 : i32 to index
          %swap3A_576 = arith.constant 0 : index
          %swap3A_577 = tpu.vector_load %arg12[%swap3A_575, %swap3A_576] {strides = array<i32>} : memref<800x33xf32, #tpu.memory_space<vmem>>, vector<16xf32>,
          tpu.vector_store %arg12[%swap3A_575, %swap3A_576], %get3A_574 {strides = array<i32>} : memref<800x33xf32, #tpu.memory_space<vmem>>, vector<16xf32>,
          %get3A_578 = arith.constant 0 : i32
          %get3A_579 = arith.constant 0 : i32
          %get3A_580 = tpu.memref_slice %arg11[%scan3A_460, %get3A_578, %get3A_579] : memref<2x800x32xf32, #tpu.memory_space<vmem>> -> memref<1x800x32xf32, #tpu.memory_space<vmem>>
          %get3A_581 = tpu.memref_squeeze %get3A_580 : memref<1x800x32xf32, #tpu.memory_space<vmem>> -> memref<800x32xf32, #tpu.memory_space<vmem>>
          %get3A_582 = arith.index_cast %add3A_567 : i32 to index
          %get3A_583 = arith.constant 16 : index
          %get3A_584 = tpu.vector_load %get3A_581[%get3A_582, %get3A_583] {strides = array<i32>} : memref<800x32xf32, #tpu.memory_space<vmem>>, vector<16xf32>,
          %swap3A_585 = arith.index_cast %add3A_567 : i32 to index
          %swap3A_586 = arith.constant 16 : index
          %swap3A_587 = tpu.vector_load %arg12[%swap3A_585, %swap3A_586] {strides = array<i32>} : memref<800x33xf32, #tpu.memory_space<vmem>>, vector<16xf32>,
          tpu.vector_store %arg12[%swap3A_585, %swap3A_586], %get3A_584 {strides = array<i32>} : memref<800x33xf32, #tpu.memory_space<vmem>>, vector<16xf32>,
          %mul3A_588 = arith.constant 8 : i32
          %mul3A_589 = arith.muli %scan3A_492, %mul3A_588 : i32
          %add3A_590 = arith.constant 4 : i32
          %add3A_591 = arith.addi %mul3A_589, %add3A_590 : i32
          %get3A_592 = arith.constant 0 : i32
          %get3A_593 = arith.constant 0 : i32
          %get3A_594 = tpu.memref_slice %arg11[%scan3A_460, %get3A_592, %get3A_593] : memref<2x800x32xf32, #tpu.memory_space<vmem>> -> memref<1x800x32xf32, #tpu.memory_space<vmem>>
          %get3A_595 = tpu.memref_squeeze %get3A_594 : memref<1x800x32xf32, #tpu.memory_space<vmem>> -> memref<800x32xf32, #tpu.memory_space<vmem>>
          %get3A_596 = arith.index_cast %add3A_591 : i32 to index
          %get3A_597 = arith.constant 0 : index
          %get3A_598 = tpu.vector_load %get3A_595[%get3A_596, %get3A_597] {strides = array<i32>} : memref<800x32xf32, #tpu.memory_space<vmem>>, vector<16xf32>,
          %swap3A_599 = arith.index_cast %add3A_591 : i32 to index
          %swap3A_600 = arith.constant 0 : index
          %swap3A_601 = tpu.vector_load %arg12[%swap3A_599, %swap3A_600] {strides = array<i32>} : memref<800x33xf32, #tpu.memory_space<vmem>>, vector<16xf32>,
          tpu.vector_store %arg12[%swap3A_599, %swap3A_600], %get3A_598 {strides = array<i32>} : memref<800x33xf32, #tpu.memory_space<vmem>>, vector<16xf32>,
          %get3A_602 = arith.constant 0 : i32
          %get3A_603 = arith.constant 0 : i32
          %get3A_604 = tpu.memref_slice %arg11[%scan3A_460, %get3A_602, %get3A_603] : memref<2x800x32xf32, #tpu.memory_space<vmem>> -> memref<1x800x32xf32, #tpu.memory_space<vmem>>
          %get3A_605 = tpu.memref_squeeze %get3A_604 : memref<1x800x32xf32, #tpu.memory_space<vmem>> -> memref<800x32xf32, #tpu.memory_space<vmem>>
          %get3A_606 = arith.index_cast %add3A_591 : i32 to index
          %get3A_607 = arith.constant 16 : index
          %get3A_608 = tpu.vector_load %get3A_605[%get3A_606, %get3A_607] {strides = array<i32>} : memref<800x32xf32, #tpu.memory_space<vmem>>, vector<16xf32>,
          %swap3A_609 = arith.index_cast %add3A_591 : i32 to index
          %swap3A_610 = arith.constant 16 : index
          %swap3A_611 = tpu.vector_load %arg12[%swap3A_609, %swap3A_610] {strides = array<i32>} : memref<800x33xf32, #tpu.memory_space<vmem>>, vector<16xf32>,
          tpu.vector_store %arg12[%swap3A_609, %swap3A_610], %get3A_608 {strides = array<i32>} : memref<800x33xf32, #tpu.memory_space<vmem>>, vector<16xf32>,
          %mul3A_612 = arith.constant 8 : i32
          %mul3A_613 = arith.muli %scan3A_492, %mul3A_612 : i32
          %add3A_614 = arith.constant 5 : i32
          %add3A_615 = arith.addi %mul3A_613, %add3A_614 : i32
          %get3A_616 = arith.constant 0 : i32
          %get3A_617 = arith.constant 0 : i32
          %get3A_618 = tpu.memref_slice %arg11[%scan3A_460, %get3A_616, %get3A_617] : memref<2x800x32xf32, #tpu.memory_space<vmem>> -> memref<1x800x32xf32, #tpu.memory_space<vmem>>
          %get3A_619 = tpu.memref_squeeze %get3A_618 : memref<1x800x32xf32, #tpu.memory_space<vmem>> -> memref<800x32xf32, #tpu.memory_space<vmem>>
          %get3A_620 = arith.index_cast %add3A_615 : i32 to index
          %get3A_621 = arith.constant 0 : index
          %get3A_622 = tpu.vector_load %get3A_619[%get3A_620, %get3A_621] {strides = array<i32>} : memref<800x32xf32, #tpu.memory_space<vmem>>, vector<16xf32>,
          %swap3A_623 = arith.index_cast %add3A_615 : i32 to index
          %swap3A_624 = arith.constant 0 : index
          %swap3A_625 = tpu.vector_load %arg12[%swap3A_623, %swap3A_624] {strides = array<i32>} : memref<800x33xf32, #tpu.memory_space<vmem>>, vector<16xf32>,
          tpu.vector_store %arg12[%swap3A_623, %swap3A_624], %get3A_622 {strides = array<i32>} : memref<800x33xf32, #tpu.memory_space<vmem>>, vector<16xf32>,
          %get3A_626 = arith.constant 0 : i32
          %get3A_627 = arith.constant 0 : i32
          %get3A_628 = tpu.memref_slice %arg11[%scan3A_460, %get3A_626, %get3A_627] : memref<2x800x32xf32, #tpu.memory_space<vmem>> -> memref<1x800x32xf32, #tpu.memory_space<vmem>>
          %get3A_629 = tpu.memref_squeeze %get3A_628 : memref<1x800x32xf32, #tpu.memory_space<vmem>> -> memref<800x32xf32, #tpu.memory_space<vmem>>
          %get3A_630 = arith.index_cast %add3A_615 : i32 to index
          %get3A_631 = arith.constant 16 : index
          %get3A_632 = tpu.vector_load %get3A_629[%get3A_630, %get3A_631] {strides = array<i32>} : memref<800x32xf32, #tpu.memory_space<vmem>>, vector<16xf32>,
          %swap3A_633 = arith.index_cast %add3A_615 : i32 to index
          %swap3A_634 = arith.constant 16 : index
          %swap3A_635 = tpu.vector_load %arg12[%swap3A_633, %swap3A_634] {strides = array<i32>} : memref<800x33xf32, #tpu.memory_space<vmem>>, vector<16xf32>,
          tpu.vector_store %arg12[%swap3A_633, %swap3A_634], %get3A_632 {strides = array<i32>} : memref<800x33xf32, #tpu.memory_space<vmem>>, vector<16xf32>,
          %mul3A_636 = arith.constant 8 : i32
          %mul3A_637 = arith.muli %scan3A_492, %mul3A_636 : i32
          %add3A_638 = arith.constant 6 : i32
          %add3A_639 = arith.addi %mul3A_637, %add3A_638 : i32
          %get3A_640 = arith.constant 0 : i32
          %get3A_641 = arith.constant 0 : i32
          %get3A_642 = tpu.memref_slice %arg11[%scan3A_460, %get3A_640, %get3A_641] : memref<2x800x32xf32, #tpu.memory_space<vmem>> -> memref<1x800x32xf32, #tpu.memory_space<vmem>>
          %get3A_643 = tpu.memref_squeeze %get3A_642 : memref<1x800x32xf32, #tpu.memory_space<vmem>> -> memref<800x32xf32, #tpu.memory_space<vmem>>
          %get3A_644 = arith.index_cast %add3A_639 : i32 to index
          %get3A_645 = arith.constant 0 : index
          %get3A_646 = tpu.vector_load %get3A_643[%get3A_644, %get3A_645] {strides = array<i32>} : memref<800x32xf32, #tpu.memory_space<vmem>>, vector<16xf32>,
          %swap3A_647 = arith.index_cast %add3A_639 : i32 to index
          %swap3A_648 = arith.constant 0 : index
          %swap3A_649 = tpu.vector_load %arg12[%swap3A_647, %swap3A_648] {strides = array<i32>} : memref<800x33xf32, #tpu.memory_space<vmem>>, vector<16xf32>,
          tpu.vector_store %arg12[%swap3A_647, %swap3A_648], %get3A_646 {strides = array<i32>} : memref<800x33xf32, #tpu.memory_space<vmem>>, vector<16xf32>,
          %get3A_650 = arith.constant 0 : i32
          %get3A_651 = arith.constant 0 : i32
          %get3A_652 = tpu.memref_slice %arg11[%scan3A_460, %get3A_650, %get3A_651] : memref<2x800x32xf32, #tpu.memory_space<vmem>> -> memref<1x800x32xf32, #tpu.memory_space<vmem>>
          %get3A_653 = tpu.memref_squeeze %get3A_652 : memref<1x800x32xf32, #tpu.memory_space<vmem>> -> memref<800x32xf32, #tpu.memory_space<vmem>>
          %get3A_654 = arith.index_cast %add3A_639 : i32 to index
          %get3A_655 = arith.constant 16 : index
          %get3A_656 = tpu.vector_load %get3A_653[%get3A_654, %get3A_655] {strides = array<i32>} : memref<800x32xf32, #tpu.memory_space<vmem>>, vector<16xf32>,
          %swap3A_657 = arith.index_cast %add3A_639 : i32 to index
          %swap3A_658 = arith.constant 16 : index
          %swap3A_659 = tpu.vector_load %arg12[%swap3A_657, %swap3A_658] {strides = array<i32>} : memref<800x33xf32, #tpu.memory_space<vmem>>, vector<16xf32>,
          tpu.vector_store %arg12[%swap3A_657, %swap3A_658], %get3A_656 {strides = array<i32>} : memref<800x33xf32, #tpu.memory_space<vmem>>, vector<16xf32>,
          %mul3A_660 = arith.constant 8 : i32
          %mul3A_661 = arith.muli %scan3A_492, %mul3A_660 : i32
          %add3A_662 = arith.constant 7 : i32
          %add3A_663 = arith.addi %mul3A_661, %add3A_662 : i32
          %get3A_664 = arith.constant 0 : i32
          %get3A_665 = arith.constant 0 : i32
          %get3A_666 = tpu.memref_slice %arg11[%scan3A_460, %get3A_664, %get3A_665] : memref<2x800x32xf32, #tpu.memory_space<vmem>> -> memref<1x800x32xf32, #tpu.memory_space<vmem>>
          %get3A_667 = tpu.memref_squeeze %get3A_666 : memref<1x800x32xf32, #tpu.memory_space<vmem>> -> memref<800x32xf32, #tpu.memory_space<vmem>>
          %get3A_668 = arith.index_cast %add3A_663 : i32 to index
          %get3A_669 = arith.constant 0 : index
          %get3A_670 = tpu.vector_load %get3A_667[%get3A_668, %get3A_669] {strides = array<i32>} : memref<800x32xf32, #tpu.memory_space<vmem>>, vector<16xf32>,
          %swap3A_671 = arith.index_cast %add3A_663 : i32 to index
          %swap3A_672 = arith.constant 0 : index
          %swap3A_673 = tpu.vector_load %arg12[%swap3A_671, %swap3A_672] {strides = array<i32>} : memref<800x33xf32, #tpu.memory_space<vmem>>, vector<16xf32>,
          tpu.vector_store %arg12[%swap3A_671, %swap3A_672], %get3A_670 {strides = array<i32>} : memref<800x33xf32, #tpu.memory_space<vmem>>, vector<16xf32>,
          %get3A_674 = arith.constant 0 : i32
          %get3A_675 = arith.constant 0 : i32
          %get3A_676 = tpu.memref_slice %arg11[%scan3A_460, %get3A_674, %get3A_675] : memref<2x800x32xf32, #tpu.memory_space<vmem>> -> memref<1x800x32xf32, #tpu.memory_space<vmem>>
          %get3A_677 = tpu.memref_squeeze %get3A_676 : memref<1x800x32xf32, #tpu.memory_space<vmem>> -> memref<800x32xf32, #tpu.memory_space<vmem>>
          %get3A_678 = arith.index_cast %add3A_663 : i32 to index
          %get3A_679 = arith.constant 16 : index
          %get3A_680 = tpu.vector_load %get3A_677[%get3A_678, %get3A_679] {strides = array<i32>} : memref<800x32xf32, #tpu.memory_space<vmem>>, vector<16xf32>,
          %swap3A_681 = arith.index_cast %add3A_663 : i32 to index
          %swap3A_682 = arith.constant 16 : index
          %swap3A_683 = tpu.vector_load %arg12[%swap3A_681, %swap3A_682] {strides = array<i32>} : memref<800x33xf32, #tpu.memory_space<vmem>>, vector<16xf32>,
          tpu.vector_store %arg12[%swap3A_681, %swap3A_682], %get3A_680 {strides = array<i32>} : memref<800x33xf32, #tpu.memory_space<vmem>>, vector<16xf32>,
        }
        %scan3A_465 = arith.constant 100 : i32
        %scan3A_466 = arith.constant 1 : i32
        %scan3A_467 = arith.constant 1 : i32
        %scan3A_468 = arith.constant 0 : i32
        %scan3A_469 = arith.constant 50 : i32
        %scan3A_470 = arith.addi %scan3A_468, %scan3A_469 : i32
        %scan3A_471 = arith.constant 1 : i32
        scf.for %scan3A_492 = %scan3A_468 to %scan3A_470 step %scan3A_471  : i32 {
          %mul3A_493 = arith.constant 16 : i32
          %mul3A_494 = arith.muli %scan3A_492, %mul3A_493 : i32
          %add3A_495 = vector.broadcast %mul3A_494 : i32 to vector<16xi32>
          %add3A_496 = arith.addi %iota3A, %add3A_495 : vector<16xi32>
          %mul3A_497 = arith.constant 16 : i32
          %mul3A_498 = arith.muli %scan3A_492, %mul3A_497 : i32
          %get3A_499 = arith.constant 0 : i32
          %get3A_500 = tpu.memref_slice %arg10[%scan3A_466, %get3A_499] : memref<2x800xi32, #tpu.memory_space<vmem>> -> memref<1x800xi32, #tpu.memory_space<vmem>>
          %get3A_501 = tpu.memref_squeeze %get3A_500 : memref<1x800xi32, #tpu.memory_space<vmem>> -> memref<800xi32, #tpu.memory_space<vmem>>
          %get3A_502 = arith.index_cast %mul3A_498 : i32 to index
          %get3A_503 = tpu.vector_load %get3A_501[%get3A_502] {strides = array<i32>} : memref<800xi32, #tpu.memory_space<vmem>>, vector<16xi32>,
          %broadcast_in_dim3A = arith.constant 0 : i32
          %broadcast_in_dim3A_504 = vector.broadcast %broadcast_in_dim3A : i32 to vector<16xi32>
          %gather3A = tpu.vector_load_idx %arg12[%add3A_496, %broadcast_in_dim3A_504] : memref<800x33xf32, #tpu.memory_space<vmem>>[vector<16xi32>, vector<16xi32>], vector<16xf32>,
          %gather3A_505 = tpu.vector_load_idx %arg8[%get3A_503, %broadcast_in_dim3A_504] : memref<1000x33xf32, #tpu.memory_space<vmem>>[vector<16xi32>, vector<16xi32>], vector<16xf32>,
          %mul3A_506 = arith.mulf %gather3A, %gather3A_505 : vector<16xf32>
          %add3A_507 = arith.addf %get3A_1, %mul3A_506 : vector<16xf32>
          %broadcast_in_dim3A_508 = arith.constant 1 : i32
          %broadcast_in_dim3A_509 = vector.broadcast %broadcast_in_dim3A_508 : i32 to vector<16xi32>
          %gather3A_510 = tpu.vector_load_idx %arg12[%add3A_496, %broadcast_in_dim3A_509] : memref<800x33xf32, #tpu.memory_space<vmem>>[vector<16xi32>, vector<16xi32>], vector<16xf32>,
          %gather3A_511 = tpu.vector_load_idx %arg8[%get3A_503, %broadcast_in_dim3A_509] : memref<1000x33xf32, #tpu.memory_space<vmem>>[vector<16xi32>, vector<16xi32>], vector<16xf32>,
          %mul3A_512 = arith.mulf %gather3A_510, %gather3A_511 : vector<16xf32>
          %add3A_513 = arith.addf %add3A_507, %mul3A_512 : vector<16xf32>
          %broadcast_in_dim3A_514 = arith.constant 2 : i32
          %broadcast_in_dim3A_515 = vector.broadcast %broadcast_in_dim3A_514 : i32 to vector<16xi32>
          %gather3A_516 = tpu.vector_load_idx %arg12[%add3A_496, %broadcast_in_dim3A_515] : memref<800x33xf32, #tpu.memory_space<vmem>>[vector<16xi32>, vector<16xi32>], vector<16xf32>,
          %gather3A_517 = tpu.vector_load_idx %arg8[%get3A_503, %broadcast_in_dim3A_515] : memref<1000x33xf32, #tpu.memory_space<vmem>>[vector<16xi32>, vector<16xi32>], vector<16xf32>,
          %mul3A_518 = arith.mulf %gather3A_516, %gather3A_517 : vector<16xf32>
          %add3A_519 = arith.addf %add3A_513, %mul3A_518 : vector<16xf32>
          %broadcast_in_dim3A_520 = arith.constant 3 : i32
          %broadcast_in_dim3A_521 = vector.broadcast %broadcast_in_dim3A_520 : i32 to vector<16xi32>
          %gather3A_522 = tpu.vector_load_idx %arg12[%add3A_496, %broadcast_in_dim3A_521] : memref<800x33xf32, #tpu.memory_space<vmem>>[vector<16xi32>, vector<16xi32>], vector<16xf32>,
          %gather3A_523 = tpu.vector_load_idx %arg8[%get3A_503, %broadcast_in_dim3A_521] : memref<1000x33xf32, #tpu.memory_space<vmem>>[vector<16xi32>, vector<16xi32>], vector<16xf32>,
          %mul3A_524 = arith.mulf %gather3A_522, %gather3A_523 : vector<16xf32>
          %add3A_525 = arith.addf %add3A_519, %mul3A_524 : vector<16xf32>
          %broadcast_in_dim3A_526 = arith.constant 4 : i32
          %broadcast_in_dim3A_527 = vector.broadcast %broadcast_in_dim3A_526 : i32 to vector<16xi32>
          %gather3A_528 = tpu.vector_load_idx %arg12[%add3A_496, %broadcast_in_dim3A_527] : memref<800x33xf32, #tpu.memory_space<vmem>>[vector<16xi32>, vector<16xi32>], vector<16xf32>,
          %gather3A_529 = tpu.vector_load_idx %arg8[%get3A_503, %broadcast_in_dim3A_527] : memref<1000x33xf32, #tpu.memory_space<vmem>>[vector<16xi32>, vector<16xi32>], vector<16xf32>,
          %mul3A_530 = arith.mulf %gather3A_528, %gather3A_529 : vector<16xf32>
          %add3A_531 = arith.addf %add3A_525, %mul3A_530 : vector<16xf32>
          %broadcast_in_dim3A_532 = arith.constant 5 : i32
          %broadcast_in_dim3A_533 = vector.broadcast %broadcast_in_dim3A_532 : i32 to vector<16xi32>
          %gather3A_534 = tpu.vector_load_idx %arg12[%add3A_496, %broadcast_in_dim3A_533] : memref<800x33xf32, #tpu.memory_space<vmem>>[vector<16xi32>, vector<16xi32>], vector<16xf32>,
          %gather3A_535 = tpu.vector_load_idx %arg8[%get3A_503, %broadcast_in_dim3A_533] : memref<1000x33xf32, #tpu.memory_space<vmem>>[vector<16xi32>, vector<16xi32>], vector<16xf32>,
          %mul3A_536 = arith.mulf %gather3A_534, %gather3A_535 : vector<16xf32>
          %add3A_537 = arith.addf %add3A_531, %mul3A_536 : vector<16xf32>
          %broadcast_in_dim3A_538 = arith.constant 6 : i32
          %broadcast_in_dim3A_539 = vector.broadcast %broadcast_in_dim3A_538 : i32 to vector<16xi32>
          %gather3A_540 = tpu.vector_load_idx %arg12[%add3A_496, %broadcast_in_dim3A_539] : memref<800x33xf32, #tpu.memory_space<vmem>>[vector<16xi32>, vector<16xi32>], vector<16xf32>,
          %gather3A_541 = tpu.vector_load_idx %arg8[%get3A_503, %broadcast_in_dim3A_539] : memref<1000x33xf32, #tpu.memory_space<vmem>>[vector<16xi32>, vector<16xi32>], vector<16xf32>,
          %mul3A_542 = arith.mulf %gather3A_540, %gather3A_541 : vector<16xf32>
          %add3A_543 = arith.addf %add3A_537, %mul3A_542 : vector<16xf32>
          %broadcast_in_dim3A_544 = arith.constant 7 : i32
          %broadcast_in_dim3A_545 = vector.broadcast %broadcast_in_dim3A_544 : i32 to vector<16xi32>
          %gather3A_546 = tpu.vector_load_idx %arg12[%add3A_496, %broadcast_in_dim3A_545] : memref<800x33xf32, #tpu.memory_space<vmem>>[vector<16xi32>, vector<16xi32>], vector<16xf32>,
          %gather3A_547 = tpu.vector_load_idx %arg8[%get3A_503, %broadcast_in_dim3A_545] : memref<1000x33xf32, #tpu.memory_space<vmem>>[vector<16xi32>, vector<16xi32>], vector<16xf32>,
          %mul3A_548 = arith.mulf %gather3A_546, %gather3A_547 : vector<16xf32>
          %add3A_549 = arith.addf %add3A_543, %mul3A_548 : vector<16xf32>
          %broadcast_in_dim3A_550 = arith.constant 8 : i32
          %broadcast_in_dim3A_551 = vector.broadcast %broadcast_in_dim3A_550 : i32 to vector<16xi32>
          %gather3A_552 = tpu.vector_load_idx %arg12[%add3A_496, %broadcast_in_dim3A_551] : memref<800x33xf32, #tpu.memory_space<vmem>>[vector<16xi32>, vector<16xi32>], vector<16xf32>,
          %gather3A_553 = tpu.vector_load_idx %arg8[%get3A_503, %broadcast_in_dim3A_551] : memref<1000x33xf32, #tpu.memory_space<vmem>>[vector<16xi32>, vector<16xi32>], vector<16xf32>,
          %mul3A_554 = arith.mulf %gather3A_552, %gather3A_553 : vector<16xf32>
          %add3A_555 = arith.addf %add3A_549, %mul3A_554 : vector<16xf32>
          %broadcast_in_dim3A_556 = arith.constant 9 : i32
          %broadcast_in_dim3A_557 = vector.broadcast %broadcast_in_dim3A_556 : i32 to vector<16xi32>
          %gather3A_558 = tpu.vector_load_idx %arg12[%add3A_496, %broadcast_in_dim3A_557] : memref<800x33xf32, #tpu.memory_space<vmem>>[vector<16xi32>, vector<16xi32>], vector<16xf32>,
          %gather3A_559 = tpu.vector_load_idx %arg8[%get3A_503, %broadcast_in_dim3A_557] : memref<1000x33xf32, #tpu.memory_space<vmem>>[vector<16xi32>, vector<16xi32>], vector<16xf32>,
          %mul3A_560 = arith.mulf %gather3A_558, %gather3A_559 : vector<16xf32>
          %add3A_561 = arith.addf %add3A_555, %mul3A_560 : vector<16xf32>
          %broadcast_in_dim3A_562 = arith.constant 10 : i32
          %broadcast_in_dim3A_563 = vector.broadcast %broadcast_in_dim3A_562 : i32 to vector<16xi32>
          %gather3A_564 = tpu.vector_load_idx %arg12[%add3A_496, %broadcast_in_dim3A_563] : memref<800x33xf32, #tpu.memory_space<vmem>>[vector<16xi32>, vector<16xi32>], vector<16xf32>,
          %gather3A_565 = tpu.vector_load_idx %arg8[%get3A_503, %broadcast_in_dim3A_563] : memref<1000x33xf32, #tpu.memory_space<vmem>>[vector<16xi32>, vector<16xi32>], vector<16xf32>,
          %mul3A_566 = arith.mulf %gather3A_564, %gather3A_565 : vector<16xf32>
          %add3A_567 = arith.addf %add3A_561, %mul3A_566 : vector<16xf32>
          %broadcast_in_dim3A_568 = arith.constant 11 : i32
          %broadcast_in_dim3A_569 = vector.broadcast %broadcast_in_dim3A_568 : i32 to vector<16xi32>
          %gather3A_570 = tpu.vector_load_idx %arg12[%add3A_496, %broadcast_in_dim3A_569] : memref<800x33xf32, #tpu.memory_space<vmem>>[vector<16xi32>, vector<16xi32>], vector<16xf32>,
          %gather3A_571 = tpu.vector_load_idx %arg8[%get3A_503, %broadcast_in_dim3A_569] : memref<1000x33xf32, #tpu.memory_space<vmem>>[vector<16xi32>, vector<16xi32>], vector<16xf32>,
          %mul3A_572 = arith.mulf %gather3A_570, %gather3A_571 : vector<16xf32>
          %add3A_573 = arith.addf %add3A_567, %mul3A_572 : vector<16xf32>
          %broadcast_in_dim3A_574 = arith.constant 12 : i32
          %broadcast_in_dim3A_575 = vector.broadcast %broadcast_in_dim3A_574 : i32 to vector<16xi32>
          %gather3A_576 = tpu.vector_load_idx %arg12[%add3A_496, %broadcast_in_dim3A_575] : memref<800x33xf32, #tpu.memory_space<vmem>>[vector<16xi32>, vector<16xi32>], vector<16xf32>,
          %gather3A_577 = tpu.vector_load_idx %arg8[%get3A_503, %broadcast_in_dim3A_575] : memref<1000x33xf32, #tpu.memory_space<vmem>>[vector<16xi32>, vector<16xi32>], vector<16xf32>,
          %mul3A_578 = arith.mulf %gather3A_576, %gather3A_577 : vector<16xf32>
          %add3A_579 = arith.addf %add3A_573, %mul3A_578 : vector<16xf32>
          %broadcast_in_dim3A_580 = arith.constant 13 : i32
          %broadcast_in_dim3A_581 = vector.broadcast %broadcast_in_dim3A_580 : i32 to vector<16xi32>
          %gather3A_582 = tpu.vector_load_idx %arg12[%add3A_496, %broadcast_in_dim3A_581] : memref<800x33xf32, #tpu.memory_space<vmem>>[vector<16xi32>, vector<16xi32>], vector<16xf32>,
          %gather3A_583 = tpu.vector_load_idx %arg8[%get3A_503, %broadcast_in_dim3A_581] : memref<1000x33xf32, #tpu.memory_space<vmem>>[vector<16xi32>, vector<16xi32>], vector<16xf32>,
          %mul3A_584 = arith.mulf %gather3A_582, %gather3A_583 : vector<16xf32>
          %add3A_585 = arith.addf %add3A_579, %mul3A_584 : vector<16xf32>
          %broadcast_in_dim3A_586 = arith.constant 14 : i32
          %broadcast_in_dim3A_587 = vector.broadcast %broadcast_in_dim3A_586 : i32 to vector<16xi32>
          %gather3A_588 = tpu.vector_load_idx %arg12[%add3A_496, %broadcast_in_dim3A_587] : memref<800x33xf32, #tpu.memory_space<vmem>>[vector<16xi32>, vector<16xi32>], vector<16xf32>,
          %gather3A_589 = tpu.vector_load_idx %arg8[%get3A_503, %broadcast_in_dim3A_587] : memref<1000x33xf32, #tpu.memory_space<vmem>>[vector<16xi32>, vector<16xi32>], vector<16xf32>,
          %mul3A_590 = arith.mulf %gather3A_588, %gather3A_589 : vector<16xf32>
          %add3A_591 = arith.addf %add3A_585, %mul3A_590 : vector<16xf32>
          %broadcast_in_dim3A_592 = arith.constant 15 : i32
          %broadcast_in_dim3A_593 = vector.broadcast %broadcast_in_dim3A_592 : i32 to vector<16xi32>
          %gather3A_594 = tpu.vector_load_idx %arg12[%add3A_496, %broadcast_in_dim3A_593] : memref<800x33xf32, #tpu.memory_space<vmem>>[vector<16xi32>, vector<16xi32>], vector<16xf32>,
          %gather3A_595 = tpu.vector_load_idx %arg8[%get3A_503, %broadcast_in_dim3A_593] : memref<1000x33xf32, #tpu.memory_space<vmem>>[vector<16xi32>, vector<16xi32>], vector<16xf32>,
          %mul3A_596 = arith.mulf %gather3A_594, %gather3A_595 : vector<16xf32>
          %add3A_597 = arith.addf %add3A_591, %mul3A_596 : vector<16xf32>
          %broadcast_in_dim3A_598 = arith.constant 16 : i32
          %broadcast_in_dim3A_599 = vector.broadcast %broadcast_in_dim3A_598 : i32 to vector<16xi32>
          %gather3A_600 = tpu.vector_load_idx %arg12[%add3A_496, %broadcast_in_dim3A_599] : memref<800x33xf32, #tpu.memory_space<vmem>>[vector<16xi32>, vector<16xi32>], vector<16xf32>,
          %gather3A_601 = tpu.vector_load_idx %arg8[%get3A_503, %broadcast_in_dim3A_599] : memref<1000x33xf32, #tpu.memory_space<vmem>>[vector<16xi32>, vector<16xi32>], vector<16xf32>,
          %mul3A_602 = arith.mulf %gather3A_600, %gather3A_601 : vector<16xf32>
          %add3A_603 = arith.addf %add3A_597, %mul3A_602 : vector<16xf32>
          %broadcast_in_dim3A_604 = arith.constant 17 : i32
          %broadcast_in_dim3A_605 = vector.broadcast %broadcast_in_dim3A_604 : i32 to vector<16xi32>
          %gather3A_606 = tpu.vector_load_idx %arg12[%add3A_496, %broadcast_in_dim3A_605] : memref<800x33xf32, #tpu.memory_space<vmem>>[vector<16xi32>, vector<16xi32>], vector<16xf32>,
          %gather3A_607 = tpu.vector_load_idx %arg8[%get3A_503, %broadcast_in_dim3A_605] : memref<1000x33xf32, #tpu.memory_space<vmem>>[vector<16xi32>, vector<16xi32>], vector<16xf32>,
          %mul3A_608 = arith.mulf %gather3A_606, %gather3A_607 : vector<16xf32>
          %add3A_609 = arith.addf %add3A_603, %mul3A_608 : vector<16xf32>
          %broadcast_in_dim3A_610 = arith.constant 18 : i32
          %broadcast_in_dim3A_611 = vector.broadcast %broadcast_in_dim3A_610 : i32 to vector<16xi32>
          %gather3A_612 = tpu.vector_load_idx %arg12[%add3A_496, %broadcast_in_dim3A_611] : memref<800x33xf32, #tpu.memory_space<vmem>>[vector<16xi32>, vector<16xi32>], vector<16xf32>,
          %gather3A_613 = tpu.vector_load_idx %arg8[%get3A_503, %broadcast_in_dim3A_611] : memref<1000x33xf32, #tpu.memory_space<vmem>>[vector<16xi32>, vector<16xi32>], vector<16xf32>,
          %mul3A_614 = arith.mulf %gather3A_612, %gather3A_613 : vector<16xf32>
          %add3A_615 = arith.addf %add3A_609, %mul3A_614 : vector<16xf32>
          %broadcast_in_dim3A_616 = arith.constant 19 : i32
          %broadcast_in_dim3A_617 = vector.broadcast %broadcast_in_dim3A_616 : i32 to vector<16xi32>
          %gather3A_618 = tpu.vector_load_idx %arg12[%add3A_496, %broadcast_in_dim3A_617] : memref<800x33xf32, #tpu.memory_space<vmem>>[vector<16xi32>, vector<16xi32>], vector<16xf32>,
          %gather3A_619 = tpu.vector_load_idx %arg8[%get3A_503, %broadcast_in_dim3A_617] : memref<1000x33xf32, #tpu.memory_space<vmem>>[vector<16xi32>, vector<16xi32>], vector<16xf32>,
          %mul3A_620 = arith.mulf %gather3A_618, %gather3A_619 : vector<16xf32>
          %add3A_621 = arith.addf %add3A_615, %mul3A_620 : vector<16xf32>
          %broadcast_in_dim3A_622 = arith.constant 20 : i32
          %broadcast_in_dim3A_623 = vector.broadcast %broadcast_in_dim3A_622 : i32 to vector<16xi32>
          %gather3A_624 = tpu.vector_load_idx %arg12[%add3A_496, %broadcast_in_dim3A_623] : memref<800x33xf32, #tpu.memory_space<vmem>>[vector<16xi32>, vector<16xi32>], vector<16xf32>,
          %gather3A_625 = tpu.vector_load_idx %arg8[%get3A_503, %broadcast_in_dim3A_623] : memref<1000x33xf32, #tpu.memory_space<vmem>>[vector<16xi32>, vector<16xi32>], vector<16xf32>,
          %mul3A_626 = arith.mulf %gather3A_624, %gather3A_625 : vector<16xf32>
          %add3A_627 = arith.addf %add3A_621, %mul3A_626 : vector<16xf32>
          %broadcast_in_dim3A_628 = arith.constant 21 : i32
          %broadcast_in_dim3A_629 = vector.broadcast %broadcast_in_dim3A_628 : i32 to vector<16xi32>
          %gather3A_630 = tpu.vector_load_idx %arg12[%add3A_496, %broadcast_in_dim3A_629] : memref<800x33xf32, #tpu.memory_space<vmem>>[vector<16xi32>, vector<16xi32>], vector<16xf32>,
          %gather3A_631 = tpu.vector_load_idx %arg8[%get3A_503, %broadcast_in_dim3A_629] : memref<1000x33xf32, #tpu.memory_space<vmem>>[vector<16xi32>, vector<16xi32>], vector<16xf32>,
          %mul3A_632 = arith.mulf %gather3A_630, %gather3A_631 : vector<16xf32>
          %add3A_633 = arith.addf %add3A_627, %mul3A_632 : vector<16xf32>
          %broadcast_in_dim3A_634 = arith.constant 22 : i32
          %broadcast_in_dim3A_635 = vector.broadcast %broadcast_in_dim3A_634 : i32 to vector<16xi32>
          %gather3A_636 = tpu.vector_load_idx %arg12[%add3A_496, %broadcast_in_dim3A_635] : memref<800x33xf32, #tpu.memory_space<vmem>>[vector<16xi32>, vector<16xi32>], vector<16xf32>,
          %gather3A_637 = tpu.vector_load_idx %arg8[%get3A_503, %broadcast_in_dim3A_635] : memref<1000x33xf32, #tpu.memory_space<vmem>>[vector<16xi32>, vector<16xi32>], vector<16xf32>,
          %mul3A_638 = arith.mulf %gather3A_636, %gather3A_637 : vector<16xf32>
          %add3A_639 = arith.addf %add3A_633, %mul3A_638 : vector<16xf32>
          %broadcast_in_dim3A_640 = arith.constant 23 : i32
          %broadcast_in_dim3A_641 = vector.broadcast %broadcast_in_dim3A_640 : i32 to vector<16xi32>
          %gather3A_642 = tpu.vector_load_idx %arg12[%add3A_496, %broadcast_in_dim3A_641] : memref<800x33xf32, #tpu.memory_space<vmem>>[vector<16xi32>, vector<16xi32>], vector<16xf32>,
          %gather3A_643 = tpu.vector_load_idx %arg8[%get3A_503, %broadcast_in_dim3A_641] : memref<1000x33xf32, #tpu.memory_space<vmem>>[vector<16xi32>, vector<16xi32>], vector<16xf32>,
          %mul3A_644 = arith.mulf %gather3A_642, %gather3A_643 : vector<16xf32>
          %add3A_645 = arith.addf %add3A_639, %mul3A_644 : vector<16xf32>
          %broadcast_in_dim3A_646 = arith.constant 24 : i32
          %broadcast_in_dim3A_647 = vector.broadcast %broadcast_in_dim3A_646 : i32 to vector<16xi32>
          %gather3A_648 = tpu.vector_load_idx %arg12[%add3A_496, %broadcast_in_dim3A_647] : memref<800x33xf32, #tpu.memory_space<vmem>>[vector<16xi32>, vector<16xi32>], vector<16xf32>,
          %gather3A_649 = tpu.vector_load_idx %arg8[%get3A_503, %broadcast_in_dim3A_647] : memref<1000x33xf32, #tpu.memory_space<vmem>>[vector<16xi32>, vector<16xi32>], vector<16xf32>,
          %mul3A_650 = arith.mulf %gather3A_648, %gather3A_649 : vector<16xf32>
          %add3A_651 = arith.addf %add3A_645, %mul3A_650 : vector<16xf32>
          %broadcast_in_dim3A_652 = arith.constant 25 : i32
          %broadcast_in_dim3A_653 = vector.broadcast %broadcast_in_dim3A_652 : i32 to vector<16xi32>
          %gather3A_654 = tpu.vector_load_idx %arg12[%add3A_496, %broadcast_in_dim3A_653] : memref<800x33xf32, #tpu.memory_space<vmem>>[vector<16xi32>, vector<16xi32>], vector<16xf32>,
          %gather3A_655 = tpu.vector_load_idx %arg8[%get3A_503, %broadcast_in_dim3A_653] : memref<1000x33xf32, #tpu.memory_space<vmem>>[vector<16xi32>, vector<16xi32>], vector<16xf32>,
          %mul3A_656 = arith.mulf %gather3A_654, %gather3A_655 : vector<16xf32>
          %add3A_657 = arith.addf %add3A_651, %mul3A_656 : vector<16xf32>
          %broadcast_in_dim3A_658 = arith.constant 26 : i32
          %broadcast_in_dim3A_659 = vector.broadcast %broadcast_in_dim3A_658 : i32 to vector<16xi32>
          %gather3A_660 = tpu.vector_load_idx %arg12[%add3A_496, %broadcast_in_dim3A_659] : memref<800x33xf32, #tpu.memory_space<vmem>>[vector<16xi32>, vector<16xi32>], vector<16xf32>,
          %gather3A_661 = tpu.vector_load_idx %arg8[%get3A_503, %broadcast_in_dim3A_659] : memref<1000x33xf32, #tpu.memory_space<vmem>>[vector<16xi32>, vector<16xi32>], vector<16xf32>,
          %mul3A_662 = arith.mulf %gather3A_660, %gather3A_661 : vector<16xf32>
          %add3A_663 = arith.addf %add3A_657, %mul3A_662 : vector<16xf32>
          %broadcast_in_dim3A_664 = arith.constant 27 : i32
          %broadcast_in_dim3A_665 = vector.broadcast %broadcast_in_dim3A_664 : i32 to vector<16xi32>
          %gather3A_666 = tpu.vector_load_idx %arg12[%add3A_496, %broadcast_in_dim3A_665] : memref<800x33xf32, #tpu.memory_space<vmem>>[vector<16xi32>, vector<16xi32>], vector<16xf32>,
          %gather3A_667 = tpu.vector_load_idx %arg8[%get3A_503, %broadcast_in_dim3A_665] : memref<1000x33xf32, #tpu.memory_space<vmem>>[vector<16xi32>, vector<16xi32>], vector<16xf32>,
          %mul3A_668 = arith.mulf %gather3A_666, %gather3A_667 : vector<16xf32>
          %add3A_669 = arith.addf %add3A_663, %mul3A_668 : vector<16xf32>
          %broadcast_in_dim3A_670 = arith.constant 28 : i32
          %broadcast_in_dim3A_671 = vector.broadcast %broadcast_in_dim3A_670 : i32 to vector<16xi32>
          %gather3A_672 = tpu.vector_load_idx %arg12[%add3A_496, %broadcast_in_dim3A_671] : memref<800x33xf32, #tpu.memory_space<vmem>>[vector<16xi32>, vector<16xi32>], vector<16xf32>,
          %gather3A_673 = tpu.vector_load_idx %arg8[%get3A_503, %broadcast_in_dim3A_671] : memref<1000x33xf32, #tpu.memory_space<vmem>>[vector<16xi32>, vector<16xi32>], vector<16xf32>,
          %mul3A_674 = arith.mulf %gather3A_672, %gather3A_673 : vector<16xf32>
          %add3A_675 = arith.addf %add3A_669, %mul3A_674 : vector<16xf32>
          %broadcast_in_dim3A_676 = arith.constant 29 : i32
          %broadcast_in_dim3A_677 = vector.broadcast %broadcast_in_dim3A_676 : i32 to vector<16xi32>
          %gather3A_678 = tpu.vector_load_idx %arg12[%add3A_496, %broadcast_in_dim3A_677] : memref<800x33xf32, #tpu.memory_space<vmem>>[vector<16xi32>, vector<16xi32>], vector<16xf32>,
          %gather3A_679 = tpu.vector_load_idx %arg8[%get3A_503, %broadcast_in_dim3A_677] : memref<1000x33xf32, #tpu.memory_space<vmem>>[vector<16xi32>, vector<16xi32>], vector<16xf32>,
          %mul3A_680 = arith.mulf %gather3A_678, %gather3A_679 : vector<16xf32>
          %add3A_681 = arith.addf %add3A_675, %mul3A_680 : vector<16xf32>
          %broadcast_in_dim3A_682 = arith.constant 30 : i32
          %broadcast_in_dim3A_683 = vector.broadcast %broadcast_in_dim3A_682 : i32 to vector<16xi32>
          %gather3A_684 = tpu.vector_load_idx %arg12[%add3A_496, %broadcast_in_dim3A_683] : memref<800x33xf32, #tpu.memory_space<vmem>>[vector<16xi32>, vector<16xi32>], vector<16xf32>,
          %gather3A_685 = tpu.vector_load_idx %arg8[%get3A_503, %broadcast_in_dim3A_683] : memref<1000x33xf32, #tpu.memory_space<vmem>>[vector<16xi32>, vector<16xi32>], vector<16xf32>,
          %mul3A_686 = arith.mulf %gather3A_684, %gather3A_685 : vector<16xf32>
          %add3A_687 = arith.addf %add3A_681, %mul3A_686 : vector<16xf32>
          %broadcast_in_dim3A_688 = arith.constant 31 : i32
          %broadcast_in_dim3A_689 = vector.broadcast %broadcast_in_dim3A_688 : i32 to vector<16xi32>
          %gather3A_690 = tpu.vector_load_idx %arg12[%add3A_496, %broadcast_in_dim3A_689] : memref<800x33xf32, #tpu.memory_space<vmem>>[vector<16xi32>, vector<16xi32>], vector<16xf32>,
          %gather3A_691 = tpu.vector_load_idx %arg8[%get3A_503, %broadcast_in_dim3A_689] : memref<1000x33xf32, #tpu.memory_space<vmem>>[vector<16xi32>, vector<16xi32>], vector<16xf32>,
          %mul3A_692 = arith.mulf %gather3A_690, %gather3A_691 : vector<16xf32>
          %add3A_693 = arith.addf %add3A_687, %mul3A_692 : vector<16xf32>
          %mul3A_694 = arith.constant 16 : i32
          %mul3A_695 = arith.muli %scan3A_492, %mul3A_694 : i32
          %swap3A = arith.constant 0 : i32
          %swap3A_696 = tpu.memref_slice %arg13[%scan3A_467, %swap3A] : memref<2x800xf32, #tpu.memory_space<vmem>> -> memref<1x800xf32, #tpu.memory_space<vmem>>
          %swap3A_697 = tpu.memref_squeeze %swap3A_696 : memref<1x800xf32, #tpu.memory_space<vmem>> -> memref<800xf32, #tpu.memory_space<vmem>>
          %swap3A_698 = arith.index_cast %mul3A_695 : i32 to index
          %swap3A_699 = tpu.vector_load %swap3A_697[%swap3A_698] {strides = array<i32>} : memref<800xf32, #tpu.memory_space<vmem>>, vector<16xf32>,
          tpu.vector_store %swap3A_697[%swap3A_698], %add3A_693 {strides = array<i32>} : memref<800xf32, #tpu.memory_space<vmem>>, vector<16xf32>,
        }
        %scan3A_472 = arith.constant 50 : i32
        %add3A_473 = arith.constant 64 : i32
        %add3A_474 = arith.addi %add3A_427, %add3A_473 : i32
        %lt3A_475 = arith.constant 625 : i32
        %lt3A_476 = arith.cmpi slt, %add3A_474, %lt3A_475 : i32
        %convert_element_type3A_477 = arith.extui %lt3A_476 : i1 to i32
        %cond3A_478 = arith.constant 0 : i32
        %cond3A_479 = arith.cmpi ne, %convert_element_type3A_477, %cond3A_478 : i32
        scf.if %cond3A_479 {
          %add3A_492 = arith.constant 64 : i32
          %add3A_493 = arith.addi %add3A_427, %add3A_492 : i32
          %mul3A_494 = arith.constant 800 : i32
          %mul3A_495 = arith.muli %add3A_493, %mul3A_494 : i32
          %multiple_of3A_496 = tpu.assume_multiple %mul3A_495, 8 : i32
          %dma_start3A_497 = arith.constant 1 : i32
          %dma_start3A_498 = arith.constant 0 : i32
          %dma_start3A_499 = tpu.memref_slice %arg9[%dma_start3A_497, %dma_start3A_498] : memref<2x800xi32, #tpu.memory_space<vmem>> -> memref<1x800xi32, #tpu.memory_space<vmem>>
          %dma_start3A_500 = tpu.memref_squeeze %dma_start3A_499 : memref<1x800xi32, #tpu.memory_space<vmem>> -> memref<800xi32, #tpu.memory_space<vmem>>
          %dma_start3A_501 = tpu.memref_slice %arg5[%multiple_of3A_496] : memref<500000xi32, #tpu.memory_space<hbm>> -> memref<800xi32, #tpu.memory_space<hbm>>
          %dma_start3A_502 = arith.constant 0 : i32
          %dma_start3A_503 = tpu.memref_slice %arg9[%dma_start3A_497, %dma_start3A_502] : memref<2x800xi32, #tpu.memory_space<vmem>> -> memref<1x800xi32, #tpu.memory_space<vmem>>
          %dma_start3A_504 = tpu.memref_squeeze %dma_start3A_503 : memref<1x800xi32, #tpu.memory_space<vmem>> -> memref<800xi32, #tpu.memory_space<vmem>>
          %dma_start3A_505 = tpu.memref_slice %arg5[%multiple_of3A_496] : memref<500000xi32, #tpu.memory_space<hbm>> -> memref<800xi32, #tpu.memory_space<hbm>>
          tpu.enqueue_dma source(%dma_start3A_505 : memref<800xi32, #tpu.memory_space<hbm>>) target(%dma_start3A_504 : memref<800xi32, #tpu.memory_space<vmem>>) target_semaphore(%arg18 : memref<!tpu.dma_semaphore, #tpu.memory_space<semaphore_mem>>)
          %dma_start3A_506 = arith.constant 1 : i32
          %dma_start3A_507 = arith.constant 0 : i32
          %dma_start3A_508 = tpu.memref_slice %arg10[%dma_start3A_506, %dma_start3A_507] : memref<2x800xi32, #tpu.memory_space<vmem>> -> memref<1x800xi32, #tpu.memory_space<vmem>>
          %dma_start3A_509 = tpu.memref_squeeze %dma_start3A_508 : memref<1x800xi32, #tpu.memory_space<vmem>> -> memref<800xi32, #tpu.memory_space<vmem>>
          %dma_start3A_510 = tpu.memref_slice %arg6[%multiple_of3A_496] : memref<500000xi32, #tpu.memory_space<hbm>> -> memref<800xi32, #tpu.memory_space<hbm>>
          %dma_start3A_511 = arith.constant 0 : i32
          %dma_start3A_512 = tpu.memref_slice %arg10[%dma_start3A_506, %dma_start3A_511] : memref<2x800xi32, #tpu.memory_space<vmem>> -> memref<1x800xi32, #tpu.memory_space<vmem>>
          %dma_start3A_513 = tpu.memref_squeeze %dma_start3A_512 : memref<1x800xi32, #tpu.memory_space<vmem>> -> memref<800xi32, #tpu.memory_space<vmem>>
          %dma_start3A_514 = tpu.memref_slice %arg6[%multiple_of3A_496] : memref<500000xi32, #tpu.memory_space<hbm>> -> memref<800xi32, #tpu.memory_space<hbm>>
          tpu.enqueue_dma source(%dma_start3A_514 : memref<800xi32, #tpu.memory_space<hbm>>) target(%dma_start3A_513 : memref<800xi32, #tpu.memory_space<vmem>>) target_semaphore(%arg18 : memref<!tpu.dma_semaphore, #tpu.memory_space<semaphore_mem>>)
        } else {
        }
        %mul3A_480 = arith.constant 800 : i32
        %mul3A_481 = arith.muli %add3A_427, %mul3A_480 : i32
        %multiple_of3A_482 = tpu.assume_multiple %mul3A_481, 8 : i32
        %dma_start3A_483 = arith.constant 1 : i32
        %dma_start3A_484 = arith.constant 0 : i32
        %dma_start3A_485 = tpu.memref_slice %arg13[%dma_start3A_483, %dma_start3A_484] : memref<2x800xf32, #tpu.memory_space<vmem>> -> memref<1x800xf32, #tpu.memory_space<vmem>>
        %dma_start3A_486 = tpu.memref_squeeze %dma_start3A_485 : memref<1x800xf32, #tpu.memory_space<vmem>> -> memref<800xf32, #tpu.memory_space<vmem>>
        %dma_start3A_487 = tpu.memref_slice %arg7[%multiple_of3A_482] : memref<500000xf32, #tpu.memory_space<hbm>> -> memref<800xf32, #tpu.memory_space<hbm>>
        %dma_start3A_488 = tpu.memref_slice %arg7[%multiple_of3A_482] : memref<500000xf32, #tpu.memory_space<hbm>> -> memref<800xf32, #tpu.memory_space<hbm>>
        %dma_start3A_489 = arith.constant 0 : i32
        %dma_start3A_490 = tpu.memref_slice %arg13[%dma_start3A_483, %dma_start3A_489] : memref<2x800xf32, #tpu.memory_space<vmem>> -> memref<1x800xf32, #tpu.memory_space<vmem>>
        %dma_start3A_491 = tpu.memref_squeeze %dma_start3A_490 : memref<1x800xf32, #tpu.memory_space<vmem>> -> memref<800xf32, #tpu.memory_space<vmem>>
        tpu.enqueue_dma source(%dma_start3A_491 : memref<800xf32, #tpu.memory_space<vmem>>) target(%dma_start3A_488 : memref<800xf32, #tpu.memory_space<hbm>>) target_semaphore(%arg20 : memref<!tpu.dma_semaphore, #tpu.memory_space<semaphore_mem>>)
      } else {
      }
    }
    %scan3A_169 = arith.constant 10 : i32
    %add3A_170 = arith.constant 0 : i32
    %add3A_171 = arith.addi %add3A, %add3A_170 : i32
    %lt3A_172 = arith.constant 625 : i32
    %lt3A_173 = arith.cmpi slt, %add3A_171, %lt3A_172 : i32
    %add3A_174 = arith.constant 64 : i32
    %add3A_175 = arith.addi %add3A_171, %add3A_174 : i32
    %ge3A = arith.constant 625 : i32
    %ge3A_176 = arith.cmpi sge, %add3A_175, %ge3A : i32
    %and3A = arith.andi %lt3A_173, %ge3A_176 : i1
    %convert_element_type3A_177 = arith.extui %and3A : i1 to i32
    %cond3A_178 = arith.constant 0 : i32
    %cond3A_179 = arith.cmpi ne, %convert_element_type3A_177, %cond3A_178 : i32
    scf.if %cond3A_179 {
      %dma_wait3A_408 = arith.constant 0 : i32
      %dma_wait3A_409 = arith.constant 0 : i32
      %dma_wait3A_410 = tpu.memref_slice %arg13[%dma_wait3A_408, %dma_wait3A_409] : memref<2x800xf32, #tpu.memory_space<vmem>> -> memref<1x800xf32, #tpu.memory_space<vmem>>
      %dma_wait3A_411 = tpu.memref_squeeze %dma_wait3A_410 : memref<1x800xf32, #tpu.memory_space<vmem>> -> memref<800xf32, #tpu.memory_space<vmem>>
      %dma_wait3A_412 = arith.constant 0 : i32
      %dma_wait3A_413 = tpu.memref_slice %arg7[%dma_wait3A_412] : memref<500000xf32, #tpu.memory_space<hbm>> -> memref<800xf32, #tpu.memory_space<hbm>>
      %dma_wait3A_414 = arith.constant 0 : i32
      %dma_wait3A_415 = tpu.memref_slice %arg13[%dma_wait3A_408, %dma_wait3A_414] : memref<2x800xf32, #tpu.memory_space<vmem>> -> memref<1x800xf32, #tpu.memory_space<vmem>>
      %dma_wait3A_416 = tpu.memref_squeeze %dma_wait3A_415 : memref<1x800xf32, #tpu.memory_space<vmem>> -> memref<800xf32, #tpu.memory_space<vmem>>
      %dma_wait3A_417 = arith.constant 0 : i32
      %dma_wait3A_418 = tpu.memref_slice %arg7[%dma_wait3A_417] : memref<500000xf32, #tpu.memory_space<hbm>> -> memref<800xf32, #tpu.memory_space<hbm>>
      tpu.wait_dma2 semaphore(%arg19 : memref<!tpu.dma_semaphore, #tpu.memory_space<semaphore_mem>>) src(%dma_wait3A_418 : memref<800xf32, #tpu.memory_space<hbm>>) dst(%dma_wait3A_416 : memref<800xf32, #tpu.memory_space<vmem>>)
    } else {
    }
    %add3A_180 = arith.constant 32 : i32
    %add3A_181 = arith.addi %add3A, %add3A_180 : i32
    %lt3A_182 = arith.constant 625 : i32
    %lt3A_183 = arith.cmpi slt, %add3A_181, %lt3A_182 : i32
    %add3A_184 = arith.constant 64 : i32
    %add3A_185 = arith.addi %add3A_181, %add3A_184 : i32
    %ge3A_186 = arith.constant 625 : i32
    %ge3A_187 = arith.cmpi sge, %add3A_185, %ge3A_186 : i32
    %and3A_188 = arith.andi %lt3A_183, %ge3A_187 : i1
    %convert_element_type3A_189 = arith.extui %and3A_188 : i1 to i32
    %cond3A_190 = arith.constant 0 : i32
    %cond3A_191 = arith.cmpi ne, %convert_element_type3A_189, %cond3A_190 : i32
    scf.if %cond3A_191 {
      %dma_wait3A_408 = arith.constant 1 : i32
      %dma_wait3A_409 = arith.constant 0 : i32
      %dma_wait3A_410 = tpu.memref_slice %arg13[%dma_wait3A_408, %dma_wait3A_409] : memref<2x800xf32, #tpu.memory_space<vmem>> -> memref<1x800xf32, #tpu.memory_space<vmem>>
      %dma_wait3A_411 = tpu.memref_squeeze %dma_wait3A_410 : memref<1x800xf32, #tpu.memory_space<vmem>> -> memref<800xf32, #tpu.memory_space<vmem>>
      %dma_wait3A_412 = arith.constant 0 : i32
      %dma_wait3A_413 = tpu.memref_slice %arg7[%dma_wait3A_412] : memref<500000xf32, #tpu.memory_space<hbm>> -> memref<800xf32, #tpu.memory_space<hbm>>
      %dma_wait3A_414 = arith.constant 0 : i32
      %dma_wait3A_415 = tpu.memref_slice %arg13[%dma_wait3A_408, %dma_wait3A_414] : memref<2x800xf32, #tpu.memory_space<vmem>> -> memref<1x800xf32, #tpu.memory_space<vmem>>
      %dma_wait3A_416 = tpu.memref_squeeze %dma_wait3A_415 : memref<1x800xf32, #tpu.memory_space<vmem>> -> memref<800xf32, #tpu.memory_space<vmem>>
      %dma_wait3A_417 = arith.constant 0 : i32
      %dma_wait3A_418 = tpu.memref_slice %arg7[%dma_wait3A_417] : memref<500000xf32, #tpu.memory_space<hbm>> -> memref<800xf32, #tpu.memory_space<hbm>>
      tpu.wait_dma2 semaphore(%arg20 : memref<!tpu.dma_semaphore, #tpu.memory_space<semaphore_mem>>) src(%dma_wait3A_418 : memref<800xf32, #tpu.memory_space<hbm>>) dst(%dma_wait3A_416 : memref<800xf32, #tpu.memory_space<vmem>>)
    } else {
    }
    %add3A_192 = arith.constant 64 : i32
    %add3A_193 = arith.addi %add3A, %add3A_192 : i32
    %lt3A_194 = arith.constant 625 : i32
    %lt3A_195 = arith.cmpi slt, %add3A_193, %lt3A_194 : i32
    %add3A_196 = arith.constant 64 : i32
    %add3A_197 = arith.addi %add3A_193, %add3A_196 : i32
    %ge3A_198 = arith.constant 625 : i32
    %ge3A_199 = arith.cmpi sge, %add3A_197, %ge3A_198 : i32
    %and3A_200 = arith.andi %lt3A_195, %ge3A_199 : i1
    %convert_element_type3A_201 = arith.extui %and3A_200 : i1 to i32
    %cond3A_202 = arith.constant 0 : i32
    %cond3A_203 = arith.cmpi ne, %convert_element_type3A_201, %cond3A_202 : i32
    scf.if %cond3A_203 {
      %dma_wait3A_408 = arith.constant 0 : i32
      %dma_wait3A_409 = arith.constant 0 : i32
      %dma_wait3A_410 = tpu.memref_slice %arg13[%dma_wait3A_408, %dma_wait3A_409] : memref<2x800xf32, #tpu.memory_space<vmem>> -> memref<1x800xf32, #tpu.memory_space<vmem>>
      %dma_wait3A_411 = tpu.memref_squeeze %dma_wait3A_410 : memref<1x800xf32, #tpu.memory_space<vmem>> -> memref<800xf32, #tpu.memory_space<vmem>>
      %dma_wait3A_412 = arith.constant 0 : i32
      %dma_wait3A_413 = tpu.memref_slice %arg7[%dma_wait3A_412] : memref<500000xf32, #tpu.memory_space<hbm>> -> memref<800xf32, #tpu.memory_space<hbm>>
      %dma_wait3A_414 = arith.constant 0 : i32
      %dma_wait3A_415 = tpu.memref_slice %arg13[%dma_wait3A_408, %dma_wait3A_414] : memref<2x800xf32, #tpu.memory_space<vmem>> -> memref<1x800xf32, #tpu.memory_space<vmem>>
      %dma_wait3A_416 = tpu.memref_squeeze %dma_wait3A_415 : memref<1x800xf32, #tpu.memory_space<vmem>> -> memref<800xf32, #tpu.memory_space<vmem>>
      %dma_wait3A_417 = arith.constant 0 : i32
      %dma_wait3A_418 = tpu.memref_slice %arg7[%dma_wait3A_417] : memref<500000xf32, #tpu.memory_space<hbm>> -> memref<800xf32, #tpu.memory_space<hbm>>
      tpu.wait_dma2 semaphore(%arg19 : memref<!tpu.dma_semaphore, #tpu.memory_space<semaphore_mem>>) src(%dma_wait3A_418 : memref<800xf32, #tpu.memory_space<hbm>>) dst(%dma_wait3A_416 : memref<800xf32, #tpu.memory_space<vmem>>)
    } else {
    }
    %add3A_204 = arith.constant 96 : i32
    %add3A_205 = arith.addi %add3A, %add3A_204 : i32
    %lt3A_206 = arith.constant 625 : i32
    %lt3A_207 = arith.cmpi slt, %add3A_205, %lt3A_206 : i32
    %add3A_208 = arith.constant 64 : i32
    %add3A_209 = arith.addi %add3A_205, %add3A_208 : i32
    %ge3A_210 = arith.constant 625 : i32
    %ge3A_211 = arith.cmpi sge, %add3A_209, %ge3A_210 : i32
    %and3A_212 = arith.andi %lt3A_207, %ge3A_211 : i1
    %convert_element_type3A_213 = arith.extui %and3A_212 : i1 to i32
    %cond3A_214 = arith.constant 0 : i32
    %cond3A_215 = arith.cmpi ne, %convert_element_type3A_213, %cond3A_214 : i32
    scf.if %cond3A_215 {
      %dma_wait3A_408 = arith.constant 1 : i32
      %dma_wait3A_409 = arith.constant 0 : i32
      %dma_wait3A_410 = tpu.memref_slice %arg13[%dma_wait3A_408, %dma_wait3A_409] : memref<2x800xf32, #tpu.memory_space<vmem>> -> memref<1x800xf32, #tpu.memory_space<vmem>>
      %dma_wait3A_411 = tpu.memref_squeeze %dma_wait3A_410 : memref<1x800xf32, #tpu.memory_space<vmem>> -> memref<800xf32, #tpu.memory_space<vmem>>
      %dma_wait3A_412 = arith.constant 0 : i32
      %dma_wait3A_413 = tpu.memref_slice %arg7[%dma_wait3A_412] : memref<500000xf32, #tpu.memory_space<hbm>> -> memref<800xf32, #tpu.memory_space<hbm>>
      %dma_wait3A_414 = arith.constant 0 : i32
      %dma_wait3A_415 = tpu.memref_slice %arg13[%dma_wait3A_408, %dma_wait3A_414] : memref<2x800xf32, #tpu.memory_space<vmem>> -> memref<1x800xf32, #tpu.memory_space<vmem>>
      %dma_wait3A_416 = tpu.memref_squeeze %dma_wait3A_415 : memref<1x800xf32, #tpu.memory_space<vmem>> -> memref<800xf32, #tpu.memory_space<vmem>>
      %dma_wait3A_417 = arith.constant 0 : i32
      %dma_wait3A_418 = tpu.memref_slice %arg7[%dma_wait3A_417] : memref<500000xf32, #tpu.memory_space<hbm>> -> memref<800xf32, #tpu.memory_space<hbm>>
      tpu.wait_dma2 semaphore(%arg20 : memref<!tpu.dma_semaphore, #tpu.memory_space<semaphore_mem>>) src(%dma_wait3A_418 : memref<800xf32, #tpu.memory_space<hbm>>) dst(%dma_wait3A_416 : memref<800xf32, #tpu.memory_space<vmem>>)
    } else {
    }
    %add3A_216 = arith.constant 128 : i32
    %add3A_217 = arith.addi %add3A, %add3A_216 : i32
    %lt3A_218 = arith.constant 625 : i32
    %lt3A_219 = arith.cmpi slt, %add3A_217, %lt3A_218 : i32
    %add3A_220 = arith.constant 64 : i32
    %add3A_221 = arith.addi %add3A_217, %add3A_220 : i32
    %ge3A_222 = arith.constant 625 : i32
    %ge3A_223 = arith.cmpi sge, %add3A_221, %ge3A_222 : i32
    %and3A_224 = arith.andi %lt3A_219, %ge3A_223 : i1
    %convert_element_type3A_225 = arith.extui %and3A_224 : i1 to i32
    %cond3A_226 = arith.constant 0 : i32
    %cond3A_227 = arith.cmpi ne, %convert_element_type3A_225, %cond3A_226 : i32
    scf.if %cond3A_227 {
      %dma_wait3A_408 = arith.constant 0 : i32
      %dma_wait3A_409 = arith.constant 0 : i32
      %dma_wait3A_410 = tpu.memref_slice %arg13[%dma_wait3A_408, %dma_wait3A_409] : memref<2x800xf32, #tpu.memory_space<vmem>> -> memref<1x800xf32, #tpu.memory_space<vmem>>
      %dma_wait3A_411 = tpu.memref_squeeze %dma_wait3A_410 : memref<1x800xf32, #tpu.memory_space<vmem>> -> memref<800xf32, #tpu.memory_space<vmem>>
      %dma_wait3A_412 = arith.constant 0 : i32
      %dma_wait3A_413 = tpu.memref_slice %arg7[%dma_wait3A_412] : memref<500000xf32, #tpu.memory_space<hbm>> -> memref<800xf32, #tpu.memory_space<hbm>>
      %dma_wait3A_414 = arith.constant 0 : i32
      %dma_wait3A_415 = tpu.memref_slice %arg13[%dma_wait3A_408, %dma_wait3A_414] : memref<2x800xf32, #tpu.memory_space<vmem>> -> memref<1x800xf32, #tpu.memory_space<vmem>>
      %dma_wait3A_416 = tpu.memref_squeeze %dma_wait3A_415 : memref<1x800xf32, #tpu.memory_space<vmem>> -> memref<800xf32, #tpu.memory_space<vmem>>
      %dma_wait3A_417 = arith.constant 0 : i32
      %dma_wait3A_418 = tpu.memref_slice %arg7[%dma_wait3A_417] : memref<500000xf32, #tpu.memory_space<hbm>> -> memref<800xf32, #tpu.memory_space<hbm>>
      tpu.wait_dma2 semaphore(%arg19 : memref<!tpu.dma_semaphore, #tpu.memory_space<semaphore_mem>>) src(%dma_wait3A_418 : memref<800xf32, #tpu.memory_space<hbm>>) dst(%dma_wait3A_416 : memref<800xf32, #tpu.memory_space<vmem>>)
    } else {
    }
    %add3A_228 = arith.constant 160 : i32
    %add3A_229 = arith.addi %add3A, %add3A_228 : i32
    %lt3A_230 = arith.constant 625 : i32
    %lt3A_231 = arith.cmpi slt, %add3A_229, %lt3A_230 : i32
    %add3A_232 = arith.constant 64 : i32
    %add3A_233 = arith.addi %add3A_229, %add3A_232 : i32
    %ge3A_234 = arith.constant 625 : i32
    %ge3A_235 = arith.cmpi sge, %add3A_233, %ge3A_234 : i32
    %and3A_236 = arith.andi %lt3A_231, %ge3A_235 : i1
    %convert_element_type3A_237 = arith.extui %and3A_236 : i1 to i32
    %cond3A_238 = arith.constant 0 : i32
    %cond3A_239 = arith.cmpi ne, %convert_element_type3A_237, %cond3A_238 : i32
    scf.if %cond3A_239 {
      %dma_wait3A_408 = arith.constant 1 : i32
      %dma_wait3A_409 = arith.constant 0 : i32
      %dma_wait3A_410 = tpu.memref_slice %arg13[%dma_wait3A_408, %dma_wait3A_409] : memref<2x800xf32, #tpu.memory_space<vmem>> -> memref<1x800xf32, #tpu.memory_space<vmem>>
      %dma_wait3A_411 = tpu.memref_squeeze %dma_wait3A_410 : memref<1x800xf32, #tpu.memory_space<vmem>> -> memref<800xf32, #tpu.memory_space<vmem>>
      %dma_wait3A_412 = arith.constant 0 : i32
      %dma_wait3A_413 = tpu.memref_slice %arg7[%dma_wait3A_412] : memref<500000xf32, #tpu.memory_space<hbm>> -> memref<800xf32, #tpu.memory_space<hbm>>
      %dma_wait3A_414 = arith.constant 0 : i32
      %dma_wait3A_415 = tpu.memref_slice %arg13[%dma_wait3A_408, %dma_wait3A_414] : memref<2x800xf32, #tpu.memory_space<vmem>> -> memref<1x800xf32, #tpu.memory_space<vmem>>
      %dma_wait3A_416 = tpu.memref_squeeze %dma_wait3A_415 : memref<1x800xf32, #tpu.memory_space<vmem>> -> memref<800xf32, #tpu.memory_space<vmem>>
      %dma_wait3A_417 = arith.constant 0 : i32
      %dma_wait3A_418 = tpu.memref_slice %arg7[%dma_wait3A_417] : memref<500000xf32, #tpu.memory_space<hbm>> -> memref<800xf32, #tpu.memory_space<hbm>>
      tpu.wait_dma2 semaphore(%arg20 : memref<!tpu.dma_semaphore, #tpu.memory_space<semaphore_mem>>) src(%dma_wait3A_418 : memref<800xf32, #tpu.memory_space<hbm>>) dst(%dma_wait3A_416 : memref<800xf32, #tpu.memory_space<vmem>>)
    } else {
    }
    %add3A_240 = arith.constant 192 : i32
    %add3A_241 = arith.addi %add3A, %add3A_240 : i32
    %lt3A_242 = arith.constant 625 : i32
    %lt3A_243 = arith.cmpi slt, %add3A_241, %lt3A_242 : i32
    %add3A_244 = arith.constant 64 : i32
    %add3A_245 = arith.addi %add3A_241, %add3A_244 : i32
    %ge3A_246 = arith.constant 625 : i32
    %ge3A_247 = arith.cmpi sge, %add3A_245, %ge3A_246 : i32
    %and3A_248 = arith.andi %lt3A_243, %ge3A_247 : i1
    %convert_element_type3A_249 = arith.extui %and3A_248 : i1 to i32
    %cond3A_250 = arith.constant 0 : i32
    %cond3A_251 = arith.cmpi ne, %convert_element_type3A_249, %cond3A_250 : i32
    scf.if %cond3A_251 {
      %dma_wait3A_408 = arith.constant 0 : i32
      %dma_wait3A_409 = arith.constant 0 : i32
      %dma_wait3A_410 = tpu.memref_slice %arg13[%dma_wait3A_408, %dma_wait3A_409] : memref<2x800xf32, #tpu.memory_space<vmem>> -> memref<1x800xf32, #tpu.memory_space<vmem>>
      %dma_wait3A_411 = tpu.memref_squeeze %dma_wait3A_410 : memref<1x800xf32, #tpu.memory_space<vmem>> -> memref<800xf32, #tpu.memory_space<vmem>>
      %dma_wait3A_412 = arith.constant 0 : i32
      %dma_wait3A_413 = tpu.memref_slice %arg7[%dma_wait3A_412] : memref<500000xf32, #tpu.memory_space<hbm>> -> memref<800xf32, #tpu.memory_space<hbm>>
      %dma_wait3A_414 = arith.constant 0 : i32
      %dma_wait3A_415 = tpu.memref_slice %arg13[%dma_wait3A_408, %dma_wait3A_414] : memref<2x800xf32, #tpu.memory_space<vmem>> -> memref<1x800xf32, #tpu.memory_space<vmem>>
      %dma_wait3A_416 = tpu.memref_squeeze %dma_wait3A_415 : memref<1x800xf32, #tpu.memory_space<vmem>> -> memref<800xf32, #tpu.memory_space<vmem>>
      %dma_wait3A_417 = arith.constant 0 : i32
      %dma_wait3A_418 = tpu.memref_slice %arg7[%dma_wait3A_417] : memref<500000xf32, #tpu.memory_space<hbm>> -> memref<800xf32, #tpu.memory_space<hbm>>
      tpu.wait_dma2 semaphore(%arg19 : memref<!tpu.dma_semaphore, #tpu.memory_space<semaphore_mem>>) src(%dma_wait3A_418 : memref<800xf32, #tpu.memory_space<hbm>>) dst(%dma_wait3A_416 : memref<800xf32, #tpu.memory_space<vmem>>)
    } else {
    }
    %add3A_252 = arith.constant 224 : i32
    %add3A_253 = arith.addi %add3A, %add3A_252 : i32
    %lt3A_254 = arith.constant 625 : i32
    %lt3A_255 = arith.cmpi slt, %add3A_253, %lt3A_254 : i32
    %add3A_256 = arith.constant 64 : i32
    %add3A_257 = arith.addi %add3A_253, %add3A_256 : i32
    %ge3A_258 = arith.constant 625 : i32
    %ge3A_259 = arith.cmpi sge, %add3A_257, %ge3A_258 : i32
    %and3A_260 = arith.andi %lt3A_255, %ge3A_259 : i1
    %convert_element_type3A_261 = arith.extui %and3A_260 : i1 to i32
    %cond3A_262 = arith.constant 0 : i32
    %cond3A_263 = arith.cmpi ne, %convert_element_type3A_261, %cond3A_262 : i32
    scf.if %cond3A_263 {
      %dma_wait3A_408 = arith.constant 1 : i32
      %dma_wait3A_409 = arith.constant 0 : i32
      %dma_wait3A_410 = tpu.memref_slice %arg13[%dma_wait3A_408, %dma_wait3A_409] : memref<2x800xf32, #tpu.memory_space<vmem>> -> memref<1x800xf32, #tpu.memory_space<vmem>>
      %dma_wait3A_411 = tpu.memref_squeeze %dma_wait3A_410 : memref<1x800xf32, #tpu.memory_space<vmem>> -> memref<800xf32, #tpu.memory_space<vmem>>
      %dma_wait3A_412 = arith.constant 0 : i32
      %dma_wait3A_413 = tpu.memref_slice %arg7[%dma_wait3A_412] : memref<500000xf32, #tpu.memory_space<hbm>> -> memref<800xf32, #tpu.memory_space<hbm>>
      %dma_wait3A_414 = arith.constant 0 : i32
      %dma_wait3A_415 = tpu.memref_slice %arg13[%dma_wait3A_408, %dma_wait3A_414] : memref<2x800xf32, #tpu.memory_space<vmem>> -> memref<1x800xf32, #tpu.memory_space<vmem>>
      %dma_wait3A_416 = tpu.memref_squeeze %dma_wait3A_415 : memref<1x800xf32, #tpu.memory_space<vmem>> -> memref<800xf32, #tpu.memory_space<vmem>>
      %dma_wait3A_417 = arith.constant 0 : i32
      %dma_wait3A_418 = tpu.memref_slice %arg7[%dma_wait3A_417] : memref<500000xf32, #tpu.memory_space<hbm>> -> memref<800xf32, #tpu.memory_space<hbm>>
      tpu.wait_dma2 semaphore(%arg20 : memref<!tpu.dma_semaphore, #tpu.memory_space<semaphore_mem>>) src(%dma_wait3A_418 : memref<800xf32, #tpu.memory_space<hbm>>) dst(%dma_wait3A_416 : memref<800xf32, #tpu.memory_space<vmem>>)
    } else {
    }
    %add3A_264 = arith.constant 256 : i32
    %add3A_265 = arith.addi %add3A, %add3A_264 : i32
    %lt3A_266 = arith.constant 625 : i32
    %lt3A_267 = arith.cmpi slt, %add3A_265, %lt3A_266 : i32
    %add3A_268 = arith.constant 64 : i32
    %add3A_269 = arith.addi %add3A_265, %add3A_268 : i32
    %ge3A_270 = arith.constant 625 : i32
    %ge3A_271 = arith.cmpi sge, %add3A_269, %ge3A_270 : i32
    %and3A_272 = arith.andi %lt3A_267, %ge3A_271 : i1
    %convert_element_type3A_273 = arith.extui %and3A_272 : i1 to i32
    %cond3A_274 = arith.constant 0 : i32
    %cond3A_275 = arith.cmpi ne, %convert_element_type3A_273, %cond3A_274 : i32
    scf.if %cond3A_275 {
      %dma_wait3A_408 = arith.constant 0 : i32
      %dma_wait3A_409 = arith.constant 0 : i32
      %dma_wait3A_410 = tpu.memref_slice %arg13[%dma_wait3A_408, %dma_wait3A_409] : memref<2x800xf32, #tpu.memory_space<vmem>> -> memref<1x800xf32, #tpu.memory_space<vmem>>
      %dma_wait3A_411 = tpu.memref_squeeze %dma_wait3A_410 : memref<1x800xf32, #tpu.memory_space<vmem>> -> memref<800xf32, #tpu.memory_space<vmem>>
      %dma_wait3A_412 = arith.constant 0 : i32
      %dma_wait3A_413 = tpu.memref_slice %arg7[%dma_wait3A_412] : memref<500000xf32, #tpu.memory_space<hbm>> -> memref<800xf32, #tpu.memory_space<hbm>>
      %dma_wait3A_414 = arith.constant 0 : i32
      %dma_wait3A_415 = tpu.memref_slice %arg13[%dma_wait3A_408, %dma_wait3A_414] : memref<2x800xf32, #tpu.memory_space<vmem>> -> memref<1x800xf32, #tpu.memory_space<vmem>>
      %dma_wait3A_416 = tpu.memref_squeeze %dma_wait3A_415 : memref<1x800xf32, #tpu.memory_space<vmem>> -> memref<800xf32, #tpu.memory_space<vmem>>
      %dma_wait3A_417 = arith.constant 0 : i32
      %dma_wait3A_418 = tpu.memref_slice %arg7[%dma_wait3A_417] : memref<500000xf32, #tpu.memory_space<hbm>> -> memref<800xf32, #tpu.memory_space<hbm>>
      tpu.wait_dma2 semaphore(%arg19 : memref<!tpu.dma_semaphore, #tpu.memory_space<semaphore_mem>>) src(%dma_wait3A_418 : memref<800xf32, #tpu.memory_space<hbm>>) dst(%dma_wait3A_416 : memref<800xf32, #tpu.memory_space<vmem>>)
    } else {
    }
    %add3A_276 = arith.constant 288 : i32
    %add3A_277 = arith.addi %add3A, %add3A_276 : i32
    %lt3A_278 = arith.constant 625 : i32
    %lt3A_279 = arith.cmpi slt, %add3A_277, %lt3A_278 : i32
    %add3A_280 = arith.constant 64 : i32
    %add3A_281 = arith.addi %add3A_277, %add3A_280 : i32
    %ge3A_282 = arith.constant 625 : i32
    %ge3A_283 = arith.cmpi sge, %add3A_281, %ge3A_282 : i32
    %and3A_284 = arith.andi %lt3A_279, %ge3A_283 : i1
    %convert_element_type3A_285 = arith.extui %and3A_284 : i1 to i32
    %cond3A_286 = arith.constant 0 : i32
    %cond3A_287 = arith.cmpi ne, %convert_element_type3A_285, %cond3A_286 : i32
    scf.if %cond3A_287 {
      %dma_wait3A_408 = arith.constant 1 : i32
      %dma_wait3A_409 = arith.constant 0 : i32
      %dma_wait3A_410 = tpu.memref_slice %arg13[%dma_wait3A_408, %dma_wait3A_409] : memref<2x800xf32, #tpu.memory_space<vmem>> -> memref<1x800xf32, #tpu.memory_space<vmem>>
      %dma_wait3A_411 = tpu.memref_squeeze %dma_wait3A_410 : memref<1x800xf32, #tpu.memory_space<vmem>> -> memref<800xf32, #tpu.memory_space<vmem>>
      %dma_wait3A_412 = arith.constant 0 : i32
      %dma_wait3A_413 = tpu.memref_slice %arg7[%dma_wait3A_412] : memref<500000xf32, #tpu.memory_space<hbm>> -> memref<800xf32, #tpu.memory_space<hbm>>
      %dma_wait3A_414 = arith.constant 0 : i32
      %dma_wait3A_415 = tpu.memref_slice %arg13[%dma_wait3A_408, %dma_wait3A_414] : memref<2x800xf32, #tpu.memory_space<vmem>> -> memref<1x800xf32, #tpu.memory_space<vmem>>
      %dma_wait3A_416 = tpu.memref_squeeze %dma_wait3A_415 : memref<1x800xf32, #tpu.memory_space<vmem>> -> memref<800xf32, #tpu.memory_space<vmem>>
      %dma_wait3A_417 = arith.constant 0 : i32
      %dma_wait3A_418 = tpu.memref_slice %arg7[%dma_wait3A_417] : memref<500000xf32, #tpu.memory_space<hbm>> -> memref<800xf32, #tpu.memory_space<hbm>>
      tpu.wait_dma2 semaphore(%arg20 : memref<!tpu.dma_semaphore, #tpu.memory_space<semaphore_mem>>) src(%dma_wait3A_418 : memref<800xf32, #tpu.memory_space<hbm>>) dst(%dma_wait3A_416 : memref<800xf32, #tpu.memory_space<vmem>>)
    } else {
    }
    %add3A_288 = arith.constant 320 : i32
    %add3A_289 = arith.addi %add3A, %add3A_288 : i32
    %lt3A_290 = arith.constant 625 : i32
    %lt3A_291 = arith.cmpi slt, %add3A_289, %lt3A_290 : i32
    %add3A_292 = arith.constant 64 : i32
    %add3A_293 = arith.addi %add3A_289, %add3A_292 : i32
    %ge3A_294 = arith.constant 625 : i32
    %ge3A_295 = arith.cmpi sge, %add3A_293, %ge3A_294 : i32
    %and3A_296 = arith.andi %lt3A_291, %ge3A_295 : i1
    %convert_element_type3A_297 = arith.extui %and3A_296 : i1 to i32
    %cond3A_298 = arith.constant 0 : i32
    %cond3A_299 = arith.cmpi ne, %convert_element_type3A_297, %cond3A_298 : i32
    scf.if %cond3A_299 {
      %dma_wait3A_408 = arith.constant 0 : i32
      %dma_wait3A_409 = arith.constant 0 : i32
      %dma_wait3A_410 = tpu.memref_slice %arg13[%dma_wait3A_408, %dma_wait3A_409] : memref<2x800xf32, #tpu.memory_space<vmem>> -> memref<1x800xf32, #tpu.memory_space<vmem>>
      %dma_wait3A_411 = tpu.memref_squeeze %dma_wait3A_410 : memref<1x800xf32, #tpu.memory_space<vmem>> -> memref<800xf32, #tpu.memory_space<vmem>>
      %dma_wait3A_412 = arith.constant 0 : i32
      %dma_wait3A_413 = tpu.memref_slice %arg7[%dma_wait3A_412] : memref<500000xf32, #tpu.memory_space<hbm>> -> memref<800xf32, #tpu.memory_space<hbm>>
      %dma_wait3A_414 = arith.constant 0 : i32
      %dma_wait3A_415 = tpu.memref_slice %arg13[%dma_wait3A_408, %dma_wait3A_414] : memref<2x800xf32, #tpu.memory_space<vmem>> -> memref<1x800xf32, #tpu.memory_space<vmem>>
      %dma_wait3A_416 = tpu.memref_squeeze %dma_wait3A_415 : memref<1x800xf32, #tpu.memory_space<vmem>> -> memref<800xf32, #tpu.memory_space<vmem>>
      %dma_wait3A_417 = arith.constant 0 : i32
      %dma_wait3A_418 = tpu.memref_slice %arg7[%dma_wait3A_417] : memref<500000xf32, #tpu.memory_space<hbm>> -> memref<800xf32, #tpu.memory_space<hbm>>
      tpu.wait_dma2 semaphore(%arg19 : memref<!tpu.dma_semaphore, #tpu.memory_space<semaphore_mem>>) src(%dma_wait3A_418 : memref<800xf32, #tpu.memory_space<hbm>>) dst(%dma_wait3A_416 : memref<800xf32, #tpu.memory_space<vmem>>)
    } else {
    }
    %add3A_300 = arith.constant 352 : i32
    %add3A_301 = arith.addi %add3A, %add3A_300 : i32
    %lt3A_302 = arith.constant 625 : i32
    %lt3A_303 = arith.cmpi slt, %add3A_301, %lt3A_302 : i32
    %add3A_304 = arith.constant 64 : i32
    %add3A_305 = arith.addi %add3A_301, %add3A_304 : i32
    %ge3A_306 = arith.constant 625 : i32
    %ge3A_307 = arith.cmpi sge, %add3A_305, %ge3A_306 : i32
    %and3A_308 = arith.andi %lt3A_303, %ge3A_307 : i1
    %convert_element_type3A_309 = arith.extui %and3A_308 : i1 to i32
    %cond3A_310 = arith.constant 0 : i32
    %cond3A_311 = arith.cmpi ne, %convert_element_type3A_309, %cond3A_310 : i32
    scf.if %cond3A_311 {
      %dma_wait3A_408 = arith.constant 1 : i32
      %dma_wait3A_409 = arith.constant 0 : i32
      %dma_wait3A_410 = tpu.memref_slice %arg13[%dma_wait3A_408, %dma_wait3A_409] : memref<2x800xf32, #tpu.memory_space<vmem>> -> memref<1x800xf32, #tpu.memory_space<vmem>>
      %dma_wait3A_411 = tpu.memref_squeeze %dma_wait3A_410 : memref<1x800xf32, #tpu.memory_space<vmem>> -> memref<800xf32, #tpu.memory_space<vmem>>
      %dma_wait3A_412 = arith.constant 0 : i32
      %dma_wait3A_413 = tpu.memref_slice %arg7[%dma_wait3A_412] : memref<500000xf32, #tpu.memory_space<hbm>> -> memref<800xf32, #tpu.memory_space<hbm>>
      %dma_wait3A_414 = arith.constant 0 : i32
      %dma_wait3A_415 = tpu.memref_slice %arg13[%dma_wait3A_408, %dma_wait3A_414] : memref<2x800xf32, #tpu.memory_space<vmem>> -> memref<1x800xf32, #tpu.memory_space<vmem>>
      %dma_wait3A_416 = tpu.memref_squeeze %dma_wait3A_415 : memref<1x800xf32, #tpu.memory_space<vmem>> -> memref<800xf32, #tpu.memory_space<vmem>>
      %dma_wait3A_417 = arith.constant 0 : i32
      %dma_wait3A_418 = tpu.memref_slice %arg7[%dma_wait3A_417] : memref<500000xf32, #tpu.memory_space<hbm>> -> memref<800xf32, #tpu.memory_space<hbm>>
      tpu.wait_dma2 semaphore(%arg20 : memref<!tpu.dma_semaphore, #tpu.memory_space<semaphore_mem>>) src(%dma_wait3A_418 : memref<800xf32, #tpu.memory_space<hbm>>) dst(%dma_wait3A_416 : memref<800xf32, #tpu.memory_space<vmem>>)
    } else {
    }
    %add3A_312 = arith.constant 384 : i32
    %add3A_313 = arith.addi %add3A, %add3A_312 : i32
    %lt3A_314 = arith.constant 625 : i32
    %lt3A_315 = arith.cmpi slt, %add3A_313, %lt3A_314 : i32
    %add3A_316 = arith.constant 64 : i32
    %add3A_317 = arith.addi %add3A_313, %add3A_316 : i32
    %ge3A_318 = arith.constant 625 : i32
    %ge3A_319 = arith.cmpi sge, %add3A_317, %ge3A_318 : i32
    %and3A_320 = arith.andi %lt3A_315, %ge3A_319 : i1
    %convert_element_type3A_321 = arith.extui %and3A_320 : i1 to i32
    %cond3A_322 = arith.constant 0 : i32
    %cond3A_323 = arith.cmpi ne, %convert_element_type3A_321, %cond3A_322 : i32
    scf.if %cond3A_323 {
      %dma_wait3A_408 = arith.constant 0 : i32
      %dma_wait3A_409 = arith.constant 0 : i32
      %dma_wait3A_410 = tpu.memref_slice %arg13[%dma_wait3A_408, %dma_wait3A_409] : memref<2x800xf32, #tpu.memory_space<vmem>> -> memref<1x800xf32, #tpu.memory_space<vmem>>
      %dma_wait3A_411 = tpu.memref_squeeze %dma_wait3A_410 : memref<1x800xf32, #tpu.memory_space<vmem>> -> memref<800xf32, #tpu.memory_space<vmem>>
      %dma_wait3A_412 = arith.constant 0 : i32
      %dma_wait3A_413 = tpu.memref_slice %arg7[%dma_wait3A_412] : memref<500000xf32, #tpu.memory_space<hbm>> -> memref<800xf32, #tpu.memory_space<hbm>>
      %dma_wait3A_414 = arith.constant 0 : i32
      %dma_wait3A_415 = tpu.memref_slice %arg13[%dma_wait3A_408, %dma_wait3A_414] : memref<2x800xf32, #tpu.memory_space<vmem>> -> memref<1x800xf32, #tpu.memory_space<vmem>>
      %dma_wait3A_416 = tpu.memref_squeeze %dma_wait3A_415 : memref<1x800xf32, #tpu.memory_space<vmem>> -> memref<800xf32, #tpu.memory_space<vmem>>
      %dma_wait3A_417 = arith.constant 0 : i32
      %dma_wait3A_418 = tpu.memref_slice %arg7[%dma_wait3A_417] : memref<500000xf32, #tpu.memory_space<hbm>> -> memref<800xf32, #tpu.memory_space<hbm>>
      tpu.wait_dma2 semaphore(%arg19 : memref<!tpu.dma_semaphore, #tpu.memory_space<semaphore_mem>>) src(%dma_wait3A_418 : memref<800xf32, #tpu.memory_space<hbm>>) dst(%dma_wait3A_416 : memref<800xf32, #tpu.memory_space<vmem>>)
    } else {
    }
    %add3A_324 = arith.constant 416 : i32
    %add3A_325 = arith.addi %add3A, %add3A_324 : i32
    %lt3A_326 = arith.constant 625 : i32
    %lt3A_327 = arith.cmpi slt, %add3A_325, %lt3A_326 : i32
    %add3A_328 = arith.constant 64 : i32
    %add3A_329 = arith.addi %add3A_325, %add3A_328 : i32
    %ge3A_330 = arith.constant 625 : i32
    %ge3A_331 = arith.cmpi sge, %add3A_329, %ge3A_330 : i32
    %and3A_332 = arith.andi %lt3A_327, %ge3A_331 : i1
    %convert_element_type3A_333 = arith.extui %and3A_332 : i1 to i32
    %cond3A_334 = arith.constant 0 : i32
    %cond3A_335 = arith.cmpi ne, %convert_element_type3A_333, %cond3A_334 : i32
    scf.if %cond3A_335 {
      %dma_wait3A_408 = arith.constant 1 : i32
      %dma_wait3A_409 = arith.constant 0 : i32
      %dma_wait3A_410 = tpu.memref_slice %arg13[%dma_wait3A_408, %dma_wait3A_409] : memref<2x800xf32, #tpu.memory_space<vmem>> -> memref<1x800xf32, #tpu.memory_space<vmem>>
      %dma_wait3A_411 = tpu.memref_squeeze %dma_wait3A_410 : memref<1x800xf32, #tpu.memory_space<vmem>> -> memref<800xf32, #tpu.memory_space<vmem>>
      %dma_wait3A_412 = arith.constant 0 : i32
      %dma_wait3A_413 = tpu.memref_slice %arg7[%dma_wait3A_412] : memref<500000xf32, #tpu.memory_space<hbm>> -> memref<800xf32, #tpu.memory_space<hbm>>
      %dma_wait3A_414 = arith.constant 0 : i32
      %dma_wait3A_415 = tpu.memref_slice %arg13[%dma_wait3A_408, %dma_wait3A_414] : memref<2x800xf32, #tpu.memory_space<vmem>> -> memref<1x800xf32, #tpu.memory_space<vmem>>
      %dma_wait3A_416 = tpu.memref_squeeze %dma_wait3A_415 : memref<1x800xf32, #tpu.memory_space<vmem>> -> memref<800xf32, #tpu.memory_space<vmem>>
      %dma_wait3A_417 = arith.constant 0 : i32
      %dma_wait3A_418 = tpu.memref_slice %arg7[%dma_wait3A_417] : memref<500000xf32, #tpu.memory_space<hbm>> -> memref<800xf32, #tpu.memory_space<hbm>>
      tpu.wait_dma2 semaphore(%arg20 : memref<!tpu.dma_semaphore, #tpu.memory_space<semaphore_mem>>) src(%dma_wait3A_418 : memref<800xf32, #tpu.memory_space<hbm>>) dst(%dma_wait3A_416 : memref<800xf32, #tpu.memory_space<vmem>>)
    } else {
    }
    %add3A_336 = arith.constant 448 : i32
    %add3A_337 = arith.addi %add3A, %add3A_336 : i32
    %lt3A_338 = arith.constant 625 : i32
    %lt3A_339 = arith.cmpi slt, %add3A_337, %lt3A_338 : i32
    %add3A_340 = arith.constant 64 : i32
    %add3A_341 = arith.addi %add3A_337, %add3A_340 : i32
    %ge3A_342 = arith.constant 625 : i32
    %ge3A_343 = arith.cmpi sge, %add3A_341, %ge3A_342 : i32
    %and3A_344 = arith.andi %lt3A_339, %ge3A_343 : i1
    %convert_element_type3A_345 = arith.extui %and3A_344 : i1 to i32
    %cond3A_346 = arith.constant 0 : i32
    %cond3A_347 = arith.cmpi ne, %convert_element_type3A_345, %cond3A_346 : i32
    scf.if %cond3A_347 {
      %dma_wait3A_408 = arith.constant 0 : i32
      %dma_wait3A_409 = arith.constant 0 : i32
      %dma_wait3A_410 = tpu.memref_slice %arg13[%dma_wait3A_408, %dma_wait3A_409] : memref<2x800xf32, #tpu.memory_space<vmem>> -> memref<1x800xf32, #tpu.memory_space<vmem>>
      %dma_wait3A_411 = tpu.memref_squeeze %dma_wait3A_410 : memref<1x800xf32, #tpu.memory_space<vmem>> -> memref<800xf32, #tpu.memory_space<vmem>>
      %dma_wait3A_412 = arith.constant 0 : i32
      %dma_wait3A_413 = tpu.memref_slice %arg7[%dma_wait3A_412] : memref<500000xf32, #tpu.memory_space<hbm>> -> memref<800xf32, #tpu.memory_space<hbm>>
      %dma_wait3A_414 = arith.constant 0 : i32
      %dma_wait3A_415 = tpu.memref_slice %arg13[%dma_wait3A_408, %dma_wait3A_414] : memref<2x800xf32, #tpu.memory_space<vmem>> -> memref<1x800xf32, #tpu.memory_space<vmem>>
      %dma_wait3A_416 = tpu.memref_squeeze %dma_wait3A_415 : memref<1x800xf32, #tpu.memory_space<vmem>> -> memref<800xf32, #tpu.memory_space<vmem>>
      %dma_wait3A_417 = arith.constant 0 : i32
      %dma_wait3A_418 = tpu.memref_slice %arg7[%dma_wait3A_417] : memref<500000xf32, #tpu.memory_space<hbm>> -> memref<800xf32, #tpu.memory_space<hbm>>
      tpu.wait_dma2 semaphore(%arg19 : memref<!tpu.dma_semaphore, #tpu.memory_space<semaphore_mem>>) src(%dma_wait3A_418 : memref<800xf32, #tpu.memory_space<hbm>>) dst(%dma_wait3A_416 : memref<800xf32, #tpu.memory_space<vmem>>)
    } else {
    }
    %add3A_348 = arith.constant 480 : i32
    %add3A_349 = arith.addi %add3A, %add3A_348 : i32
    %lt3A_350 = arith.constant 625 : i32
    %lt3A_351 = arith.cmpi slt, %add3A_349, %lt3A_350 : i32
    %add3A_352 = arith.constant 64 : i32
    %add3A_353 = arith.addi %add3A_349, %add3A_352 : i32
    %ge3A_354 = arith.constant 625 : i32
    %ge3A_355 = arith.cmpi sge, %add3A_353, %ge3A_354 : i32
    %and3A_356 = arith.andi %lt3A_351, %ge3A_355 : i1
    %convert_element_type3A_357 = arith.extui %and3A_356 : i1 to i32
    %cond3A_358 = arith.constant 0 : i32
    %cond3A_359 = arith.cmpi ne, %convert_element_type3A_357, %cond3A_358 : i32
    scf.if %cond3A_359 {
      %dma_wait3A_408 = arith.constant 1 : i32
      %dma_wait3A_409 = arith.constant 0 : i32
      %dma_wait3A_410 = tpu.memref_slice %arg13[%dma_wait3A_408, %dma_wait3A_409] : memref<2x800xf32, #tpu.memory_space<vmem>> -> memref<1x800xf32, #tpu.memory_space<vmem>>
      %dma_wait3A_411 = tpu.memref_squeeze %dma_wait3A_410 : memref<1x800xf32, #tpu.memory_space<vmem>> -> memref<800xf32, #tpu.memory_space<vmem>>
      %dma_wait3A_412 = arith.constant 0 : i32
      %dma_wait3A_413 = tpu.memref_slice %arg7[%dma_wait3A_412] : memref<500000xf32, #tpu.memory_space<hbm>> -> memref<800xf32, #tpu.memory_space<hbm>>
      %dma_wait3A_414 = arith.constant 0 : i32
      %dma_wait3A_415 = tpu.memref_slice %arg13[%dma_wait3A_408, %dma_wait3A_414] : memref<2x800xf32, #tpu.memory_space<vmem>> -> memref<1x800xf32, #tpu.memory_space<vmem>>
      %dma_wait3A_416 = tpu.memref_squeeze %dma_wait3A_415 : memref<1x800xf32, #tpu.memory_space<vmem>> -> memref<800xf32, #tpu.memory_space<vmem>>
      %dma_wait3A_417 = arith.constant 0 : i32
      %dma_wait3A_418 = tpu.memref_slice %arg7[%dma_wait3A_417] : memref<500000xf32, #tpu.memory_space<hbm>> -> memref<800xf32, #tpu.memory_space<hbm>>
      tpu.wait_dma2 semaphore(%arg20 : memref<!tpu.dma_semaphore, #tpu.memory_space<semaphore_mem>>) src(%dma_wait3A_418 : memref<800xf32, #tpu.memory_space<hbm>>) dst(%dma_wait3A_416 : memref<800xf32, #tpu.memory_space<vmem>>)
    } else {
    }
    %add3A_360 = arith.constant 512 : i32
    %add3A_361 = arith.addi %add3A, %add3A_360 : i32
    %lt3A_362 = arith.constant 625 : i32
    %lt3A_363 = arith.cmpi slt, %add3A_361, %lt3A_362 : i32
    %add3A_364 = arith.constant 64 : i32
    %add3A_365 = arith.addi %add3A_361, %add3A_364 : i32
    %ge3A_366 = arith.constant 625 : i32
    %ge3A_367 = arith.cmpi sge, %add3A_365, %ge3A_366 : i32
    %and3A_368 = arith.andi %lt3A_363, %ge3A_367 : i1
    %convert_element_type3A_369 = arith.extui %and3A_368 : i1 to i32
    %cond3A_370 = arith.constant 0 : i32
    %cond3A_371 = arith.cmpi ne, %convert_element_type3A_369, %cond3A_370 : i32
    scf.if %cond3A_371 {
      %dma_wait3A_408 = arith.constant 0 : i32
      %dma_wait3A_409 = arith.constant 0 : i32
      %dma_wait3A_410 = tpu.memref_slice %arg13[%dma_wait3A_408, %dma_wait3A_409] : memref<2x800xf32, #tpu.memory_space<vmem>> -> memref<1x800xf32, #tpu.memory_space<vmem>>
      %dma_wait3A_411 = tpu.memref_squeeze %dma_wait3A_410 : memref<1x800xf32, #tpu.memory_space<vmem>> -> memref<800xf32, #tpu.memory_space<vmem>>
      %dma_wait3A_412 = arith.constant 0 : i32
      %dma_wait3A_413 = tpu.memref_slice %arg7[%dma_wait3A_412] : memref<500000xf32, #tpu.memory_space<hbm>> -> memref<800xf32, #tpu.memory_space<hbm>>
      %dma_wait3A_414 = arith.constant 0 : i32
      %dma_wait3A_415 = tpu.memref_slice %arg13[%dma_wait3A_408, %dma_wait3A_414] : memref<2x800xf32, #tpu.memory_space<vmem>> -> memref<1x800xf32, #tpu.memory_space<vmem>>
      %dma_wait3A_416 = tpu.memref_squeeze %dma_wait3A_415 : memref<1x800xf32, #tpu.memory_space<vmem>> -> memref<800xf32, #tpu.memory_space<vmem>>
      %dma_wait3A_417 = arith.constant 0 : i32
      %dma_wait3A_418 = tpu.memref_slice %arg7[%dma_wait3A_417] : memref<500000xf32, #tpu.memory_space<hbm>> -> memref<800xf32, #tpu.memory_space<hbm>>
      tpu.wait_dma2 semaphore(%arg19 : memref<!tpu.dma_semaphore, #tpu.memory_space<semaphore_mem>>) src(%dma_wait3A_418 : memref<800xf32, #tpu.memory_space<hbm>>) dst(%dma_wait3A_416 : memref<800xf32, #tpu.memory_space<vmem>>)
    } else {
    }
    %add3A_372 = arith.constant 544 : i32
    %add3A_373 = arith.addi %add3A, %add3A_372 : i32
    %lt3A_374 = arith.constant 625 : i32
    %lt3A_375 = arith.cmpi slt, %add3A_373, %lt3A_374 : i32
    %add3A_376 = arith.constant 64 : i32
    %add3A_377 = arith.addi %add3A_373, %add3A_376 : i32
    %ge3A_378 = arith.constant 625 : i32
    %ge3A_379 = arith.cmpi sge, %add3A_377, %ge3A_378 : i32
    %and3A_380 = arith.andi %lt3A_375, %ge3A_379 : i1
    %convert_element_type3A_381 = arith.extui %and3A_380 : i1 to i32
    %cond3A_382 = arith.constant 0 : i32
    %cond3A_383 = arith.cmpi ne, %convert_element_type3A_381, %cond3A_382 : i32
    scf.if %cond3A_383 {
      %dma_wait3A_408 = arith.constant 1 : i32
      %dma_wait3A_409 = arith.constant 0 : i32
      %dma_wait3A_410 = tpu.memref_slice %arg13[%dma_wait3A_408, %dma_wait3A_409] : memref<2x800xf32, #tpu.memory_space<vmem>> -> memref<1x800xf32, #tpu.memory_space<vmem>>
      %dma_wait3A_411 = tpu.memref_squeeze %dma_wait3A_410 : memref<1x800xf32, #tpu.memory_space<vmem>> -> memref<800xf32, #tpu.memory_space<vmem>>
      %dma_wait3A_412 = arith.constant 0 : i32
      %dma_wait3A_413 = tpu.memref_slice %arg7[%dma_wait3A_412] : memref<500000xf32, #tpu.memory_space<hbm>> -> memref<800xf32, #tpu.memory_space<hbm>>
      %dma_wait3A_414 = arith.constant 0 : i32
      %dma_wait3A_415 = tpu.memref_slice %arg13[%dma_wait3A_408, %dma_wait3A_414] : memref<2x800xf32, #tpu.memory_space<vmem>> -> memref<1x800xf32, #tpu.memory_space<vmem>>
      %dma_wait3A_416 = tpu.memref_squeeze %dma_wait3A_415 : memref<1x800xf32, #tpu.memory_space<vmem>> -> memref<800xf32, #tpu.memory_space<vmem>>
      %dma_wait3A_417 = arith.constant 0 : i32
      %dma_wait3A_418 = tpu.memref_slice %arg7[%dma_wait3A_417] : memref<500000xf32, #tpu.memory_space<hbm>> -> memref<800xf32, #tpu.memory_space<hbm>>
      tpu.wait_dma2 semaphore(%arg20 : memref<!tpu.dma_semaphore, #tpu.memory_space<semaphore_mem>>) src(%dma_wait3A_418 : memref<800xf32, #tpu.memory_space<hbm>>) dst(%dma_wait3A_416 : memref<800xf32, #tpu.memory_space<vmem>>)
    } else {
    }
    %add3A_384 = arith.constant 576 : i32
    %add3A_385 = arith.addi %add3A, %add3A_384 : i32
    %lt3A_386 = arith.constant 625 : i32
    %lt3A_387 = arith.cmpi slt, %add3A_385, %lt3A_386 : i32
    %add3A_388 = arith.constant 64 : i32
    %add3A_389 = arith.addi %add3A_385, %add3A_388 : i32
    %ge3A_390 = arith.constant 625 : i32
    %ge3A_391 = arith.cmpi sge, %add3A_389, %ge3A_390 : i32
    %and3A_392 = arith.andi %lt3A_387, %ge3A_391 : i1
    %convert_element_type3A_393 = arith.extui %and3A_392 : i1 to i32
    %cond3A_394 = arith.constant 0 : i32
    %cond3A_395 = arith.cmpi ne, %convert_element_type3A_393, %cond3A_394 : i32
    scf.if %cond3A_395 {
      %dma_wait3A_408 = arith.constant 0 : i32
      %dma_wait3A_409 = arith.constant 0 : i32
      %dma_wait3A_410 = tpu.memref_slice %arg13[%dma_wait3A_408, %dma_wait3A_409] : memref<2x800xf32, #tpu.memory_space<vmem>> -> memref<1x800xf32, #tpu.memory_space<vmem>>
      %dma_wait3A_411 = tpu.memref_squeeze %dma_wait3A_410 : memref<1x800xf32, #tpu.memory_space<vmem>> -> memref<800xf32, #tpu.memory_space<vmem>>
      %dma_wait3A_412 = arith.constant 0 : i32
      %dma_wait3A_413 = tpu.memref_slice %arg7[%dma_wait3A_412] : memref<500000xf32, #tpu.memory_space<hbm>> -> memref<800xf32, #tpu.memory_space<hbm>>
      %dma_wait3A_414 = arith.constant 0 : i32
      %dma_wait3A_415 = tpu.memref_slice %arg13[%dma_wait3A_408, %dma_wait3A_414] : memref<2x800xf32, #tpu.memory_space<vmem>> -> memref<1x800xf32, #tpu.memory_space<vmem>>
      %dma_wait3A_416 = tpu.memref_squeeze %dma_wait3A_415 : memref<1x800xf32, #tpu.memory_space<vmem>> -> memref<800xf32, #tpu.memory_space<vmem>>
      %dma_wait3A_417 = arith.constant 0 : i32
      %dma_wait3A_418 = tpu.memref_slice %arg7[%dma_wait3A_417] : memref<500000xf32, #tpu.memory_space<hbm>> -> memref<800xf32, #tpu.memory_space<hbm>>
      tpu.wait_dma2 semaphore(%arg19 : memref<!tpu.dma_semaphore, #tpu.memory_space<semaphore_mem>>) src(%dma_wait3A_418 : memref<800xf32, #tpu.memory_space<hbm>>) dst(%dma_wait3A_416 : memref<800xf32, #tpu.memory_space<vmem>>)
    } else {
    }
    %add3A_396 = arith.constant 608 : i32
    %add3A_397 = arith.addi %add3A, %add3A_396 : i32
    %lt3A_398 = arith.constant 625 : i32
    %lt3A_399 = arith.cmpi slt, %add3A_397, %lt3A_398 : i32
    %add3A_400 = arith.constant 64 : i32
    %add3A_401 = arith.addi %add3A_397, %add3A_400 : i32
    %ge3A_402 = arith.constant 625 : i32
    %ge3A_403 = arith.cmpi sge, %add3A_401, %ge3A_402 : i32
    %and3A_404 = arith.andi %lt3A_399, %ge3A_403 : i1
    %convert_element_type3A_405 = arith.extui %and3A_404 : i1 to i32
    %cond3A_406 = arith.constant 0 : i32
    %cond3A_407 = arith.cmpi ne, %convert_element_type3A_405, %cond3A_406 : i32
    scf.if %cond3A_407 {
      %dma_wait3A_408 = arith.constant 1 : i32
      %dma_wait3A_409 = arith.constant 0 : i32
      %dma_wait3A_410 = tpu.memref_slice %arg13[%dma_wait3A_408, %dma_wait3A_409] : memref<2x800xf32, #tpu.memory_space<vmem>> -> memref<1x800xf32, #tpu.memory_space<vmem>>
      %dma_wait3A_411 = tpu.memref_squeeze %dma_wait3A_410 : memref<1x800xf32, #tpu.memory_space<vmem>> -> memref<800xf32, #tpu.memory_space<vmem>>
      %dma_wait3A_412 = arith.constant 0 : i32
      %dma_wait3A_413 = tpu.memref_slice %arg7[%dma_wait3A_412] : memref<500000xf32, #tpu.memory_space<hbm>> -> memref<800xf32, #tpu.memory_space<hbm>>
      %dma_wait3A_414 = arith.constant 0 : i32
      %dma_wait3A_415 = tpu.memref_slice %arg13[%dma_wait3A_408, %dma_wait3A_414] : memref<2x800xf32, #tpu.memory_space<vmem>> -> memref<1x800xf32, #tpu.memory_space<vmem>>
      %dma_wait3A_416 = tpu.memref_squeeze %dma_wait3A_415 : memref<1x800xf32, #tpu.memory_space<vmem>> -> memref<800xf32, #tpu.memory_space<vmem>>
      %dma_wait3A_417 = arith.constant 0 : i32
      %dma_wait3A_418 = tpu.memref_slice %arg7[%dma_wait3A_417] : memref<500000xf32, #tpu.memory_space<hbm>> -> memref<800xf32, #tpu.memory_space<hbm>>
      tpu.wait_dma2 semaphore(%arg20 : memref<!tpu.dma_semaphore, #tpu.memory_space<semaphore_mem>>) src(%dma_wait3A_418 : memref<800xf32, #tpu.memory_space<hbm>>) dst(%dma_wait3A_416 : memref<800xf32, #tpu.memory_space<vmem>>)
    } else {
    }
    return
  }
}

module attributes {stable_mosaic.version = 14 : i64} {
  func.func @_mm_body(%arg0: i32, %arg1: memref<2000x128xf32, #tpu.memory_space<vmem>>, %arg2: memref<128x32xf32, #tpu.memory_space<vmem>>, %arg3: memref<2000x32xf32, #tpu.memory_space<vmem>>) attributes {dimension_semantics = [#tpu.dimension_semantics<arbitrary>], iteration_bounds = array<i64: 50>, scalar_prefetch = 0 : i64, scratch_operands = 0 : i64, tpu.core_type = #tpu.core_type<tc>, window_params = [{transform_indices = @transform_0, window_bounds = array<i64: 2000, 128>}, {pipeline_mode = #tpu.pipeline_mode<synchronous>, transform_indices = @transform_1, window_bounds = array<i64: 128, 32>}, {transform_indices = @transform_2, window_bounds = array<i64: 2000, 32>}]} {
    %get3A = arith.constant 0 : index
    %get3A_0 = arith.constant 0 : index
    %get3A_1 = vector.load %arg1[%get3A, %get3A_0] : memref<2000x128xf32, #tpu.memory_space<vmem>>, vector<2000x128xf32>
    %get3A_2 = arith.constant 0 : index
    %get3A_3 = arith.constant 0 : index
    %get3A_4 = vector.load %arg2[%get3A_2, %get3A_3] : memref<128x32xf32, #tpu.memory_space<vmem>>, vector<128x32xf32>
    %dot_general3A = arith.constant dense<0.000000e+00> : vector<2000x32xf32>
    %dot_general3A_5 = tpu.matmul %get3A_1, %get3A_4, %dot_general3A {dimension_numbers = #tpu.dot_dimension_numbers<[1], [0], [0], [1], [0, 0, 1, 1], [], []>, transpose_lhs_hint = false} : vector<2000x128xf32>, vector<128x32xf32>, vector<2000x32xf32> -> vector<2000x32xf32>
    %swap3A = arith.constant 0 : index
    %swap3A_6 = arith.constant 0 : index
    %swap3A_7 = vector.load %arg3[%swap3A, %swap3A_6] : memref<2000x32xf32, #tpu.memory_space<vmem>>, vector<2000x32xf32>
    tpu.vector_store %arg3[%swap3A, %swap3A_6], %dot_general3A_5 {strides = array<i32>} : memref<2000x32xf32, #tpu.memory_space<vmem>>, vector<2000x32xf32>,
    return
  }
  func.func @transform_0(%arg0: i32) -> (i32, i32) {
    %c0_i32 = arith.constant 0 : i32
    %c0_i32_0 = arith.constant 0 : i32
    return %arg0, %c0_i32 : i32, i32
  }
  func.func @transform_1(%arg0: i32) -> (i32, i32) {
    %c0_i32 = arith.constant 0 : i32
    %c0_i32_0 = arith.constant 0 : i32
    %c0_i32_1 = arith.constant 0 : i32
    return %c0_i32, %c0_i32_0 : i32, i32
  }
  func.func @transform_2(%arg0: i32) -> (i32, i32) {
    %c0_i32 = arith.constant 0 : i32
    %c0_i32_0 = arith.constant 0 : i32
    return %arg0, %c0_i32 : i32, i32
  }
}

</mosaic_0001>

<sc_bundles>
// kernel: kernel.4.cloned.1.call-start
scs
__scs_entry_jumppad:
0x0: {  	(pc) =	sbr.rel $0x88, $3  }
0x1: {  	(tag) =	ssettag $0x0;
	lr =	simm.s32 $0x1  }
0x2: {  	[smem:$0x3F9B] =	sst lr;
	_ =	strace $0xD0000000  }
0x3: {  	_ = 	snop  }
0x4: {  	_ = 	snop  }
0x5: {  	_ = 	snop  }
0x6: {  	_ = 	snop  }
0x7: {  	_ = 	snop  }
__scs_overlays_trampoline_lowered:
0x8: {  	[smem:$0x3FAA] =	sst s0  }
0x9: {  	[smem:$0x3FAB] =	sst s1  }
0xa: {  	[smem:$0x3FAC] =	sst s2  }
0xb: {  	[smem:$0x3FAD] =	sst s3  }
0xc: {  	[smem:$0x3FAE] =	sst s4  }
0xd: {  	[smem:$0x3FAF] =	sst s5  }
0xe: {  	[smem:$0x3FB0] =	sst s6  }
0xf: {  	[smem:$0x3FB1] =	sst s7  }
0x10: {  	[smem:$0x3FB2] =	sst s8  }
0x11: {  	[smem:$0x3FB3] =	sst s9;
	s0 =	simm.s32 @!p0 $0x0  }
0x12: {  	s1 =	sld [smem:$0x3F99];
	s0 =	simm.s32 @p0 $0x1  }
0x13: {  	[smem:$0x3FB4] =	sst s0;
	s0 =	simm.s32 @!p1 $0x0  }
0x14: {  	s2 =	sld [smem:$0x3F98];
	s0 =	simm.s32 @p1 $0x1  }
0x15: {  	[smem:$0x3FB5] =	sst s0;
	s0 =	simm.s32 @!p2 $0x0  }
0x16: {  	s3 =	sld [smem:$0x3FDB];
	s0 =	simm.s32 @p2 $0x1  }
0x17: {  	s4 =	simm.s32 $0x1BF5;
	[smem:$0x3FB7] =	sst s0  }
0x18: {  	s0 =	sld [smem:$0x3F9A];
	_ =	swait.ge [sflag:s4], $0x0  }
0x19: {  	s7 =	sld [smem:$0x3F9B]  }
0x1a: {  	s8 =	sadd.s32 $0xFFFFE003, lr  }
0x1b: {  	s9 =	sadd.s32 $0xFFFFFEF7, lr;
	s5 =	simm.s32 $0xFFFFFFFF;
	p2 =	slt.u32 s8, $0xFFFFF086  }
0x1c: {  	p1 =	slt.u32 s9, $0xF7A;
	s5 =	simm.s32 @!p2 $0x0  }
0x1d: {  	s5 =	simm.s32 @p1 $0x1;
	p0 =	seq.s32 s7, s2  }
0x1e: {  	s7 =	smul.u32 @!p0 $0xF7A, s2;
	p2 =	seq.s32 @!p0 s5, $0x0  }
0x1f: {  	s9 =	smul.u32 $0xF7A, s1;
	s8 =	simm.s32 @!p0 $0x1BF5;
	p2 =	por !p2, p0  }
0x20: {  	[sflag:s8] =	ssyncset.s32 @!p0 $0xFFFFF086;
	s6 =	sadd.s32 @!p0 s3, s7;
	s7 =	simm.s32 @!p0 $0x108  }
0x21: {  	s3 =	sadd.s32 s3, s9;
	s6 =	sadd.s32 @!p0 $0x88, s6;
	s7 =	simm.s32 @p2 $0x1082  }
0x22: {  	[simem:s7], [sflag:s8] =	dma.local @!p0 [hbm:s6], $0xF7A  }
0x23: {  	s9 =	sor.u32 $0xD0000000, s2;
	s6 =	simm.s32 $0x108;
	_ =	swait.ge @!p0 [sflag:s8], $0x0  }
0x24: {  	s3 =	sadd.s32 $0x88, s3;
	s6 =	simm.s32 @!p1 $0x1082;
	[sflag:s4] =	ssyncset.s32 $0xFFFFF086  }
0x25: {  	[simem:s6], [sflag:s4] =	dma.local [hbm:s3], $0xF7A  }
0x26: {  	[smem:$0x3F9B] =	sst s1;
	(tag) =	ssettag s2;
	_ =	strace s9  }
0x27: {  	s1 =	sld [smem:$0x3FAB]  }
0x28: {  	s2 =	sld [smem:$0x3FAC]  }
0x29: {  	s4 =	sld [smem:$0x3FAE]  }
0x2a: {  	p0 =	seq.s32 s5, $0x0;
	s5 =	sld [smem:$0x3FAF]  }
0x2b: {  	s6 =	sld [smem:$0x3FB0]  }
0x2c: {  	s7 =	sld [smem:$0x3FB1]  }
0x2d: {  	s3 =	simm.s32 $0x108;
	s8 =	sld [smem:$0x3FB2]  }
0x2e: {  	s3 =	simm.s32 @!p0 $0x1082;
	s9 =	sld [smem:$0x3FB3]  }
0x2f: {  	lr =	sadd.s32 s0, s3;
	s0 =	sld [smem:$0x3FAA]  }
0x30: {  	s3 =	sld [smem:$0x3FAD]  }
0x31: {  	[smem:$0x3FB6] =	sst s10  }
0x32: {  	s10 =	sld [smem:$0x3FB4];
	_ =	sdelay $0x3  }
0x33: {  	p0 =	seq.s32 s10, $0x1;
	s10 =	sld [smem:$0x3FB6];
	_ =	sdelay $0x3  }
0x34: {  	[smem:$0x3FB6] =	sst s10  }
0x35: {  	s10 =	sld [smem:$0x3FB5];
	_ =	sdelay $0x3  }
0x36: {  	p1 =	seq.s32 s10, $0x1;
	s10 =	sld [smem:$0x3FB6];
	_ =	sdelay $0x3  }
0x37: {  	[smem:$0x3FB6] =	sst s10  }
0x38: {  	s10 =	sld [smem:$0x3FB7]  }
0x39: {  	_ = 	snop;
	(pc) =	sbr.ind lr, $3  }
0x3a: {  	_ = 	snop  }
0x3b: {  	_ = 	snop  }
0x3c: {  	p2 =	seq.s32 s10, $0x1;
	s10 =	sld [smem:$0x3FB6]  }
0x3d: {  	_ =	shalt  }
0x3e: {  	_ =	shalt  }
0x3f: {  	_ =	shalt  }
0x40: {  	_ =	shalt  }
0x41: {  	_ =	shalt  }
0x42: {  	_ =	shalt  }
0x43: {  	_ =	shalt  }
0x44: {  	_ =	shalt  }
0x45: {  	_ =	shalt  }
0x46: {  	_ =	shalt  }
0x47: {  	_ =	shalt  }
0x48: {  	_ =	shalt  }
0x49: {  	_ =	shalt  }
0x4a: {  	_ =	shalt  }
0x4b: {  	_ =	shalt  }
0x4c: {  	_ =	shalt  }
0x4d: {  	_ =	shalt  }
0x4e: {  	_ =	shalt  }
0x4f: {  	_ =	shalt  }
0x50: {  	_ =	shalt  }
0x51: {  	_ =	shalt  }
0x52: {  	_ =	shalt  }
0x53: {  	_ =	shalt  }
0x54: {  	_ =	shalt  }
0x55: {  	_ =	shalt  }
0x56: {  	_ =	shalt  }
0x57: {  	_ =	shalt  }
0x58: {  	_ =	shalt  }
0x59: {  	_ =	shalt  }
0x5a: {  	_ =	shalt  }
0x5b: {  	_ =	shalt  }
0x5c: {  	_ =	shalt  }
0x5d: {  	_ =	shalt  }
0x5e: {  	_ =	shalt  }
0x5f: {  	_ =	shalt  }
0x60: {  	_ =	shalt  }
0x61: {  	_ =	shalt  }
0x62: {  	_ =	shalt  }
0x63: {  	_ =	shalt  }
0x64: {  	_ =	shalt  }
0x65: {  	_ =	shalt  }
0x66: {  	_ =	shalt  }
0x67: {  	_ =	shalt  }
0x68: {  	_ =	shalt  }
0x69: {  	_ =	shalt  }
0x6a: {  	_ =	shalt  }
0x6b: {  	_ =	shalt  }
0x6c: {  	_ =	shalt  }
0x6d: {  	_ =	shalt  }
0x6e: {  	_ =	shalt  }
0x6f: {  	_ =	shalt  }
0x70: {  	_ =	shalt  }
0x71: {  	_ =	shalt  }
0x72: {  	_ =	shalt  }
0x73: {  	_ =	shalt  }
0x74: {  	_ =	shalt  }
0x75: {  	_ =	shalt  }
0x76: {  	_ =	shalt  }
0x77: {  	_ =	shalt  }
0x78: {  	_ =	shalt  }
0x79: {  	_ =	shalt  }
0x7a: {  	_ =	shalt  }
0x7b: {  	_ =	shalt  }
0x7c: {  	_ =	shalt  }
0x7d: {  	_ =	shalt  }
0x7e: {  	_ =	shalt  }
0x7f: {  	_ =	shalt  }
0x80: {  	_ =	shalt  }
0x81: {  	_ =	shalt  }
0x82: {  	_ =	shalt  }
0x83: {  	_ =	shalt  }
0x84: {  	_ =	shalt  }
0x85: {  	_ =	shalt  }
0x86: {  	_ =	shalt  }
0x87: {  	_ =	shalt  }
.Lfunc_end0:
.L_simem_size_0:
called_computation_lowered:
.L_overlay_start_0:
0x88: {  	s2 =	sld [smem:$0x3FD9]  }
0x89: {  	s3 =	sld [smem:$0x3FFE];
	_ =	sdelay $0x1  }
0x8a: {  	s1 =	srdreg.scid  }
0x8b: {  	s0 =	sand.u32 $0x1, s1  }
0x8c: {  	s17 =	sshll.u32 s0, $0xA;
	s2 =	sadd.s32 s3, s2  }
0x8d: {  	s2 =	sadd.s32 s2, s17  }
0x8e: {  	[smem:$0x3FC2] =	sst s2  }
0x8f: {  	_ = 	snop  }
0x90: {  	s2 =	sld [smem:$0x3FC5]  }
0x91: {  	s18 =	sld [smem:$0x3FC4]  }
0x92: {  	s4 =	sld [smem:$0x3FD0];
	(tm) =	ssettm $0x1  }
0x93: {  	s5 =	sld [smem:$0x3FFB];
	_ =	sdelay $0x3  }
0x94: {  	_ =	strace s5  }
0x95: {  	s5 =	sld [smem:$0x3FFC];
	_ =	sdelay $0x3  }
0x96: {  	_ =	strace s5  }
0x97: {  	s5 =	sld [smem:$0x3FFD];
	_ =	sdelay $0x3  }
0x98: {  	_ =	strace s5  }
0x99: {  	_ =	strace $0x8FFFFFFF  }
0x9a: {  	s19 =	sld [smem:$0x3FDB];
	_ =	sdelay $0x1  }
0x9b: {  	s6 =	simm.s32 $_scs_section_size  }
0x9c: {  	s7 =	simm.s32 $_size__tile_overlayer_lowered;
	s8 =	simm.s32 $_tile_overlayer_lowered  }
0x9d: {  	s22 =	simm.s32 $0x1BFF;
	s21 =	sshll.u32 s8, $0x1;
	s5 =	sadd.s32 s6, s19  }
0x9e: {  	s9 =	simm.s32 $0x0;
	s20 =	sshll.u32 s7, $0x1;
	s7 =	sadd.s32 s21, s5  }
0x9f: {  	[timem:s9], [sflag:s22] =	dma.local [hbm:s7], s20  }
0xa0: {  	_ =	swait.ge [sflag:s22], s20  }
0xa1: {  	s6 =	ssub.s32 $0x0, s20;
	[sflag:s22] =	ssyncset.done $0x0  }
0xa2: {  	[sflag:s22] =	ssyncadd.s32 s6;
	_ =	sdelay $0x1  }
0xa3: {  	s23 =	simm.s32 $0x1B8B  }
0xa4: {  	_ =	swait.ge [sflag:s23], $0x1  }
0xa5: {  	[sflag:s23] =	ssyncset.done $0x0  }
0xa6: {  	s25 =	simm.s32 $0x1B8E;
	s24 =	sld [smem:$0x3FFE];
	[sflag:s23] =	ssyncadd.s32 $0xFFFFFFFF  }
0xa7: {  	s26 =	simm.s32 $execute0_lowered;
	[smem:$0x3FD2] =	sst s25  }
0xa8: {  	s7 =	sshll.u32 s26, $0x1;
	_ =	strace $0x80000046;
	[dreg:$0x1] =	wrdreg $0xFFFFFFFF  }
0xa9: {  	s28 =	simm.s32 $_size_execute0_lowered;
	s5 =	sadd.s32 s5, s7;
	[dreg:$0x0] =	wrdreg $0x0  }
0xaa: {  	s7 =	sshll.u32 s28, $0x1;
	[dreg:$0x2] =	wrdreg s5  }
0xab: {  	[dreg:$0x3] =	wrdreg s7  }
0xac: {  	[dreg:$0x4] =	wrdreg $0xC0  }
0xad: {  	_ =	task [dreg:s9], $0x5FFFF  }
0xae: {  	[dreg:$0x1] =	wrdreg $0xFFFFFFFF  }
0xaf: {  	[dreg:$0x0] =	wrdreg $0x60  }
0xb0: {  	[dreg:$0x2] =	wrdreg s24  }
0xb1: {  	[dreg:$0x3] =	wrdreg s2  }
0xb2: {  	[dreg:$0x4] =	wrdreg s18  }
0xb3: {  	[dreg:$0x5] =	wrdreg s4  }
0xb4: {  	[dreg:$0x6] =	wrdreg $0x9  }
0xb5: {  	_ =	task.clear_ibuf [dreg:s9], $0x7FFFF;
	_ =	strace $0x90000046  }
0xb6: {  	s29 =	simm.s32 $0x9;
	_ =	strace $0x80000048  }
0xb7: {  	_ =	swait.ge [sflag:s29], $0x1  }
0xb8: {  	[sflag:s29] =	ssyncadd.s32 $0xFFFFFFFF  }
0xb9: {  	_ =	strace $0x90000048  }
0xba: {  	_ =	sfence  }
0xbb: {  	s30 =	sld [smem:$0x0];
	_ =	sdelay $0x2  }
0xbc: {  	s31 =	sshll.u32 s1, $0xD;
	s1 =	sshrl.u32 s1, $0x2  }
0xbd: {  	s3 =	sand.u32 $0x4000, s31;
	s1 =	sadd.s32 s1, s30  }
0xbe: {  	s0 =	sor.u32 s3, s0;
	s1 =	sshll.u32 s1, $0x11  }
0xbf: {  	s0 =	sor.u32 s1, s0  }
0xc0: {  	s0 =	sadd.s32 $0x8F2B, s0  }
0xc1: {  	[sflag:s0] =	ssyncadd.remote.s32 $0x1  }
0xc2: {  	_ =	sfence.sel $0xFFFF  }
0xc3: {  	[dreg:$0x0] =	wrdreg $0xFFFFFFFF;
	(pc) =	sbr.abs _section_cstart, $3  }
0xc4: {  	[dreg:$0x1] =	wrdreg $0xFFFFFFFF  }
0xc5: {  	_ =	task.clear_ibuf [dreg:s9], $0x2FFFF;
	_ =	strace $0x9FFFFFFF  }
0xc6: {  	(tm) =	ssettm $0x7FFFFFFF  }
0xc7: {  	_ =	shalt  }
tec
execute0_lowered:
.L_overlay_start_1:
0x0: {  	(tag) =	ssettag $0x1  }
0x1: {  	s0 =	rddreg [dreg:$0x0]  }
0x2: {  	s1 =	rddreg [dreg:$0x1]  }
0x3: {  	s3 =	rddreg [dreg:$0x2]  }
0x4: {  	s4 =	rddreg [dreg:$0x3];
	v0 =	vlaneseq.u32  }
0x5: {  	s2 =	srdreg.scid;
	s6 =	stileid.u32;
	s5 =	simm.s32 $0x0;
	v0 =	vmul.u32 $0x28, v0  }
0x6: {  	s14 =	simm.s32 $0x6;
	s15 =	simm.s32 $0x5;
	s17 =	simm.s32 $0x7  }
0x7: {  	s19 =	simm.s32 $0x9C40;
	s21 =	simm.s32 $0x3;
	s22 =	simm.s32 $0x50;
	v1 =	vor.u32 $0x1, v0  }
0x8: {  	s18 =	simm.s32 $0x170C0;
	s20 =	simm.s32 $0x1EDC0;
	s23 =	simm.s32 $0x2;
	v2 =	vor.u32 $0x2, v0;
	v3 =	vor.u32 $0x3, v0;
	v4 =	vor.u32 $0x4, v0  }
0x9: {  	s24 =	simm.s32 $0x1F0E0;
	s25 =	simm.s32 $0x0;
	s2 =	sand.u32 $0x1, s2;
	v5 =	vor.u32 $0x5, v0;
	v6 =	vor.u32 $0x6, v0;
	v7 =	vor.u32 $0x7, v0  }
0xa: {  	s6 =	sshll.u32 s6, $0x1;
	[smem:$0x7FF] =	sst s5;
	s7 =	sadd.s32 $0x187000, s0;
	v8 =	vadd.s32 $0x8, v0;
	v9 =	vadd.s32 $0x9, v0;
	v10 =	vadd.s32 $0xA, v0  }
0xb: {  	s8 =	sadd.s32 $0x600, s0;
	s9 =	sadd.s32 $0x1A00, s0;
	s6 =	sor.u32 s2, s6;
	v11 =	vadd.s32 $0xB, v0;
	v12 =	vadd.s32 $0xC, v0;
	v13 =	vadd.s32 $0xD, v0  }
0xc: {  	_ =	strace $0x80000047;
	s2 =	ssub.s32 $0x2, s2;
	s10 =	smul.u32 $0x320, s6;
	v14 =	vadd.s32 $0xE, v0;
	v15 =	vadd.s32 $0xF, v0;
	v16 =	vadd.s32 $0x10, v0  }
.Ltmp0:
0xd: {  	s30 =	sshrl.u32 s2, $0x1;
	p0 =	sgt.u32 s6, $0x10;
	v17 =	vadd.s32 $0x11, v0;
	v18 =	vadd.s32 $0x12, v0;
	v19 =	vadd.s32 $0x13, v0;
	(pc) =	sbr.rel .LBB2_1-.Ltmp0, $4  }
0xe: {  	s11 =	smul.u32 $0x64, s6;
	v20 =	vadd.s32 $0x14, v0;
	v21 =	vadd.s32 $0x15, v0;
	v22 =	vadd.s32 $0x16, v0;
	s0 =	ssub.s32 s2, s30;
	s14 =	simm.s32 @!p0 $0x5  }
0xf: {  	v23 =	vadd.s32 $0x17, v0;
	v24 =	vadd.s32 $0x18, v0;
	v25 =	vadd.s32 $0x19, v0;
	s15 =	simm.s32 @!p0 $0x6;
	s2 =	simm.s32 $0x1;
	s12 =	sshrl.u32 s10, $0x3  }
0x10: {  	v26 =	vadd.s32 $0x1A, v0;
	v27 =	vadd.s32 $0x1B, v0;
	v28 =	vadd.s32 $0x1C, v0;
	s10 =	sadd.s32 s1, s11;
	s11 =	sadd.s32 s3, s11;
	s31 =	sadd.s32 $0xC80, s12  }
0x11: {  	v29 =	vadd.s32 $0x1D, v0;
	v30 =	vadd.s32 $0x1E, v0;
	v31 =	vadd.s32 $0x1F, v0;
	s16 =	smax.u32 s0, $0x1;
	s12 =	sadd.s32 s1, s31;
	s13 =	sadd.s32 s3, s31  }
.LBB2_13:
0x12: {  	s25 =	sadd.s32 $0x1, s25  }
0x13: {  	_ =	swait.ge [sflag:s14], $0x320;
	p0 =	sne.s32 s25, s16  }
.Ltmp1:
0x14: {  	[sflag:s14] =	ssyncset.done $0x0;
	(pc) =	sbr.rel @!p0 .LBB2_14-.Ltmp1, $4  }
0x15: {  	[sflag:s14] =	ssyncadd.s32 $0xFFFFFCE0  }
0x16: {  	_ =	swait.ge [sflag:s15], $0x320  }
0x17: {  	[sflag:s15] =	ssyncset.done $0x0  }
0x18: {  	[sflag:s15] =	ssyncadd.s32 $0xFFFFFCE0  }
.LBB2_1:
0x19: {  	[tilespmem:s5], [sflag:$0x7] =	stream.linear.gather [hbm4b:s8+s5], $0x9C40, $0x38;
	[tilespmem:$0x1F410] =	vst v63  }
0x1a: {  	_ =	swait.ge [sflag:s17], $0x9C40  }
0x1b: {  	[sflag:s17] =	ssyncset.done $0x0  }
0x1c: {  	s0 =	simm.s32 $0x1F400;
	[sflag:s17] =	ssyncadd.s32 $0xFFFF63C0  }
0x1d: {  	[tilespmem:s0], [sflag:$0x7] =	stream.linear.gather [hbm4b:s9+s5], $0x10, $0x38;
	[tilespmem:$0x1F410] =	vst v63  }
0x1e: {  	_ =	swait.ge [sflag:s17], $0x10  }
0x1f: {  	[sflag:s17] =	ssyncset.done $0x0  }
0x20: {  	[sflag:s17] =	ssyncadd.s32 $0xFFFFFFF0  }
0x21: {  	v32 =	vld [tilespmem:$0x1F400];
	[tilespmem:s19], [sflag:$0x3] =	stream.linear.gather [hbm4b:s10+s5], $0x320, $0x38  }
0x22: {  	s26 =	simm.s32 $0xA280  }
0x23: {  	[tilespmem:s26], [sflag:$0x3] =	stream.linear.gather [hbm4b:s11+s5], $0x320, $0x38;
	[tilespmem:$0x1F410] =	vst v63  }
0x24: {  	_ =	swait.ge [sflag:s21], $0x320  }
0x25: {  	[sflag:s21] =	ssyncset.done $0x0  }
0x26: {  	[sflag:s21] =	ssyncadd.s32 $0xFFFFFCE0  }
0x27: {  	_ =	swait.ge [sflag:s21], $0x320  }
0x28: {  	[sflag:s21] =	ssyncset.done $0x0  }
0x29: {  	s28 =	simm.s32 $0xA8C0;
	[sflag:s21] =	ssyncadd.s32 $0xFFFFFCE0  }
0x2a: {  	[tilespmem:s28], [sflag:$0x1] =	stream.indirect.gather [hbm4b:s7+s22], $0x20, s19, s22, $0xb8;
	[tilespmem:$0x1F410] =	vst v63  }
0x2b: {  	s29 =	simm.s32 $0x9C90;
	s26 =	simm.s32 $0xB2C0  }
0x2c: {  	[tilespmem:s26], [sflag:$0x1] =	stream.indirect.gather [hbm4b:s7+s22], $0x20, s29, s22, $0xb8;
	[tilespmem:$0x1F410] =	vst v63  }
0x2d: {  	s30 =	simm.s32 $0x9CE0;
	s31 =	simm.s32 $0xBCC0  }
0x2e: {  	[tilespmem:s31], [sflag:$0x1] =	stream.indirect.gather [hbm4b:s7+s22], $0x20, s30, s22, $0xb8;
	[tilespmem:$0x1F410] =	vst v63  }
0x2f: {  	s28 =	simm.s32 $0x9D30;
	s29 =	simm.s32 $0xC6C0  }
0x30: {  	[tilespmem:s29], [sflag:$0x1] =	stream.indirect.gather [hbm4b:s7+s22], $0x20, s28, s22, $0xb8;
	[tilespmem:$0x1F410] =	vst v63  }
0x31: {  	s30 =	simm.s32 $0x9D80;
	s31 =	simm.s32 $0xD0C0  }
0x32: {  	[tilespmem:s31], [sflag:$0x1] =	stream.indirect.gather [hbm4b:s7+s22], $0x20, s30, s22, $0xb8;
	[tilespmem:$0x1F410] =	vst v63  }
0x33: {  	s28 =	simm.s32 $0x9DD0;
	s29 =	simm.s32 $0xDAC0  }
0x34: {  	[tilespmem:s29], [sflag:$0x1] =	stream.indirect.gather [hbm4b:s7+s22], $0x20, s28, s22, $0xb8;
	[tilespmem:$0x1F410] =	vst v63  }
0x35: {  	s30 =	simm.s32 $0x9E20;
	s31 =	simm.s32 $0xE4C0  }
0x36: {  	[tilespmem:s31], [sflag:$0x1] =	stream.indirect.gather [hbm4b:s7+s22], $0x20, s30, s22, $0xb8;
	[tilespmem:$0x1F410] =	vst v63  }
0x37: {  	s28 =	simm.s32 $0x9E70;
	s29 =	simm.s32 $0xEEC0  }
0x38: {  	[tilespmem:s29], [sflag:$0x1] =	stream.indirect.gather [hbm4b:s7+s22], $0x20, s28, s22, $0xb8;
	[tilespmem:$0x1F410] =	vst v63  }
0x39: {  	s30 =	simm.s32 $0x9EC0;
	s31 =	simm.s32 $0xF8C0  }
0x3a: {  	[tilespmem:s31], [sflag:$0x1] =	stream.indirect.gather [hbm4b:s7+s22], $0x20, s30, s22, $0xb8;
	[tilespmem:$0x1F410] =	vst v63  }
0x3b: {  	s28 =	simm.s32 $0x9F10;
	s29 =	simm.s32 $0x102C0  }
0x3c: {  	[tilespmem:s29], [sflag:$0x1] =	stream.indirect.gather [hbm4b:s7+s22], $0x20, s28, s22, $0xb8;
	[tilespmem:$0x1F410] =	vst v63  }
.Ltmp2:
0x3d: {  	_ = 	snop;
	(pc) =	sbr.rel .LBB2_2-.Ltmp2, $4  }
0x3e: {  	s30 =	simm.s32 $0x9F60  }
0x3f: {  	[tilespmem:s30], [sflag:$0x4] =	stream.linear.gather [hbm4b:s12+s5], $0x320, $0x38;
	[tilespmem:$0x1F410] =	vst v63  }
0x40: {  	s26 =	simm.s32 $0x0;
	s31 =	simm.s32 $0xA5A0  }
0x41: {  	[tilespmem:s31], [sflag:$0x4] =	stream.linear.gather [hbm4b:s13+s5], $0x320, $0x38;
	[tilespmem:$0x1F410] =	vst v63  }
.LBB2_12:
0x42: {  	s26 =	sadd.s32 $0x1, s26  }
0x43: {  	p0 =	sne.s32 s26, $0xA  }
.Ltmp3:
0x44: {  	_ = 	snop;
	(pc) =	sbr.rel @!p0 .LBB2_13-.Ltmp3, $1  }
0x45: {  	_ =	sdelay $0x3  }
.LBB2_2:
0x46: {  	s0 =	sshll.u32 s26, $0x6  }
0x47: {  	_ =	swait.ge [sflag:s2], $0x6400;
	s28 =	sor.u32 s6, s0  }
0x48: {  	[sflag:s2] =	ssyncset.done $0x0;
	p0 =	sgt.u32 s28, $0x250  }
0x49: {  	[sflag:s2] =	ssyncadd.s32 $0xFFFF9C00;
	s0 =	simm.s32 @!p0 $0x4  }
0x4a: {  	_ =	swait.ge @!p0 [sflag:s0], $0x320  }
0x4b: {  	[sflag:s0] =	ssyncset.done @!p0 $0x0  }
0x4c: {  	[sflag:s0] =	ssyncadd.s32 @!p0 $0xFFFFFCE0  }
0x4d: {  	_ =	swait.ge @!p0 [sflag:s0], $0x320  }
0x4e: {  	s29 =	simm.s32 @!p0 $0x9F60;
	[sflag:s0] =	ssyncset.done @!p0 $0x0  }
0x4f: {  	s30 =	simm.s32 @!p0 $0x10CC0;
	[sflag:s0] =	ssyncadd.s32 @!p0 $0xFFFFFCE0;
	s0 =	simm.s32 @!p0 $0x50  }
0x50: {  	[tilespmem:s30], [sflag:$0x2] =	stream.indirect.gather @!p0 [hbm4b:s7+s0], $0x20, s29, s0, $0xb8;
	[tilespmem:$0x1F410] =	vst v63  }
0x51: {  	s29 =	simm.s32 @!p0 $0x9FB0;
	s30 =	simm.s32 @!p0 $0x116C0  }
0x52: {  	[tilespmem:s30], [sflag:$0x2] =	stream.indirect.gather @!p0 [hbm4b:s7+s0], $0x20, s29, s0, $0xb8;
	[tilespmem:$0x1F410] =	vst v63  }
0x53: {  	s29 =	simm.s32 @!p0 $0xA000;
	s30 =	simm.s32 @!p0 $0x120C0  }
0x54: {  	[tilespmem:s30], [sflag:$0x2] =	stream.indirect.gather @!p0 [hbm4b:s7+s0], $0x20, s29, s0, $0xb8;
	[tilespmem:$0x1F410] =	vst v63  }
0x55: {  	s29 =	simm.s32 @!p0 $0xA050;
	s30 =	simm.s32 @!p0 $0x12AC0  }
0x56: {  	[tilespmem:s30], [sflag:$0x2] =	stream.indirect.gather @!p0 [hbm4b:s7+s0], $0x20, s29, s0, $0xb8;
	[tilespmem:$0x1F410] =	vst v63  }
0x57: {  	s29 =	simm.s32 @!p0 $0xA0A0;
	s30 =	simm.s32 @!p0 $0x134C0  }
0x58: {  	[tilespmem:s30], [sflag:$0x2] =	stream.indirect.gather @!p0 [hbm4b:s7+s0], $0x20, s29, s0, $0xb8;
	[tilespmem:$0x1F410] =	vst v63  }
0x59: {  	s29 =	simm.s32 @!p0 $0xA0F0;
	s30 =	simm.s32 @!p0 $0x13EC0  }
0x5a: {  	[tilespmem:s30], [sflag:$0x2] =	stream.indirect.gather @!p0 [hbm4b:s7+s0], $0x20, s29, s0, $0xb8;
	[tilespmem:$0x1F410] =	vst v63  }
0x5b: {  	s29 =	simm.s32 @!p0 $0xA140;
	s30 =	simm.s32 @!p0 $0x148C0  }
0x5c: {  	[tilespmem:s30], [sflag:$0x2] =	stream.indirect.gather @!p0 [hbm4b:s7+s0], $0x20, s29, s0, $0xb8;
	[tilespmem:$0x1F410] =	vst v63  }
0x5d: {  	s29 =	simm.s32 @!p0 $0xA190;
	s30 =	simm.s32 @!p0 $0x152C0  }
0x5e: {  	[tilespmem:s30], [sflag:$0x2] =	stream.indirect.gather @!p0 [hbm4b:s7+s0], $0x20, s29, s0, $0xb8;
	[tilespmem:$0x1F410] =	vst v63  }
0x5f: {  	s29 =	simm.s32 @!p0 $0xA1E0;
	s30 =	simm.s32 @!p0 $0x15CC0  }
0x60: {  	[tilespmem:s30], [sflag:$0x2] =	stream.indirect.gather @!p0 [hbm4b:s7+s0], $0x20, s29, s0, $0xb8;
	[tilespmem:$0x1F410] =	vst v63  }
0x61: {  	s29 =	simm.s32 @!p0 $0xA230;
	s30 =	simm.s32 @!p0 $0x166C0  }
0x62: {  	[tilespmem:s30], [sflag:$0x2] =	stream.indirect.gather @!p0 [hbm4b:s7+s0], $0x20, s29, s0, $0xb8;
	[tilespmem:$0x1F410] =	vst v63  }
0x63: {  	p0 =	seq.s32 s26, $0x0  }
0x64: {  	s0 =	simm.s32 @!p0 $0x5  }
0x65: {  	_ =	swait.ge @!p0 [sflag:s0], $0x320  }
0x66: {  	[sflag:s0] =	ssyncset.done @!p0 $0x0  }
0x67: {  	[sflag:s0] =	ssyncadd.s32 @!p0 $0xFFFFFCE0;
	s0 =	simm.s32 $0xF0  }
0x68: {  	v33 =	vld [tilespmem:s0+$0xA7D0];
	_ =	sdelay $0x3  }
0x69: {  	s29 =	simm.s32 $0x17160  }
0x6a: {  	[tilespmem:s29+$0xFFFFFF60] =	vst v33  }
0x6b: {  	v33 =	vld [tilespmem:s0+$0xA7E0];
	_ =	sdelay $0x4  }
0x6c: {  	[tilespmem:s29+$0xFFFFFF70] =	vst v33  }
0x6d: {  	v33 =	vld [tilespmem:s0+$0xA7F0];
	_ =	sdelay $0x4  }
0x6e: {  	[tilespmem:s29+$0xFFFFFF88] =	vst v33  }
0x6f: {  	v33 =	vld [tilespmem:s0+$0xA800];
	_ =	sdelay $0x4  }
0x70: {  	[tilespmem:s29+$0xFFFFFF98] =	vst v33  }
0x71: {  	v33 =	vld [tilespmem:s0+$0xA810];
	_ =	sdelay $0x4  }
0x72: {  	[tilespmem:s29+$0xFFFFFFB0] =	vst v33  }
0x73: {  	v33 =	vld [tilespmem:s0+$0xA820];
	_ =	sdelay $0x4  }
0x74: {  	[tilespmem:s29+$0xFFFFFFC0] =	vst v33  }
0x75: {  	v33 =	vld [tilespmem:s0+$0xA830];
	_ =	sdelay $0x4  }
0x76: {  	[tilespmem:s29+$0xFFFFFFD8] =	vst v33  }
0x77: {  	v33 =	vld [tilespmem:s0+$0xA840];
	_ =	sdelay $0x4  }
0x78: {  	[tilespmem:s29+$0xFFFFFFE8] =	vst v33  }
0x79: {  	v33 =	vld [tilespmem:s0+$0xA850];
	_ =	sdelay $0x4  }
0x7a: {  	[tilespmem:s29+$0x0] =	vst v33  }
0x7b: {  	v33 =	vld [tilespmem:s0+$0xA860];
	_ =	sdelay $0x4  }
0x7c: {  	[tilespmem:s29+$0x10] =	vst v33  }
0x7d: {  	v33 =	vld [tilespmem:s0+$0xA870];
	_ =	sdelay $0x4  }
0x7e: {  	[tilespmem:s29+$0x28] =	vst v33  }
0x7f: {  	v33 =	vld [tilespmem:s0+$0xA880];
	_ =	sdelay $0x4  }
0x80: {  	[tilespmem:s29+$0x38] =	vst v33  }
0x81: {  	v33 =	vld [tilespmem:s0+$0xA890];
	_ =	sdelay $0x4  }
0x82: {  	[tilespmem:s29+$0x50] =	vst v33  }
0x83: {  	v33 =	vld [tilespmem:s0+$0xA8A0];
	_ =	sdelay $0x4  }
0x84: {  	[tilespmem:s29+$0x60] =	vst v33  }
0x85: {  	v33 =	vld [tilespmem:s0+$0xA8B0];
	_ =	sdelay $0x4  }
0x86: {  	[tilespmem:s29+$0x78] =	vst v33  }
0x87: {  	v33 =	vld [tilespmem:s0+$0xA8C0];
	_ =	sdelay $0x4  }
0x88: {  	s31 =	simm.s32 $0xBC0;
	s30 =	simm.s32 $0x1F0;
	[tilespmem:s29+$0x88] =	vst v33  }
.LBB2_3:
0x89: {  	p1 =	sne.s32 s31, $0x18FC0;
	v33 =	vld [tilespmem:s30+$0xA7D0];
	_ =	sdelay $0x3  }
0x8a: {  	s29 =	sadd.s32 $0x140, s29  }
0x8b: {  	[tilespmem:s29+$0xFFFFFF60] =	vst v33  }
0x8c: {  	v33 =	vld [tilespmem:s30+$0xA7E0];
	_ =	sdelay $0x4  }
0x8d: {  	[tilespmem:s29+$0xFFFFFF70] =	vst v33  }
0x8e: {  	v33 =	vld [tilespmem:s30+$0xA7F0];
	_ =	sdelay $0x4  }
0x8f: {  	[tilespmem:s29+$0xFFFFFF88] =	vst v33  }
0x90: {  	v33 =	vld [tilespmem:s30+$0xA800];
	_ =	sdelay $0x4  }
0x91: {  	[tilespmem:s29+$0xFFFFFF98] =	vst v33  }
0x92: {  	v33 =	vld [tilespmem:s30+$0xA810];
	_ =	sdelay $0x4  }
0x93: {  	[tilespmem:s29+$0xFFFFFFB0] =	vst v33  }
0x94: {  	v33 =	vld [tilespmem:s30+$0xA820];
	_ =	sdelay $0x4  }
0x95: {  	[tilespmem:s29+$0xFFFFFFC0] =	vst v33  }
0x96: {  	v33 =	vld [tilespmem:s30+$0xA830];
	_ =	sdelay $0x4  }
0x97: {  	[tilespmem:s29+$0xFFFFFFD8] =	vst v33  }
0x98: {  	v33 =	vld [tilespmem:s30+$0xA840];
	_ =	sdelay $0x4  }
0x99: {  	[tilespmem:s29+$0xFFFFFFE8] =	vst v33  }
0x9a: {  	v33 =	vld [tilespmem:s30+$0xA850];
	_ =	sdelay $0x4  }
0x9b: {  	[tilespmem:s29+$0x0] =	vst v33  }
0x9c: {  	v33 =	vld [tilespmem:s30+$0xA860];
	_ =	sdelay $0x4  }
0x9d: {  	[tilespmem:s29+$0x10] =	vst v33  }
0x9e: {  	v33 =	vld [tilespmem:s30+$0xA870];
	_ =	sdelay $0x4  }
0x9f: {  	[tilespmem:s29+$0x28] =	vst v33  }
0xa0: {  	v33 =	vld [tilespmem:s30+$0xA880];
	_ =	sdelay $0x4  }
0xa1: {  	[tilespmem:s29+$0x38] =	vst v33  }
0xa2: {  	v33 =	vld [tilespmem:s30+$0xA890];
	_ =	sdelay $0x4  }
0xa3: {  	[tilespmem:s29+$0x50] =	vst v33  }
0xa4: {  	v33 =	vld [tilespmem:s30+$0xA8A0];
	_ =	sdelay $0x4  }
0xa5: {  	[tilespmem:s29+$0x60] =	vst v33  }
0xa6: {  	v33 =	vld [tilespmem:s30+$0xA8B0];
	_ =	sdelay $0x4  }
0xa7: {  	[tilespmem:s29+$0x78] =	vst v33  }
0xa8: {  	v33 =	vld [tilespmem:s30+$0xA8C0]  }
.Ltmp4:
0xa9: {  	(pc) =	sbr.rel @p1 .LBB2_3-.Ltmp4, $2  }
0xaa: {  	_ =	sdelay $0x2  }
0xab: {  	s30 =	sshra.s32 s31, $0x2;
	s31 =	sadd.s32 $0x400, s31;
	[tilespmem:s29+$0x88] =	vst v33  }
0xac: {  	v33 =	vld [tilespmem:s30+$0xA7D0];
	_ =	sdelay $0x3  }
0xad: {  	s0 =	sadd.s32 $0x140, s29  }
0xae: {  	[tilespmem:s0+$0xFFFFFF60] =	vst v33  }
0xaf: {  	v33 =	vld [tilespmem:s30+$0xA7E0];
	_ =	sdelay $0x4  }
0xb0: {  	[tilespmem:s0+$0xFFFFFF70] =	vst v33  }
0xb1: {  	v33 =	vld [tilespmem:s30+$0xA7F0];
	_ =	sdelay $0x4  }
0xb2: {  	[tilespmem:s0+$0xFFFFFF88] =	vst v33  }
0xb3: {  	v33 =	vld [tilespmem:s30+$0xA800];
	_ =	sdelay $0x4  }
0xb4: {  	[tilespmem:s0+$0xFFFFFF98] =	vst v33  }
0xb5: {  	v33 =	vld [tilespmem:s30+$0xA810];
	_ =	sdelay $0x4  }
0xb6: {  	[tilespmem:s0+$0xFFFFFFB0] =	vst v33  }
0xb7: {  	v33 =	vld [tilespmem:s30+$0xA820];
	_ =	sdelay $0x4  }
0xb8: {  	[tilespmem:s0+$0xFFFFFFC0] =	vst v33  }
0xb9: {  	v33 =	vld [tilespmem:s30+$0xA830];
	_ =	sdelay $0x4  }
0xba: {  	[tilespmem:s0+$0xFFFFFFD8] =	vst v33  }
0xbb: {  	v33 =	vld [tilespmem:s30+$0xA840];
	_ =	sdelay $0x4  }
0xbc: {  	[tilespmem:s0+$0xFFFFFFE8] =	vst v33  }
0xbd: {  	v33 =	vld [tilespmem:s30+$0xA850];
	_ =	sdelay $0x4  }
0xbe: {  	[tilespmem:s0+$0x0] =	vst v33  }
0xbf: {  	v33 =	vld [tilespmem:s30+$0xA860];
	_ =	sdelay $0x4  }
0xc0: {  	[tilespmem:s0+$0x10] =	vst v33  }
0xc1: {  	v33 =	vld [tilespmem:s30+$0xA870];
	_ =	sdelay $0x4  }
0xc2: {  	[tilespmem:s0+$0x28] =	vst v33  }
0xc3: {  	v33 =	vld [tilespmem:s30+$0xA880];
	_ =	sdelay $0x4  }
0xc4: {  	[tilespmem:s0+$0x38] =	vst v33  }
0xc5: {  	v33 =	vld [tilespmem:s30+$0xA890];
	_ =	sdelay $0x4  }
0xc6: {  	[tilespmem:s0+$0x50] =	vst v33  }
0xc7: {  	v33 =	vld [tilespmem:s30+$0xA8A0];
	_ =	sdelay $0x4  }
0xc8: {  	[tilespmem:s0+$0x60] =	vst v33  }
0xc9: {  	v33 =	vld [tilespmem:s30+$0xA8B0];
	_ =	sdelay $0x4  }
0xca: {  	[tilespmem:s0+$0x78] =	vst v33  }
0xcb: {  	v33 =	vld [tilespmem:s30+$0xA8C0];
	_ =	sdelay $0x4  }
0xcc: {  	s29 =	simm.s32 $0xA280;
	[tilespmem:s0+$0x88] =	vst v33;
	s0 =	simm.s32 $0x0  }
0xcd: {  	v55 =	vmov s0;
	v34 =	vld [tilespmem:s29+$0x0]  }
0xce: {  	v33 =	vmul.u32 $0x28, v55;
	_ =	sdelay $0x1  }
0xcf: {  	v33 =	vbroadcast v33, $0x0;
	_ =	sdelay $0x1  }
0xd0: {  	v35 =	vadd.s32 v0, v33;
	v34 =	vmul.u32 $0x28, v34;
	_ =	sdelay $0x1  }
0xd1: {  	v36 =	vadd.s32 v1, v33  }
0xd2: {  	v37 =	vor.u32 $0x1, v34  }
0xd3: {  	v38 =	vadd.s32 v2, v33  }
0xd4: {  	v39 =	vor.u32 $0x2, v34;
	v35 =	vld.idx.msk [tilespmem:v35+s18+$0x0], $0xffff  }
0xd5: {  	v41 =	vadd.s32 v3, v33;
	v40 =	vld.idx.msk [tilespmem:v34+s5+$0x0], $0xffff  }
0xd6: {  	v42 =	vor.u32 $0x3, v34;
	v36 =	vld.idx.msk [tilespmem:v36+s18+$0x0], $0xffff  }
0xd7: {  	v43 =	vadd.s32 v4, v33;
	v37 =	vld.idx.msk [tilespmem:v37+s5+$0x0], $0xffff  }
0xd8: {  	v44 =	vor.u32 $0x4, v34;
	v38 =	vld.idx.msk [tilespmem:v38+s18+$0x0], $0xffff  }
0xd9: {  	v45 =	vadd.s32 v5, v33;
	v39 =	vld.idx.msk [tilespmem:v39+s5+$0x0], $0xffff  }
0xda: {  	v46 =	vor.u32 $0x5, v34;
	v41 =	vld.idx.msk [tilespmem:v41+s18+$0x0], $0xffff;
	v35 =	vmul.f32 v40, v35  }
0xdb: {  	v57 =	vadd.s32 v6, v33;
	v56 =	vld.idx.msk [tilespmem:v42+s5+$0x0], $0xffff  }
0xdc: {  	v47 =	vor.u32 $0x6, v34;
	v43 =	vld.idx.msk [tilespmem:v43+s18+$0x0], $0xffff;
	v36 =	vmul.f32 v37, v36;
	v35 =	vadd.f32 v35, v32  }
0xdd: {  	v59 =	vadd.s32 v7, v33;
	v58 =	vld.idx.msk [tilespmem:v44+s5+$0x0], $0xffff  }
0xde: {  	v48 =	vor.u32 $0x7, v34;
	v45 =	vld.idx.msk [tilespmem:v45+s18+$0x0], $0xffff;
	v60 =	vmul.f32 v39, v38;
	v35 =	vadd.f32 v36, v35  }
0xdf: {  	v62 =	vadd.s32 v8, v33;
	v61 =	vld.idx.msk [tilespmem:v46+s5+$0x0], $0xffff  }
0xe0: {  	v63 =	vadd.s32 $0x8, v34;
	v42 =	vld.idx.msk [tilespmem:v57+s18+$0x0], $0xffff;
	v52 =	vmul.f32 v56, v41;
	v35 =	vadd.f32 v60, v35  }
0xe1: {  	v54 =	vadd.s32 v9, v33;
	v53 =	vld.idx.msk [tilespmem:v47+s5+$0x0], $0xffff  }
0xe2: {  	v55 =	vadd.s32 $0x9, v34;
	v44 =	vld.idx.msk [tilespmem:v59+s18+$0x0], $0xffff;
	v56 =	vmul.f32 v58, v43;
	v35 =	vadd.f32 v52, v35  }
0xe3: {  	v57 =	vld.idx.msk [tilespmem:v48+s5+$0x0], $0xffff;
	v58 =	vadd.s32 v10, v33  }
0xe4: {  	v59 =	vadd.s32 $0xA, v34;
	v39 =	vld.idx.msk [tilespmem:v62+s18+$0x0], $0xffff;
	v60 =	vmul.f32 v61, v45;
	v35 =	vadd.f32 v56, v35  }
0xe5: {  	v62 =	vadd.s32 v11, v33;
	v61 =	vld.idx.msk [tilespmem:v63+s5+$0x0], $0xffff  }
0xe6: {  	v41 =	vld.idx.msk [tilespmem:v54+s18+$0x0], $0xffff;
	v63 =	vadd.s32 $0xB, v34;
	v52 =	vmul.f32 v53, v42;
	v35 =	vadd.f32 v60, v35  }
0xe7: {  	v54 =	vadd.s32 v12, v33;
	v53 =	vld.idx.msk [tilespmem:v55+s5+$0x0], $0xffff  }
0xe8: {  	v43 =	vld.idx.msk [tilespmem:v58+s18+$0x0], $0xffff;
	v55 =	vadd.s32 $0xC, v34;
	v56 =	vmul.f32 v57, v44;
	v35 =	vadd.f32 v52, v35  }
0xe9: {  	v58 =	vadd.s32 v13, v33;
	v57 =	vld.idx.msk [tilespmem:v59+s5+$0x0], $0xffff  }
0xea: {  	v45 =	vld.idx.msk [tilespmem:v62+s18+$0x0], $0xffff;
	v59 =	vadd.s32 $0xD, v34;
	v60 =	vmul.f32 v61, v39;
	v35 =	vadd.f32 v56, v35  }
0xeb: {  	v62 =	vadd.s32 v14, v33;
	v61 =	vld.idx.msk [tilespmem:v63+s5+$0x0], $0xffff  }
0xec: {  	v42 =	vld.idx.msk [tilespmem:v54+s18+$0x0], $0xffff;
	v63 =	vadd.s32 $0xE, v34;
	v52 =	vmul.f32 v53, v41;
	v35 =	vadd.f32 v60, v35  }
0xed: {  	v54 =	vadd.s32 v15, v33;
	v53 =	vld.idx.msk [tilespmem:v55+s5+$0x0], $0xffff  }
0xee: {  	v44 =	vld.idx.msk [tilespmem:v58+s18+$0x0], $0xffff;
	v55 =	vadd.s32 $0xF, v34;
	v56 =	vmul.f32 v57, v43;
	v35 =	vadd.f32 v52, v35  }
0xef: {  	v58 =	vadd.s32 v16, v33;
	v57 =	vld.idx.msk [tilespmem:v59+s5+$0x0], $0xffff  }
0xf0: {  	v39 =	vld.idx.msk [tilespmem:v62+s18+$0x0], $0xffff;
	v59 =	vadd.s32 $0x10, v34;
	v60 =	vmul.f32 v61, v45;
	v35 =	vadd.f32 v56, v35  }
0xf1: {  	v62 =	vadd.s32 v17, v33;
	v61 =	vld.idx.msk [tilespmem:v63+s5+$0x0], $0xffff  }
0xf2: {  	v41 =	vld.idx.msk [tilespmem:v54+s18+$0x0], $0xffff;
	v63 =	vadd.s32 $0x11, v34;
	v52 =	vmul.f32 v53, v42;
	v35 =	vadd.f32 v60, v35  }
0xf3: {  	v54 =	vadd.s32 v18, v33;
	v53 =	vld.idx.msk [tilespmem:v55+s5+$0x0], $0xffff  }
0xf4: {  	v43 =	vld.idx.msk [tilespmem:v58+s18+$0x0], $0xffff;
	v55 =	vadd.s32 $0x12, v34;
	v56 =	vmul.f32 v57, v44;
	v35 =	vadd.f32 v52, v35  }
0xf5: {  	v58 =	vadd.s32 v19, v33;
	v57 =	vld.idx.msk [tilespmem:v59+s5+$0x0], $0xffff  }
0xf6: {  	v45 =	vld.idx.msk [tilespmem:v62+s18+$0x0], $0xffff;
	v59 =	vadd.s32 $0x13, v34;
	v60 =	vmul.f32 v61, v39;
	v35 =	vadd.f32 v56, v35  }
0xf7: {  	v62 =	vadd.s32 v20, v33;
	v61 =	vld.idx.msk [tilespmem:v63+s5+$0x0], $0xffff  }
0xf8: {  	v42 =	vld.idx.msk [tilespmem:v54+s18+$0x0], $0xffff;
	v63 =	vadd.s32 $0x14, v34;
	v52 =	vmul.f32 v53, v41;
	v35 =	vadd.f32 v60, v35  }
0xf9: {  	v54 =	vadd.s32 v21, v33;
	v53 =	vld.idx.msk [tilespmem:v55+s5+$0x0], $0xffff  }
0xfa: {  	v44 =	vld.idx.msk [tilespmem:v58+s18+$0x0], $0xffff;
	v55 =	vadd.s32 $0x15, v34;
	v56 =	vmul.f32 v57, v43;
	v35 =	vadd.f32 v52, v35  }
0xfb: {  	v58 =	vadd.s32 v22, v33;
	v57 =	vld.idx.msk [tilespmem:v59+s5+$0x0], $0xffff  }
0xfc: {  	v39 =	vld.idx.msk [tilespmem:v62+s18+$0x0], $0xffff;
	v59 =	vadd.s32 $0x16, v34;
	v60 =	vmul.f32 v61, v45;
	v35 =	vadd.f32 v56, v35  }
0xfd: {  	v62 =	vadd.s32 v23, v33;
	v61 =	vld.idx.msk [tilespmem:v63+s5+$0x0], $0xffff  }
0xfe: {  	v41 =	vld.idx.msk [tilespmem:v54+s18+$0x0], $0xffff;
	v63 =	vadd.s32 $0x17, v34;
	v52 =	vmul.f32 v53, v42;
	v35 =	vadd.f32 v60, v35  }
0xff: {  	v54 =	vadd.s32 v24, v33;
	v53 =	vld.idx.msk [tilespmem:v55+s5+$0x0], $0xffff  }
0x100: {  	v43 =	vld.idx.msk [tilespmem:v58+s18+$0x0], $0xffff;
	v55 =	vadd.s32 $0x18, v34;
	v56 =	vmul.f32 v57, v44;
	v35 =	vadd.f32 v52, v35  }
0x101: {  	v58 =	vadd.s32 v25, v33;
	v57 =	vld.idx.msk [tilespmem:v59+s5+$0x0], $0xffff  }
0x102: {  	v45 =	vld.idx.msk [tilespmem:v62+s18+$0x0], $0xffff;
	v59 =	vadd.s32 $0x19, v34;
	v60 =	vmul.f32 v61, v39;
	v35 =	vadd.f32 v56, v35  }
0x103: {  	v62 =	vadd.s32 v26, v33;
	v61 =	vld.idx.msk [tilespmem:v63+s5+$0x0], $0xffff  }
0x104: {  	v42 =	vld.idx.msk [tilespmem:v54+s18+$0x0], $0xffff;
	v63 =	vadd.s32 $0x1A, v34;
	v52 =	vmul.f32 v53, v41;
	v35 =	vadd.f32 v60, v35  }
0x105: {  	v54 =	vadd.s32 v27, v33;
	v53 =	vld.idx.msk [tilespmem:v55+s5+$0x0], $0xffff  }
0x106: {  	v44 =	vld.idx.msk [tilespmem:v58+s18+$0x0], $0xffff;
	v55 =	vadd.s32 $0x1B, v34;
	v56 =	vmul.f32 v57, v43;
	v35 =	vadd.f32 v52, v35  }
0x107: {  	v58 =	vadd.s32 v28, v33;
	v57 =	vld.idx.msk [tilespmem:v59+s5+$0x0], $0xffff  }
0x108: {  	v39 =	vld.idx.msk [tilespmem:v62+s18+$0x0], $0xffff;
	v59 =	vadd.s32 $0x1C, v34;
	v60 =	vmul.f32 v61, v45;
	v35 =	vadd.f32 v56, v35  }
0x109: {  	v62 =	vadd.s32 v29, v33;
	v61 =	vld.idx.msk [tilespmem:v63+s5+$0x0], $0xffff  }
0x10a: {  	v41 =	vld.idx.msk [tilespmem:v54+s18+$0x0], $0xffff;
	v63 =	vadd.s32 $0x1D, v34;
	v49 =	vmul.f32 v53, v42;
	v35 =	vadd.f32 v60, v35  }
0x10b: {  	v51 =	vadd.s32 v30, v33;
	v50 =	vld.idx.msk [tilespmem:v55+s5+$0x0], $0xffff  }
0x10c: {  	v43 =	vld.idx.msk [tilespmem:v58+s18+$0x0], $0xffff;
	v52 =	vadd.s32 $0x1E, v34;
	v53 =	vmul.f32 v57, v44;
	v35 =	vadd.f32 v49, v35  }
0x10d: {  	v33 =	vadd.s32 v31, v33;
	v54 =	vld.idx.msk [tilespmem:v59+s5+$0x0], $0xffff  }
0x10e: {  	v55 =	vld.idx.msk [tilespmem:v62+s18+$0x0], $0xffff;
	v34 =	vadd.s32 $0x1F, v34;
	v56 =	vmul.f32 v61, v39;
	v35 =	vadd.f32 v53, v35  }
0x10f: {  	v57 =	vld.idx.msk [tilespmem:v63+s5+$0x0], $0xffff  }
0x110: {  	v58 =	vld.idx.msk [tilespmem:v51+s18+$0x0], $0xffff;
	v59 =	vmul.f32 v50, v41;
	v35 =	vadd.f32 v56, v35  }
0x111: {  	v60 =	vld.idx.msk [tilespmem:v52+s5+$0x0], $0xffff  }
0x112: {  	v33 =	vld.idx.msk [tilespmem:v33+s18+$0x0], $0xffff;
	v61 =	vmul.f32 v54, v43;
	v35 =	vadd.f32 v59, v35  }
0x113: {  	v34 =	vld.idx.msk [tilespmem:v34+s5+$0x0], $0xffff  }
0x114: {  	v62 =	vmul.f32 v57, v55;
	v35 =	vadd.f32 v61, v35;
	_ =	sdelay $0x1  }
0x115: {  	v63 =	vmul.f32 v60, v58;
	v35 =	vadd.f32 v62, v35;
	_ =	sdelay $0x1  }
0x116: {  	v33 =	vmul.f32 v34, v33;
	v35 =	vadd.f32 v63, v35;
	_ =	sdelay $0x1  }
0x117: {  	v33 =	vadd.f32 v33, v35  }
0x118: {  	s29 =	simm.s32 $0x1EDC0  }
0x119: {  	s30 =	simm.s32 $0xA290;
	s0 =	simm.s32 $0x10;
	[tilespmem:s29+$0x0] =	vst v33  }
0x11a: {  	s31 =	simm.s32 $0x20;
	v33 =	vmov s0;
	v34 =	vld [tilespmem:s30+$0x0]  }
.LBB2_5:
0x11b: {  	p1 =	sne.s32 s31, $0x310;
	v33 =	vmul.u32 $0x28, v33;
	_ =	sdelay $0x1  }
0x11c: {  	v33 =	vbroadcast v33, $0x0;
	_ =	sdelay $0x1  }
0x11d: {  	v35 =	vadd.s32 v0, v33;
	v34 =	vmul.u32 $0x28, v34;
	_ =	sdelay $0x1  }
0x11e: {  	v36 =	vadd.s32 v1, v33  }
0x11f: {  	v37 =	vor.u32 $0x1, v34  }
0x120: {  	v38 =	vadd.s32 v2, v33  }
0x121: {  	v39 =	vor.u32 $0x2, v34;
	v35 =	vld.idx.msk [tilespmem:v35+s18+$0x0], $0xffff  }
0x122: {  	v41 =	vadd.s32 v3, v33;
	v40 =	vld.idx.msk [tilespmem:v34+s5+$0x0], $0xffff  }
0x123: {  	v42 =	vor.u32 $0x3, v34;
	v36 =	vld.idx.msk [tilespmem:v36+s18+$0x0], $0xffff  }
0x124: {  	v43 =	vadd.s32 v4, v33;
	v37 =	vld.idx.msk [tilespmem:v37+s5+$0x0], $0xffff  }
0x125: {  	v44 =	vor.u32 $0x4, v34;
	v38 =	vld.idx.msk [tilespmem:v38+s18+$0x0], $0xffff  }
0x126: {  	v45 =	vadd.s32 v5, v33;
	v39 =	vld.idx.msk [tilespmem:v39+s5+$0x0], $0xffff  }
0x127: {  	v46 =	vor.u32 $0x5, v34;
	v41 =	vld.idx.msk [tilespmem:v41+s18+$0x0], $0xffff  }
0x128: {  	v35 =	vmul.f32 v40, v35;
	v40 =	vld.idx.msk [tilespmem:v42+s5+$0x0], $0xffff;
	v42 =	vadd.s32 v6, v33  }
0x129: {  	v47 =	vor.u32 $0x6, v34;
	v43 =	vld.idx.msk [tilespmem:v43+s18+$0x0], $0xffff  }
0x12a: {  	v35 =	vadd.f32 v35, v32;
	v36 =	vmul.f32 v37, v36;
	v37 =	vld.idx.msk [tilespmem:v44+s5+$0x0], $0xffff;
	v44 =	vadd.s32 v7, v33  }
0x12b: {  	v48 =	vor.u32 $0x7, v34;
	v45 =	vld.idx.msk [tilespmem:v45+s18+$0x0], $0xffff  }
0x12c: {  	v35 =	vadd.f32 v36, v35;
	v36 =	vmul.f32 v39, v38;
	v39 =	vadd.s32 v8, v33;
	v38 =	vld.idx.msk [tilespmem:v46+s5+$0x0], $0xffff  }
0x12d: {  	v46 =	vadd.s32 $0x8, v34;
	v42 =	vld.idx.msk [tilespmem:v42+s18+$0x0], $0xffff  }
0x12e: {  	v35 =	vadd.f32 v36, v35;
	v36 =	vmul.f32 v40, v41;
	v41 =	vadd.s32 v9, v33;
	v40 =	vld.idx.msk [tilespmem:v47+s5+$0x0], $0xffff  }
0x12f: {  	v47 =	vadd.s32 $0x9, v34;
	v44 =	vld.idx.msk [tilespmem:v44+s18+$0x0], $0xffff  }
0x130: {  	v35 =	vadd.f32 v36, v35;
	v36 =	vmul.f32 v37, v43;
	v43 =	vadd.s32 v10, v33;
	v37 =	vld.idx.msk [tilespmem:v48+s5+$0x0], $0xffff  }
0x131: {  	v48 =	vadd.s32 $0xA, v34;
	v39 =	vld.idx.msk [tilespmem:v39+s18+$0x0], $0xffff  }
0x132: {  	v35 =	vadd.f32 v36, v35;
	v36 =	vmul.f32 v38, v45;
	v45 =	vadd.s32 v11, v33;
	v38 =	vld.idx.msk [tilespmem:v46+s5+$0x0], $0xffff  }
0x133: {  	v46 =	vadd.s32 $0xB, v34;
	v41 =	vld.idx.msk [tilespmem:v41+s18+$0x0], $0xffff  }
0x134: {  	v35 =	vadd.f32 v36, v35;
	v36 =	vmul.f32 v40, v42;
	v42 =	vadd.s32 v12, v33;
	v40 =	vld.idx.msk [tilespmem:v47+s5+$0x0], $0xffff  }
0x135: {  	v47 =	vadd.s32 $0xC, v34;
	v43 =	vld.idx.msk [tilespmem:v43+s18+$0x0], $0xffff  }
0x136: {  	v35 =	vadd.f32 v36, v35;
	v36 =	vmul.f32 v37, v44;
	v44 =	vadd.s32 v13, v33;
	v37 =	vld.idx.msk [tilespmem:v48+s5+$0x0], $0xffff  }
0x137: {  	v48 =	vadd.s32 $0xD, v34;
	v45 =	vld.idx.msk [tilespmem:v45+s18+$0x0], $0xffff  }
0x138: {  	v35 =	vadd.f32 v36, v35;
	v36 =	vmul.f32 v38, v39;
	v39 =	vadd.s32 v14, v33;
	v38 =	vld.idx.msk [tilespmem:v46+s5+$0x0], $0xffff  }
0x139: {  	v46 =	vadd.s32 $0xE, v34;
	v42 =	vld.idx.msk [tilespmem:v42+s18+$0x0], $0xffff  }
0x13a: {  	v35 =	vadd.f32 v36, v35;
	v36 =	vmul.f32 v40, v41;
	v41 =	vadd.s32 v15, v33;
	v40 =	vld.idx.msk [tilespmem:v47+s5+$0x0], $0xffff  }
0x13b: {  	v47 =	vadd.s32 $0xF, v34;
	v44 =	vld.idx.msk [tilespmem:v44+s18+$0x0], $0xffff  }
0x13c: {  	v35 =	vadd.f32 v36, v35;
	v36 =	vmul.f32 v37, v43;
	v43 =	vadd.s32 v16, v33;
	v37 =	vld.idx.msk [tilespmem:v48+s5+$0x0], $0xffff  }
0x13d: {  	v48 =	vadd.s32 $0x10, v34;
	v39 =	vld.idx.msk [tilespmem:v39+s18+$0x0], $0xffff  }
0x13e: {  	v35 =	vadd.f32 v36, v35;
	v36 =	vmul.f32 v38, v45;
	v45 =	vadd.s32 v17, v33;
	v38 =	vld.idx.msk [tilespmem:v46+s5+$0x0], $0xffff  }
0x13f: {  	v46 =	vadd.s32 $0x11, v34;
	v41 =	vld.idx.msk [tilespmem:v41+s18+$0x0], $0xffff  }
0x140: {  	v35 =	vadd.f32 v36, v35;
	v36 =	vmul.f32 v40, v42;
	v42 =	vadd.s32 v18, v33;
	v40 =	vld.idx.msk [tilespmem:v47+s5+$0x0], $0xffff  }
0x141: {  	v47 =	vadd.s32 $0x12, v34;
	v43 =	vld.idx.msk [tilespmem:v43+s18+$0x0], $0xffff  }
0x142: {  	v35 =	vadd.f32 v36, v35;
	v36 =	vmul.f32 v37, v44;
	v44 =	vadd.s32 v19, v33;
	v37 =	vld.idx.msk [tilespmem:v48+s5+$0x0], $0xffff  }
0x143: {  	v48 =	vadd.s32 $0x13, v34;
	v45 =	vld.idx.msk [tilespmem:v45+s18+$0x0], $0xffff  }
0x144: {  	v35 =	vadd.f32 v36, v35;
	v36 =	vmul.f32 v38, v39;
	v39 =	vadd.s32 v20, v33;
	v38 =	vld.idx.msk [tilespmem:v46+s5+$0x0], $0xffff  }
0x145: {  	v46 =	vadd.s32 $0x14, v34;
	v42 =	vld.idx.msk [tilespmem:v42+s18+$0x0], $0xffff  }
0x146: {  	v35 =	vadd.f32 v36, v35;
	v36 =	vmul.f32 v40, v41;
	v41 =	vadd.s32 v21, v33;
	v40 =	vld.idx.msk [tilespmem:v47+s5+$0x0], $0xffff  }
0x147: {  	v47 =	vadd.s32 $0x15, v34;
	v44 =	vld.idx.msk [tilespmem:v44+s18+$0x0], $0xffff  }
0x148: {  	v35 =	vadd.f32 v36, v35;
	v36 =	vmul.f32 v37, v43;
	v43 =	vadd.s32 v22, v33;
	v37 =	vld.idx.msk [tilespmem:v48+s5+$0x0], $0xffff  }
0x149: {  	v48 =	vadd.s32 $0x16, v34;
	v39 =	vld.idx.msk [tilespmem:v39+s18+$0x0], $0xffff  }
0x14a: {  	v35 =	vadd.f32 v36, v35;
	v36 =	vmul.f32 v38, v45;
	v45 =	vadd.s32 v23, v33;
	v38 =	vld.idx.msk [tilespmem:v46+s5+$0x0], $0xffff  }
0x14b: {  	v46 =	vadd.s32 $0x17, v34;
	v41 =	vld.idx.msk [tilespmem:v41+s18+$0x0], $0xffff  }
0x14c: {  	v35 =	vadd.f32 v36, v35;
	v36 =	vmul.f32 v40, v42;
	v42 =	vadd.s32 v24, v33;
	v40 =	vld.idx.msk [tilespmem:v47+s5+$0x0], $0xffff  }
0x14d: {  	v47 =	vadd.s32 $0x18, v34;
	v43 =	vld.idx.msk [tilespmem:v43+s18+$0x0], $0xffff  }
0x14e: {  	v35 =	vadd.f32 v36, v35;
	v36 =	vmul.f32 v37, v44;
	v44 =	vadd.s32 v25, v33;
	v37 =	vld.idx.msk [tilespmem:v48+s5+$0x0], $0xffff  }
0x14f: {  	v48 =	vadd.s32 $0x19, v34;
	v45 =	vld.idx.msk [tilespmem:v45+s18+$0x0], $0xffff  }
0x150: {  	v35 =	vadd.f32 v36, v35;
	v36 =	vmul.f32 v38, v39;
	v39 =	vadd.s32 v26, v33;
	v38 =	vld.idx.msk [tilespmem:v46+s5+$0x0], $0xffff  }
0x151: {  	v46 =	vadd.s32 $0x1A, v34;
	v42 =	vld.idx.msk [tilespmem:v42+s18+$0x0], $0xffff  }
0x152: {  	v35 =	vadd.f32 v36, v35;
	v36 =	vmul.f32 v40, v41;
	v41 =	vadd.s32 v27, v33;
	v40 =	vld.idx.msk [tilespmem:v47+s5+$0x0], $0xffff  }
0x153: {  	v47 =	vadd.s32 $0x1B, v34;
	v44 =	vld.idx.msk [tilespmem:v44+s18+$0x0], $0xffff  }
0x154: {  	v35 =	vadd.f32 v36, v35;
	v36 =	vmul.f32 v37, v43;
	v43 =	vadd.s32 v28, v33;
	v37 =	vld.idx.msk [tilespmem:v48+s5+$0x0], $0xffff  }
0x155: {  	v48 =	vadd.s32 $0x1C, v34;
	v39 =	vld.idx.msk [tilespmem:v39+s18+$0x0], $0xffff  }
0x156: {  	v35 =	vadd.f32 v36, v35;
	v36 =	vmul.f32 v38, v45;
	v45 =	vadd.s32 v29, v33;
	v38 =	vld.idx.msk [tilespmem:v46+s5+$0x0], $0xffff  }
0x157: {  	v46 =	vadd.s32 $0x1D, v34;
	v41 =	vld.idx.msk [tilespmem:v41+s18+$0x0], $0xffff  }
0x158: {  	v35 =	vadd.f32 v36, v35;
	v36 =	vmul.f32 v40, v42;
	v42 =	vadd.s32 v30, v33;
	v40 =	vld.idx.msk [tilespmem:v47+s5+$0x0], $0xffff  }
0x159: {  	v47 =	vadd.s32 $0x1E, v34;
	v43 =	vld.idx.msk [tilespmem:v43+s18+$0x0], $0xffff  }
0x15a: {  	v33 =	vadd.s32 v31, v33;
	v35 =	vadd.f32 v36, v35;
	v36 =	vmul.f32 v37, v44;
	v37 =	vld.idx.msk [tilespmem:v48+s5+$0x0], $0xffff  }
0x15b: {  	v34 =	vadd.s32 $0x1F, v34;
	v44 =	vld.idx.msk [tilespmem:v45+s18+$0x0], $0xffff  }
0x15c: {  	v35 =	vadd.f32 v36, v35;
	v36 =	vmul.f32 v38, v39;
	v38 =	vld.idx.msk [tilespmem:v46+s5+$0x0], $0xffff  }
0x15d: {  	v39 =	vld.idx.msk [tilespmem:v42+s18+$0x0], $0xffff  }
0x15e: {  	v35 =	vadd.f32 v36, v35;
	v36 =	vmul.f32 v40, v41;
	v40 =	vld.idx.msk [tilespmem:v47+s5+$0x0], $0xffff  }
0x15f: {  	v33 =	vld.idx.msk [tilespmem:v33+s18+$0x0], $0xffff  }
0x160: {  	v35 =	vadd.f32 v36, v35;
	v36 =	vmul.f32 v37, v43;
	v34 =	vld.idx.msk [tilespmem:v34+s5+$0x0], $0xffff;
	_ =	sdelay $0x1  }
0x161: {  	v35 =	vadd.f32 v36, v35;
	v36 =	vmul.f32 v38, v44;
	_ =	sdelay $0x1  }
0x162: {  	v35 =	vadd.f32 v36, v35;
	v36 =	vmul.f32 v40, v39;
	_ =	sdelay $0x1  }
0x163: {  	v35 =	vadd.f32 v36, v35;
	v33 =	vmul.f32 v34, v33  }
.Ltmp5:
0x164: {  	(pc) =	sbr.rel @p1 .LBB2_5-.Ltmp5, $4  }
0x165: {  	v33 =	vadd.f32 v33, v35  }
0x166: {  	s29 =	sadd.s32 $0x10, s29  }
0x167: {  	s30 =	sadd.s32 $0x10, s30;
	[tilespmem:s29+$0x0] =	vst v33  }
0x168: {  	v33 =	vmov s31;
	s31 =	sadd.s32 $0x10, s31;
	v34 =	vld [tilespmem:s30+$0x0]  }
0x169: {  	v33 =	vmul.u32 $0x28, v33;
	_ =	sdelay $0x1  }
0x16a: {  	v33 =	vbroadcast v33, $0x0;
	_ =	sdelay $0x1  }
0x16b: {  	v35 =	vadd.s32 v0, v33;
	v34 =	vmul.u32 $0x28, v34;
	_ =	sdelay $0x1  }
0x16c: {  	v36 =	vadd.s32 v1, v33  }
0x16d: {  	v37 =	vor.u32 $0x1, v34  }
0x16e: {  	v38 =	vadd.s32 v2, v33  }
0x16f: {  	v39 =	vor.u32 $0x2, v34;
	v35 =	vld.idx.msk [tilespmem:v35+s18+$0x0], $0xffff  }
0x170: {  	v41 =	vadd.s32 v3, v33;
	v40 =	vld.idx.msk [tilespmem:v34+s5+$0x0], $0xffff  }
0x171: {  	v42 =	vor.u32 $0x3, v34;
	v36 =	vld.idx.msk [tilespmem:v36+s18+$0x0], $0xffff  }
0x172: {  	v43 =	vadd.s32 v4, v33;
	v37 =	vld.idx.msk [tilespmem:v37+s5+$0x0], $0xffff  }
0x173: {  	v44 =	vor.u32 $0x4, v34;
	v38 =	vld.idx.msk [tilespmem:v38+s18+$0x0], $0xffff  }
0x174: {  	v45 =	vadd.s32 v5, v33;
	v39 =	vld.idx.msk [tilespmem:v39+s5+$0x0], $0xffff  }
0x175: {  	v46 =	vor.u32 $0x5, v34;
	v41 =	vld.idx.msk [tilespmem:v41+s18+$0x0], $0xffff;
	v35 =	vmul.f32 v40, v35  }
0x176: {  	v57 =	vadd.s32 v6, v33;
	v56 =	vld.idx.msk [tilespmem:v42+s5+$0x0], $0xffff  }
0x177: {  	v47 =	vor.u32 $0x6, v34;
	v43 =	vld.idx.msk [tilespmem:v43+s18+$0x0], $0xffff;
	v36 =	vmul.f32 v37, v36;
	v35 =	vadd.f32 v35, v32  }
0x178: {  	v59 =	vadd.s32 v7, v33;
	v58 =	vld.idx.msk [tilespmem:v44+s5+$0x0], $0xffff  }
0x179: {  	v48 =	vor.u32 $0x7, v34;
	v45 =	vld.idx.msk [tilespmem:v45+s18+$0x0], $0xffff;
	v60 =	vmul.f32 v39, v38;
	v35 =	vadd.f32 v36, v35  }
0x17a: {  	v62 =	vadd.s32 v8, v33;
	v61 =	vld.idx.msk [tilespmem:v46+s5+$0x0], $0xffff  }
0x17b: {  	v63 =	vadd.s32 $0x8, v34;
	v42 =	vld.idx.msk [tilespmem:v57+s18+$0x0], $0xffff;
	v52 =	vmul.f32 v56, v41;
	v35 =	vadd.f32 v60, v35  }
0x17c: {  	v54 =	vadd.s32 v9, v33;
	v53 =	vld.idx.msk [tilespmem:v47+s5+$0x0], $0xffff  }
0x17d: {  	v55 =	vadd.s32 $0x9, v34;
	v44 =	vld.idx.msk [tilespmem:v59+s18+$0x0], $0xffff;
	v56 =	vmul.f32 v58, v43;
	v35 =	vadd.f32 v52, v35  }
0x17e: {  	v57 =	vld.idx.msk [tilespmem:v48+s5+$0x0], $0xffff;
	v58 =	vadd.s32 v10, v33  }
0x17f: {  	v59 =	vadd.s32 $0xA, v34;
	v39 =	vld.idx.msk [tilespmem:v62+s18+$0x0], $0xffff;
	v60 =	vmul.f32 v61, v45;
	v35 =	vadd.f32 v56, v35  }
0x180: {  	v62 =	vadd.s32 v11, v33;
	v61 =	vld.idx.msk [tilespmem:v63+s5+$0x0], $0xffff  }
0x181: {  	v41 =	vld.idx.msk [tilespmem:v54+s18+$0x0], $0xffff;
	v63 =	vadd.s32 $0xB, v34;
	v52 =	vmul.f32 v53, v42;
	v35 =	vadd.f32 v60, v35  }
0x182: {  	v54 =	vadd.s32 v12, v33;
	v53 =	vld.idx.msk [tilespmem:v55+s5+$0x0], $0xffff  }
0x183: {  	v43 =	vld.idx.msk [tilespmem:v58+s18+$0x0], $0xffff;
	v55 =	vadd.s32 $0xC, v34;
	v56 =	vmul.f32 v57, v44;
	v35 =	vadd.f32 v52, v35  }
0x184: {  	v58 =	vadd.s32 v13, v33;
	v57 =	vld.idx.msk [tilespmem:v59+s5+$0x0], $0xffff  }
0x185: {  	v45 =	vld.idx.msk [tilespmem:v62+s18+$0x0], $0xffff;
	v59 =	vadd.s32 $0xD, v34;
	v60 =	vmul.f32 v61, v39;
	v35 =	vadd.f32 v56, v35  }
0x186: {  	v62 =	vadd.s32 v14, v33;
	v61 =	vld.idx.msk [tilespmem:v63+s5+$0x0], $0xffff  }
0x187: {  	v42 =	vld.idx.msk [tilespmem:v54+s18+$0x0], $0xffff;
	v63 =	vadd.s32 $0xE, v34;
	v52 =	vmul.f32 v53, v41;
	v35 =	vadd.f32 v60, v35  }
0x188: {  	v54 =	vadd.s32 v15, v33;
	v53 =	vld.idx.msk [tilespmem:v55+s5+$0x0], $0xffff  }
0x189: {  	v44 =	vld.idx.msk [tilespmem:v58+s18+$0x0], $0xffff;
	v55 =	vadd.s32 $0xF, v34;
	v56 =	vmul.f32 v57, v43;
	v35 =	vadd.f32 v52, v35  }
0x18a: {  	v58 =	vadd.s32 v16, v33;
	v57 =	vld.idx.msk [tilespmem:v59+s5+$0x0], $0xffff  }
0x18b: {  	v39 =	vld.idx.msk [tilespmem:v62+s18+$0x0], $0xffff;
	v59 =	vadd.s32 $0x10, v34;
	v60 =	vmul.f32 v61, v45;
	v35 =	vadd.f32 v56, v35  }
0x18c: {  	v62 =	vadd.s32 v17, v33;
	v61 =	vld.idx.msk [tilespmem:v63+s5+$0x0], $0xffff  }
0x18d: {  	v41 =	vld.idx.msk [tilespmem:v54+s18+$0x0], $0xffff;
	v63 =	vadd.s32 $0x11, v34;
	v52 =	vmul.f32 v53, v42;
	v35 =	vadd.f32 v60, v35  }
0x18e: {  	v54 =	vadd.s32 v18, v33;
	v53 =	vld.idx.msk [tilespmem:v55+s5+$0x0], $0xffff  }
0x18f: {  	v43 =	vld.idx.msk [tilespmem:v58+s18+$0x0], $0xffff;
	v55 =	vadd.s32 $0x12, v34;
	v56 =	vmul.f32 v57, v44;
	v35 =	vadd.f32 v52, v35  }
0x190: {  	v58 =	vadd.s32 v19, v33;
	v57 =	vld.idx.msk [tilespmem:v59+s5+$0x0], $0xffff  }
0x191: {  	v45 =	vld.idx.msk [tilespmem:v62+s18+$0x0], $0xffff;
	v59 =	vadd.s32 $0x13, v34;
	v60 =	vmul.f32 v61, v39;
	v35 =	vadd.f32 v56, v35  }
0x192: {  	v62 =	vadd.s32 v20, v33;
	v61 =	vld.idx.msk [tilespmem:v63+s5+$0x0], $0xffff  }
0x193: {  	v42 =	vld.idx.msk [tilespmem:v54+s18+$0x0], $0xffff;
	v63 =	vadd.s32 $0x14, v34;
	v52 =	vmul.f32 v53, v41;
	v35 =	vadd.f32 v60, v35  }
0x194: {  	v54 =	vadd.s32 v21, v33;
	v53 =	vld.idx.msk [tilespmem:v55+s5+$0x0], $0xffff  }
0x195: {  	v44 =	vld.idx.msk [tilespmem:v58+s18+$0x0], $0xffff;
	v55 =	vadd.s32 $0x15, v34;
	v56 =	vmul.f32 v57, v43;
	v35 =	vadd.f32 v52, v35  }
0x196: {  	v58 =	vadd.s32 v22, v33;
	v57 =	vld.idx.msk [tilespmem:v59+s5+$0x0], $0xffff  }
0x197: {  	v39 =	vld.idx.msk [tilespmem:v62+s18+$0x0], $0xffff;
	v59 =	vadd.s32 $0x16, v34;
	v60 =	vmul.f32 v61, v45;
	v35 =	vadd.f32 v56, v35  }
0x198: {  	v62 =	vadd.s32 v23, v33;
	v61 =	vld.idx.msk [tilespmem:v63+s5+$0x0], $0xffff  }
0x199: {  	v41 =	vld.idx.msk [tilespmem:v54+s18+$0x0], $0xffff;
	v63 =	vadd.s32 $0x17, v34;
	v52 =	vmul.f32 v53, v42;
	v35 =	vadd.f32 v60, v35  }
0x19a: {  	v54 =	vadd.s32 v24, v33;
	v53 =	vld.idx.msk [tilespmem:v55+s5+$0x0], $0xffff  }
0x19b: {  	v43 =	vld.idx.msk [tilespmem:v58+s18+$0x0], $0xffff;
	v55 =	vadd.s32 $0x18, v34;
	v56 =	vmul.f32 v57, v44;
	v35 =	vadd.f32 v52, v35  }
0x19c: {  	v58 =	vadd.s32 v25, v33;
	v57 =	vld.idx.msk [tilespmem:v59+s5+$0x0], $0xffff  }
0x19d: {  	v45 =	vld.idx.msk [tilespmem:v62+s18+$0x0], $0xffff;
	v59 =	vadd.s32 $0x19, v34;
	v60 =	vmul.f32 v61, v39;
	v35 =	vadd.f32 v56, v35  }
0x19e: {  	v62 =	vadd.s32 v26, v33;
	v61 =	vld.idx.msk [tilespmem:v63+s5+$0x0], $0xffff  }
0x19f: {  	v42 =	vld.idx.msk [tilespmem:v54+s18+$0x0], $0xffff;
	v63 =	vadd.s32 $0x1A, v34;
	v52 =	vmul.f32 v53, v41;
	v35 =	vadd.f32 v60, v35  }
0x1a0: {  	v54 =	vadd.s32 v27, v33;
	v53 =	vld.idx.msk [tilespmem:v55+s5+$0x0], $0xffff  }
0x1a1: {  	v44 =	vld.idx.msk [tilespmem:v58+s18+$0x0], $0xffff;
	v55 =	vadd.s32 $0x1B, v34;
	v56 =	vmul.f32 v57, v43;
	v35 =	vadd.f32 v52, v35  }
0x1a2: {  	v58 =	vadd.s32 v28, v33;
	v57 =	vld.idx.msk [tilespmem:v59+s5+$0x0], $0xffff  }
0x1a3: {  	v39 =	vld.idx.msk [tilespmem:v62+s18+$0x0], $0xffff;
	v59 =	vadd.s32 $0x1C, v34;
	v60 =	vmul.f32 v61, v45;
	v35 =	vadd.f32 v56, v35  }
0x1a4: {  	v62 =	vadd.s32 v29, v33;
	v61 =	vld.idx.msk [tilespmem:v63+s5+$0x0], $0xffff  }
0x1a5: {  	v41 =	vld.idx.msk [tilespmem:v54+s18+$0x0], $0xffff;
	v63 =	vadd.s32 $0x1D, v34;
	v49 =	vmul.f32 v53, v42;
	v35 =	vadd.f32 v60, v35  }
0x1a6: {  	v51 =	vadd.s32 v30, v33;
	v50 =	vld.idx.msk [tilespmem:v55+s5+$0x0], $0xffff  }
0x1a7: {  	v43 =	vld.idx.msk [tilespmem:v58+s18+$0x0], $0xffff;
	v52 =	vadd.s32 $0x1E, v34;
	v53 =	vmul.f32 v57, v44;
	v35 =	vadd.f32 v49, v35  }
0x1a8: {  	v33 =	vadd.s32 v31, v33;
	v54 =	vld.idx.msk [tilespmem:v59+s5+$0x0], $0xffff  }
0x1a9: {  	v55 =	vld.idx.msk [tilespmem:v62+s18+$0x0], $0xffff;
	v34 =	vadd.s32 $0x1F, v34;
	v56 =	vmul.f32 v61, v39;
	v35 =	vadd.f32 v53, v35  }
0x1aa: {  	v57 =	vld.idx.msk [tilespmem:v63+s5+$0x0], $0xffff  }
0x1ab: {  	v58 =	vld.idx.msk [tilespmem:v51+s18+$0x0], $0xffff;
	v59 =	vmul.f32 v50, v41;
	v35 =	vadd.f32 v56, v35  }
0x1ac: {  	v60 =	vld.idx.msk [tilespmem:v52+s5+$0x0], $0xffff  }
0x1ad: {  	v33 =	vld.idx.msk [tilespmem:v33+s18+$0x0], $0xffff;
	v61 =	vmul.f32 v54, v43;
	v35 =	vadd.f32 v59, v35  }
0x1ae: {  	v34 =	vld.idx.msk [tilespmem:v34+s5+$0x0], $0xffff  }
0x1af: {  	v62 =	vmul.f32 v57, v55;
	v35 =	vadd.f32 v61, v35;
	_ =	sdelay $0x1  }
0x1b0: {  	v63 =	vmul.f32 v60, v58;
	v35 =	vadd.f32 v62, v35  }
0x1b1: {  	p1 =	sgt.u32 s28, $0x230  }
0x1b2: {  	s0 =	smul.u32 @!p1 $0x320, s28;
	v33 =	vmul.f32 v34, v33;
	v35 =	vadd.f32 v63, v35;
	_ =	sdelay $0x1  }
0x1b3: {  	s0 =	sshrl.u32 @!p1 s0, $0x3;
	v33 =	vadd.f32 v33, v35  }
0x1b4: {  	s29 =	sadd.s32 $0x10, s29;
	s30 =	simm.s32 @!p1 $0x0;
	s0 =	sadd.s32 @!p1 $0x1900, s0  }
0x1b5: {  	s31 =	simm.s32 @!p1 $0x9C40;
	[tilespmem:s29+$0x0] =	vst v33;
	s29 =	sadd.s32 @!p1 s1, s0;
	s0 =	sadd.s32 @!p1 s3, s0  }
0x1b6: {  	[tilespmem:s31], [sflag:$0x3] =	stream.linear.gather @!p1 [hbm4b:s29+s30], $0x320, $0x38;
	[tilespmem:$0x1F410] =	vst v63  }
0x1b7: {  	s29 =	simm.s32 @!p1 $0xA280;
	s31 =	smul.u32 $0x64, s28;
	s28 =	sor.u32 $0x20, s28  }
0x1b8: {  	[tilespmem:s29], [sflag:$0x3] =	stream.linear.gather @!p1 [hbm4b:s0+s30], $0x320, $0x38;
	[tilespmem:$0x1F410] =	vst v63  }
0x1b9: {  	p1 =	sgt.u32 s28, $0x270  }
.Ltmp6:
0x1ba: {  	_ = 	snop;
	(pc) =	sbr.rel @p1 .LBB2_12-.Ltmp6, $3  }
0x1bb: {  	_ =	sdelay $0x1  }
0x1bc: {  	s31 =	sadd.s32 s4, s31  }
0x1bd: {  	[hbm4b:s31+s5] =	stream.linear.scatter [tilespmem:s20], [sflag:$0x5], $0x320, $0x38;
	[tilespmem:$0x1F410] =	vst v63  }
0x1be: {  	_ =	swait.ge [sflag:s23], $0x6400  }
0x1bf: {  	p1 =	sgt.u32 s28, $0x250;
	[sflag:s23] =	ssyncset.done $0x0  }
0x1c0: {  	s0 =	simm.s32 @!p1 $0x3;
	[sflag:s23] =	ssyncadd.s32 $0xFFFF9C00  }
0x1c1: {  	_ =	swait.ge @!p1 [sflag:s0], $0x320  }
0x1c2: {  	[sflag:s0] =	ssyncset.done @!p1 $0x0  }
0x1c3: {  	[sflag:s0] =	ssyncadd.s32 @!p1 $0xFFFFFCE0  }
0x1c4: {  	_ =	swait.ge @!p1 [sflag:s0], $0x320  }
0x1c5: {  	s29 =	simm.s32 @!p1 $0x9C40;
	[sflag:s0] =	ssyncset.done @!p1 $0x0  }
0x1c6: {  	s30 =	simm.s32 @!p1 $0xA8C0;
	[sflag:s0] =	ssyncadd.s32 @!p1 $0xFFFFFCE0;
	s0 =	simm.s32 @!p1 $0x50  }
0x1c7: {  	[tilespmem:s30], [sflag:$0x1] =	stream.indirect.gather @!p1 [hbm4b:s7+s0], $0x20, s29, s0, $0xb8;
	[tilespmem:$0x1F410] =	vst v63  }
0x1c8: {  	s29 =	simm.s32 @!p1 $0x9C90;
	s30 =	simm.s32 @!p1 $0xB2C0  }
0x1c9: {  	[tilespmem:s30], [sflag:$0x1] =	stream.indirect.gather @!p1 [hbm4b:s7+s0], $0x20, s29, s0, $0xb8;
	[tilespmem:$0x1F410] =	vst v63  }
0x1ca: {  	s29 =	simm.s32 @!p1 $0x9CE0;
	s30 =	simm.s32 @!p1 $0xBCC0  }
0x1cb: {  	[tilespmem:s30], [sflag:$0x1] =	stream.indirect.gather @!p1 [hbm4b:s7+s0], $0x20, s29, s0, $0xb8;
	[tilespmem:$0x1F410] =	vst v63  }
0x1cc: {  	s29 =	simm.s32 @!p1 $0x9D30;
	s30 =	simm.s32 @!p1 $0xC6C0  }
0x1cd: {  	[tilespmem:s30], [sflag:$0x1] =	stream.indirect.gather @!p1 [hbm4b:s7+s0], $0x20, s29, s0, $0xb8;
	[tilespmem:$0x1F410] =	vst v63  }
0x1ce: {  	s29 =	simm.s32 @!p1 $0x9D80;
	s30 =	simm.s32 @!p1 $0xD0C0  }
0x1cf: {  	[tilespmem:s30], [sflag:$0x1] =	stream.indirect.gather @!p1 [hbm4b:s7+s0], $0x20, s29, s0, $0xb8;
	[tilespmem:$0x1F410] =	vst v63  }
0x1d0: {  	s29 =	simm.s32 @!p1 $0x9DD0;
	s30 =	simm.s32 @!p1 $0xDAC0  }
0x1d1: {  	[tilespmem:s30], [sflag:$0x1] =	stream.indirect.gather @!p1 [hbm4b:s7+s0], $0x20, s29, s0, $0xb8;
	[tilespmem:$0x1F410] =	vst v63  }
0x1d2: {  	s29 =	simm.s32 @!p1 $0x9E20;
	s30 =	simm.s32 @!p1 $0xE4C0  }
0x1d3: {  	[tilespmem:s30], [sflag:$0x1] =	stream.indirect.gather @!p1 [hbm4b:s7+s0], $0x20, s29, s0, $0xb8;
	[tilespmem:$0x1F410] =	vst v63  }
0x1d4: {  	s29 =	simm.s32 @!p1 $0x9E70;
	s30 =	simm.s32 @!p1 $0xEEC0  }
0x1d5: {  	[tilespmem:s30], [sflag:$0x1] =	stream.indirect.gather @!p1 [hbm4b:s7+s0], $0x20, s29, s0, $0xb8;
	[tilespmem:$0x1F410] =	vst v63  }
0x1d6: {  	s29 =	simm.s32 @!p1 $0x9EC0;
	s30 =	simm.s32 @!p1 $0xF8C0  }
0x1d7: {  	[tilespmem:s30], [sflag:$0x1] =	stream.indirect.gather @!p1 [hbm4b:s7+s0], $0x20, s29, s0, $0xb8;
	[tilespmem:$0x1F410] =	vst v63  }
0x1d8: {  	s29 =	simm.s32 @!p1 $0x9F10;
	s30 =	simm.s32 @!p1 $0x102C0  }
0x1d9: {  	[tilespmem:s30], [sflag:$0x1] =	stream.indirect.gather @!p1 [hbm4b:s7+s0], $0x20, s29, s0, $0xb8;
	[tilespmem:$0x1F410] =	vst v63  }
0x1da: {  	s0 =	simm.s32 @!p0 $0x6  }
0x1db: {  	_ =	swait.ge @!p0 [sflag:s0], $0x320  }
0x1dc: {  	[sflag:s0] =	ssyncset.done @!p0 $0x0  }
0x1dd: {  	[sflag:s0] =	ssyncadd.s32 @!p0 $0xFFFFFCE0;
	s0 =	simm.s32 $0x0  }
0x1de: {  	v33 =	vld [tilespmem:s0+$0x10CC0];
	_ =	sdelay $0x3  }
0x1df: {  	s30 =	simm.s32 $0x17160  }
0x1e0: {  	[tilespmem:s30+$0xFFFFFF60] =	vst v33  }
0x1e1: {  	v33 =	vld [tilespmem:s0+$0x10CD0];
	_ =	sdelay $0x4  }
0x1e2: {  	[tilespmem:s30+$0xFFFFFF70] =	vst v33  }
0x1e3: {  	v33 =	vld [tilespmem:s0+$0x10CE0];
	_ =	sdelay $0x4  }
0x1e4: {  	[tilespmem:s30+$0xFFFFFF88] =	vst v33  }
0x1e5: {  	v33 =	vld [tilespmem:s0+$0x10CF0];
	_ =	sdelay $0x4  }
0x1e6: {  	[tilespmem:s30+$0xFFFFFF98] =	vst v33  }
0x1e7: {  	v33 =	vld [tilespmem:s0+$0x10D00];
	_ =	sdelay $0x4  }
0x1e8: {  	[tilespmem:s30+$0xFFFFFFB0] =	vst v33  }
0x1e9: {  	v33 =	vld [tilespmem:s0+$0x10D10];
	_ =	sdelay $0x4  }
0x1ea: {  	[tilespmem:s30+$0xFFFFFFC0] =	vst v33  }
0x1eb: {  	v33 =	vld [tilespmem:s0+$0x10D20];
	_ =	sdelay $0x4  }
0x1ec: {  	[tilespmem:s30+$0xFFFFFFD8] =	vst v33  }
0x1ed: {  	v33 =	vld [tilespmem:s0+$0x10D30];
	_ =	sdelay $0x4  }
0x1ee: {  	[tilespmem:s30+$0xFFFFFFE8] =	vst v33  }
0x1ef: {  	v33 =	vld [tilespmem:s0+$0x10D40];
	_ =	sdelay $0x4  }
0x1f0: {  	[tilespmem:s30+$0x0] =	vst v33  }
0x1f1: {  	v33 =	vld [tilespmem:s0+$0x10D50];
	_ =	sdelay $0x4  }
0x1f2: {  	[tilespmem:s30+$0x10] =	vst v33  }
0x1f3: {  	v33 =	vld [tilespmem:s0+$0x10D60];
	_ =	sdelay $0x4  }
0x1f4: {  	[tilespmem:s30+$0x28] =	vst v33  }
0x1f5: {  	v33 =	vld [tilespmem:s0+$0x10D70];
	_ =	sdelay $0x4  }
0x1f6: {  	[tilespmem:s30+$0x38] =	vst v33  }
0x1f7: {  	v33 =	vld [tilespmem:s0+$0x10D80];
	_ =	sdelay $0x4  }
0x1f8: {  	[tilespmem:s30+$0x50] =	vst v33  }
0x1f9: {  	v33 =	vld [tilespmem:s0+$0x10D90];
	_ =	sdelay $0x4  }
0x1fa: {  	[tilespmem:s30+$0x60] =	vst v33  }
0x1fb: {  	v33 =	vld [tilespmem:s0+$0x10DA0];
	_ =	sdelay $0x4  }
0x1fc: {  	[tilespmem:s30+$0x78] =	vst v33  }
0x1fd: {  	v33 =	vld [tilespmem:s0+$0x10DB0];
	_ =	sdelay $0x4  }
0x1fe: {  	s31 =	simm.s32 $0x100;
	s29 =	simm.s32 $0x0;
	s0 =	simm.s32 $0x800;
	[tilespmem:s30+$0x88] =	vst v33  }
.LBB2_8:
0x1ff: {  	p0 =	sne.s32 s0, $0x18C00;
	v33 =	vld [tilespmem:s31+$0x10CC0];
	_ =	sdelay $0x3  }
0x200: {  	s30 =	sadd.s32 $0x140, s30  }
0x201: {  	[tilespmem:s30+$0xFFFFFF60] =	vst v33  }
0x202: {  	v33 =	vld [tilespmem:s31+$0x10CD0];
	_ =	sdelay $0x4  }
0x203: {  	[tilespmem:s30+$0xFFFFFF70] =	vst v33  }
0x204: {  	v33 =	vld [tilespmem:s31+$0x10CE0];
	_ =	sdelay $0x4  }
0x205: {  	[tilespmem:s30+$0xFFFFFF88] =	vst v33  }
0x206: {  	v33 =	vld [tilespmem:s31+$0x10CF0];
	_ =	sdelay $0x4  }
0x207: {  	[tilespmem:s30+$0xFFFFFF98] =	vst v33  }
0x208: {  	v33 =	vld [tilespmem:s31+$0x10D00];
	_ =	sdelay $0x4  }
0x209: {  	[tilespmem:s30+$0xFFFFFFB0] =	vst v33  }
0x20a: {  	v33 =	vld [tilespmem:s31+$0x10D10];
	_ =	sdelay $0x4  }
0x20b: {  	[tilespmem:s30+$0xFFFFFFC0] =	vst v33  }
0x20c: {  	v33 =	vld [tilespmem:s31+$0x10D20];
	_ =	sdelay $0x4  }
0x20d: {  	[tilespmem:s30+$0xFFFFFFD8] =	vst v33  }
0x20e: {  	v33 =	vld [tilespmem:s31+$0x10D30];
	_ =	sdelay $0x4  }
0x20f: {  	[tilespmem:s30+$0xFFFFFFE8] =	vst v33  }
0x210: {  	v33 =	vld [tilespmem:s31+$0x10D40];
	_ =	sdelay $0x4  }
0x211: {  	[tilespmem:s30+$0x0] =	vst v33  }
0x212: {  	v33 =	vld [tilespmem:s31+$0x10D50];
	_ =	sdelay $0x4  }
0x213: {  	[tilespmem:s30+$0x10] =	vst v33  }
0x214: {  	v33 =	vld [tilespmem:s31+$0x10D60];
	_ =	sdelay $0x4  }
0x215: {  	[tilespmem:s30+$0x28] =	vst v33  }
0x216: {  	v33 =	vld [tilespmem:s31+$0x10D70];
	_ =	sdelay $0x4  }
0x217: {  	[tilespmem:s30+$0x38] =	vst v33  }
0x218: {  	v33 =	vld [tilespmem:s31+$0x10D80];
	_ =	sdelay $0x4  }
0x219: {  	[tilespmem:s30+$0x50] =	vst v33  }
0x21a: {  	v33 =	vld [tilespmem:s31+$0x10D90];
	_ =	sdelay $0x4  }
0x21b: {  	[tilespmem:s30+$0x60] =	vst v33  }
0x21c: {  	v33 =	vld [tilespmem:s31+$0x10DA0];
	_ =	sdelay $0x4  }
0x21d: {  	[tilespmem:s30+$0x78] =	vst v33  }
0x21e: {  	v33 =	vld [tilespmem:s31+$0x10DB0]  }
.Ltmp7:
0x21f: {  	(pc) =	sbr.rel @p0 .LBB2_8-.Ltmp7, $2  }
0x220: {  	_ =	sdelay $0x2  }
0x221: {  	s31 =	sshra.s32 s0, $0x2;
	s0 =	sadd.s32 $0x400, s0;
	[tilespmem:s30+$0x88] =	vst v33  }
0x222: {  	v33 =	vld [tilespmem:s31+$0x10CC0];
	_ =	sdelay $0x3  }
0x223: {  	s0 =	sadd.s32 $0x140, s30  }
0x224: {  	[tilespmem:s0+$0xFFFFFF60] =	vst v33  }
0x225: {  	v33 =	vld [tilespmem:s31+$0x10CD0];
	_ =	sdelay $0x4  }
0x226: {  	[tilespmem:s0+$0xFFFFFF70] =	vst v33  }
0x227: {  	v33 =	vld [tilespmem:s31+$0x10CE0];
	_ =	sdelay $0x4  }
0x228: {  	[tilespmem:s0+$0xFFFFFF88] =	vst v33  }
0x229: {  	v33 =	vld [tilespmem:s31+$0x10CF0];
	_ =	sdelay $0x4  }
0x22a: {  	[tilespmem:s0+$0xFFFFFF98] =	vst v33  }
0x22b: {  	v33 =	vld [tilespmem:s31+$0x10D00];
	_ =	sdelay $0x4  }
0x22c: {  	[tilespmem:s0+$0xFFFFFFB0] =	vst v33  }
0x22d: {  	v33 =	vld [tilespmem:s31+$0x10D10];
	_ =	sdelay $0x4  }
0x22e: {  	[tilespmem:s0+$0xFFFFFFC0] =	vst v33  }
0x22f: {  	v33 =	vld [tilespmem:s31+$0x10D20];
	_ =	sdelay $0x4  }
0x230: {  	[tilespmem:s0+$0xFFFFFFD8] =	vst v33  }
0x231: {  	v33 =	vld [tilespmem:s31+$0x10D30];
	_ =	sdelay $0x4  }
0x232: {  	[tilespmem:s0+$0xFFFFFFE8] =	vst v33  }
0x233: {  	v33 =	vld [tilespmem:s31+$0x10D40];
	_ =	sdelay $0x4  }
0x234: {  	[tilespmem:s0+$0x0] =	vst v33  }
0x235: {  	v33 =	vld [tilespmem:s31+$0x10D50];
	_ =	sdelay $0x4  }
0x236: {  	[tilespmem:s0+$0x10] =	vst v33  }
0x237: {  	v33 =	vld [tilespmem:s31+$0x10D60];
	_ =	sdelay $0x4  }
0x238: {  	[tilespmem:s0+$0x28] =	vst v33  }
0x239: {  	v33 =	vld [tilespmem:s31+$0x10D70];
	_ =	sdelay $0x4  }
0x23a: {  	[tilespmem:s0+$0x38] =	vst v33  }
0x23b: {  	v33 =	vld [tilespmem:s31+$0x10D80];
	_ =	sdelay $0x4  }
0x23c: {  	[tilespmem:s0+$0x50] =	vst v33  }
0x23d: {  	v33 =	vld [tilespmem:s31+$0x10D90];
	_ =	sdelay $0x4  }
0x23e: {  	[tilespmem:s0+$0x60] =	vst v33  }
0x23f: {  	v33 =	vld [tilespmem:s31+$0x10DA0];
	_ =	sdelay $0x4  }
0x240: {  	[tilespmem:s0+$0x78] =	vst v33  }
0x241: {  	v33 =	vld [tilespmem:s31+$0x10DB0];
	_ =	sdelay $0x4  }
0x242: {  	[tilespmem:s0+$0x88] =	vst v33;
	s0 =	simm.s32 $0xA5A0  }
0x243: {  	v55 =	vmov s29;
	v34 =	vld [tilespmem:s0+$0x0]  }
0x244: {  	v33 =	vmul.u32 $0x28, v55;
	_ =	sdelay $0x1  }
0x245: {  	v33 =	vbroadcast v33, $0x0;
	_ =	sdelay $0x1  }
0x246: {  	v35 =	vadd.s32 v0, v33;
	v34 =	vmul.u32 $0x28, v34;
	_ =	sdelay $0x1  }
0x247: {  	v36 =	vadd.s32 v1, v33  }
0x248: {  	v37 =	vor.u32 $0x1, v34  }
0x249: {  	v38 =	vadd.s32 v2, v33  }
0x24a: {  	v39 =	vor.u32 $0x2, v34;
	v35 =	vld.idx.msk [tilespmem:v35+s18+$0x0], $0xffff  }
0x24b: {  	v41 =	vadd.s32 v3, v33;
	v40 =	vld.idx.msk [tilespmem:v34+s5+$0x0], $0xffff  }
0x24c: {  	v42 =	vor.u32 $0x3, v34;
	v36 =	vld.idx.msk [tilespmem:v36+s18+$0x0], $0xffff  }
0x24d: {  	v43 =	vadd.s32 v4, v33;
	v37 =	vld.idx.msk [tilespmem:v37+s5+$0x0], $0xffff  }
0x24e: {  	v44 =	vor.u32 $0x4, v34;
	v38 =	vld.idx.msk [tilespmem:v38+s18+$0x0], $0xffff  }
0x24f: {  	v45 =	vadd.s32 v5, v33;
	v39 =	vld.idx.msk [tilespmem:v39+s5+$0x0], $0xffff  }
0x250: {  	v46 =	vor.u32 $0x5, v34;
	v41 =	vld.idx.msk [tilespmem:v41+s18+$0x0], $0xffff;
	v35 =	vmul.f32 v40, v35  }
0x251: {  	v57 =	vadd.s32 v6, v33;
	v56 =	vld.idx.msk [tilespmem:v42+s5+$0x0], $0xffff  }
0x252: {  	v47 =	vor.u32 $0x6, v34;
	v43 =	vld.idx.msk [tilespmem:v43+s18+$0x0], $0xffff;
	v36 =	vmul.f32 v37, v36;
	v35 =	vadd.f32 v35, v32  }
0x253: {  	v59 =	vadd.s32 v7, v33;
	v58 =	vld.idx.msk [tilespmem:v44+s5+$0x0], $0xffff  }
0x254: {  	v48 =	vor.u32 $0x7, v34;
	v45 =	vld.idx.msk [tilespmem:v45+s18+$0x0], $0xffff;
	v60 =	vmul.f32 v39, v38;
	v35 =	vadd.f32 v36, v35  }
0x255: {  	v62 =	vadd.s32 v8, v33;
	v61 =	vld.idx.msk [tilespmem:v46+s5+$0x0], $0xffff  }
0x256: {  	v63 =	vadd.s32 $0x8, v34;
	v42 =	vld.idx.msk [tilespmem:v57+s18+$0x0], $0xffff;
	v52 =	vmul.f32 v56, v41;
	v35 =	vadd.f32 v60, v35  }
0x257: {  	v54 =	vadd.s32 v9, v33;
	v53 =	vld.idx.msk [tilespmem:v47+s5+$0x0], $0xffff  }
0x258: {  	v55 =	vadd.s32 $0x9, v34;
	v44 =	vld.idx.msk [tilespmem:v59+s18+$0x0], $0xffff;
	v56 =	vmul.f32 v58, v43;
	v35 =	vadd.f32 v52, v35  }
0x259: {  	v57 =	vld.idx.msk [tilespmem:v48+s5+$0x0], $0xffff;
	v58 =	vadd.s32 v10, v33  }
0x25a: {  	v59 =	vadd.s32 $0xA, v34;
	v39 =	vld.idx.msk [tilespmem:v62+s18+$0x0], $0xffff;
	v60 =	vmul.f32 v61, v45;
	v35 =	vadd.f32 v56, v35  }
0x25b: {  	v62 =	vadd.s32 v11, v33;
	v61 =	vld.idx.msk [tilespmem:v63+s5+$0x0], $0xffff  }
0x25c: {  	v41 =	vld.idx.msk [tilespmem:v54+s18+$0x0], $0xffff;
	v63 =	vadd.s32 $0xB, v34;
	v52 =	vmul.f32 v53, v42;
	v35 =	vadd.f32 v60, v35  }
0x25d: {  	v54 =	vadd.s32 v12, v33;
	v53 =	vld.idx.msk [tilespmem:v55+s5+$0x0], $0xffff  }
0x25e: {  	v43 =	vld.idx.msk [tilespmem:v58+s18+$0x0], $0xffff;
	v55 =	vadd.s32 $0xC, v34;
	v56 =	vmul.f32 v57, v44;
	v35 =	vadd.f32 v52, v35  }
0x25f: {  	v58 =	vadd.s32 v13, v33;
	v57 =	vld.idx.msk [tilespmem:v59+s5+$0x0], $0xffff  }
0x260: {  	v45 =	vld.idx.msk [tilespmem:v62+s18+$0x0], $0xffff;
	v59 =	vadd.s32 $0xD, v34;
	v60 =	vmul.f32 v61, v39;
	v35 =	vadd.f32 v56, v35  }
0x261: {  	v62 =	vadd.s32 v14, v33;
	v61 =	vld.idx.msk [tilespmem:v63+s5+$0x0], $0xffff  }
0x262: {  	v42 =	vld.idx.msk [tilespmem:v54+s18+$0x0], $0xffff;
	v63 =	vadd.s32 $0xE, v34;
	v52 =	vmul.f32 v53, v41;
	v35 =	vadd.f32 v60, v35  }
0x263: {  	v54 =	vadd.s32 v15, v33;
	v53 =	vld.idx.msk [tilespmem:v55+s5+$0x0], $0xffff  }
0x264: {  	v44 =	vld.idx.msk [tilespmem:v58+s18+$0x0], $0xffff;
	v55 =	vadd.s32 $0xF, v34;
	v56 =	vmul.f32 v57, v43;
	v35 =	vadd.f32 v52, v35  }
0x265: {  	v58 =	vadd.s32 v16, v33;
	v57 =	vld.idx.msk [tilespmem:v59+s5+$0x0], $0xffff  }
0x266: {  	v39 =	vld.idx.msk [tilespmem:v62+s18+$0x0], $0xffff;
	v59 =	vadd.s32 $0x10, v34;
	v60 =	vmul.f32 v61, v45;
	v35 =	vadd.f32 v56, v35  }
0x267: {  	v62 =	vadd.s32 v17, v33;
	v61 =	vld.idx.msk [tilespmem:v63+s5+$0x0], $0xffff  }
0x268: {  	v41 =	vld.idx.msk [tilespmem:v54+s18+$0x0], $0xffff;
	v63 =	vadd.s32 $0x11, v34;
	v52 =	vmul.f32 v53, v42;
	v35 =	vadd.f32 v60, v35  }
0x269: {  	v54 =	vadd.s32 v18, v33;
	v53 =	vld.idx.msk [tilespmem:v55+s5+$0x0], $0xffff  }
0x26a: {  	v43 =	vld.idx.msk [tilespmem:v58+s18+$0x0], $0xffff;
	v55 =	vadd.s32 $0x12, v34;
	v56 =	vmul.f32 v57, v44;
	v35 =	vadd.f32 v52, v35  }
0x26b: {  	v58 =	vadd.s32 v19, v33;
	v57 =	vld.idx.msk [tilespmem:v59+s5+$0x0], $0xffff  }
0x26c: {  	v45 =	vld.idx.msk [tilespmem:v62+s18+$0x0], $0xffff;
	v59 =	vadd.s32 $0x13, v34;
	v60 =	vmul.f32 v61, v39;
	v35 =	vadd.f32 v56, v35  }
0x26d: {  	v62 =	vadd.s32 v20, v33;
	v61 =	vld.idx.msk [tilespmem:v63+s5+$0x0], $0xffff  }
0x26e: {  	v42 =	vld.idx.msk [tilespmem:v54+s18+$0x0], $0xffff;
	v63 =	vadd.s32 $0x14, v34;
	v52 =	vmul.f32 v53, v41;
	v35 =	vadd.f32 v60, v35  }
0x26f: {  	v54 =	vadd.s32 v21, v33;
	v53 =	vld.idx.msk [tilespmem:v55+s5+$0x0], $0xffff  }
0x270: {  	v44 =	vld.idx.msk [tilespmem:v58+s18+$0x0], $0xffff;
	v55 =	vadd.s32 $0x15, v34;
	v56 =	vmul.f32 v57, v43;
	v35 =	vadd.f32 v52, v35  }
0x271: {  	v58 =	vadd.s32 v22, v33;
	v57 =	vld.idx.msk [tilespmem:v59+s5+$0x0], $0xffff  }
0x272: {  	v39 =	vld.idx.msk [tilespmem:v62+s18+$0x0], $0xffff;
	v59 =	vadd.s32 $0x16, v34;
	v60 =	vmul.f32 v61, v45;
	v35 =	vadd.f32 v56, v35  }
0x273: {  	v62 =	vadd.s32 v23, v33;
	v61 =	vld.idx.msk [tilespmem:v63+s5+$0x0], $0xffff  }
0x274: {  	v41 =	vld.idx.msk [tilespmem:v54+s18+$0x0], $0xffff;
	v63 =	vadd.s32 $0x17, v34;
	v52 =	vmul.f32 v53, v42;
	v35 =	vadd.f32 v60, v35  }
0x275: {  	v54 =	vadd.s32 v24, v33;
	v53 =	vld.idx.msk [tilespmem:v55+s5+$0x0], $0xffff  }
0x276: {  	v43 =	vld.idx.msk [tilespmem:v58+s18+$0x0], $0xffff;
	v55 =	vadd.s32 $0x18, v34;
	v56 =	vmul.f32 v57, v44;
	v35 =	vadd.f32 v52, v35  }
0x277: {  	v58 =	vadd.s32 v25, v33;
	v57 =	vld.idx.msk [tilespmem:v59+s5+$0x0], $0xffff  }
0x278: {  	v45 =	vld.idx.msk [tilespmem:v62+s18+$0x0], $0xffff;
	v59 =	vadd.s32 $0x19, v34;
	v60 =	vmul.f32 v61, v39;
	v35 =	vadd.f32 v56, v35  }
0x279: {  	v62 =	vadd.s32 v26, v33;
	v61 =	vld.idx.msk [tilespmem:v63+s5+$0x0], $0xffff  }
0x27a: {  	v42 =	vld.idx.msk [tilespmem:v54+s18+$0x0], $0xffff;
	v63 =	vadd.s32 $0x1A, v34;
	v52 =	vmul.f32 v53, v41;
	v35 =	vadd.f32 v60, v35  }
0x27b: {  	v54 =	vadd.s32 v27, v33;
	v53 =	vld.idx.msk [tilespmem:v55+s5+$0x0], $0xffff  }
0x27c: {  	v44 =	vld.idx.msk [tilespmem:v58+s18+$0x0], $0xffff;
	v55 =	vadd.s32 $0x1B, v34;
	v56 =	vmul.f32 v57, v43;
	v35 =	vadd.f32 v52, v35  }
0x27d: {  	v58 =	vadd.s32 v28, v33;
	v57 =	vld.idx.msk [tilespmem:v59+s5+$0x0], $0xffff  }
0x27e: {  	v39 =	vld.idx.msk [tilespmem:v62+s18+$0x0], $0xffff;
	v59 =	vadd.s32 $0x1C, v34;
	v60 =	vmul.f32 v61, v45;
	v35 =	vadd.f32 v56, v35  }
0x27f: {  	v62 =	vadd.s32 v29, v33;
	v61 =	vld.idx.msk [tilespmem:v63+s5+$0x0], $0xffff  }
0x280: {  	v41 =	vld.idx.msk [tilespmem:v54+s18+$0x0], $0xffff;
	v63 =	vadd.s32 $0x1D, v34;
	v49 =	vmul.f32 v53, v42;
	v35 =	vadd.f32 v60, v35  }
0x281: {  	v51 =	vadd.s32 v30, v33;
	v50 =	vld.idx.msk [tilespmem:v55+s5+$0x0], $0xffff  }
0x282: {  	v43 =	vld.idx.msk [tilespmem:v58+s18+$0x0], $0xffff;
	v52 =	vadd.s32 $0x1E, v34;
	v53 =	vmul.f32 v57, v44;
	v35 =	vadd.f32 v49, v35  }
0x283: {  	v33 =	vadd.s32 v31, v33;
	v54 =	vld.idx.msk [tilespmem:v59+s5+$0x0], $0xffff  }
0x284: {  	v55 =	vld.idx.msk [tilespmem:v62+s18+$0x0], $0xffff;
	v34 =	vadd.s32 $0x1F, v34;
	v56 =	vmul.f32 v61, v39;
	v35 =	vadd.f32 v53, v35  }
0x285: {  	v57 =	vld.idx.msk [tilespmem:v63+s5+$0x0], $0xffff  }
0x286: {  	v58 =	vld.idx.msk [tilespmem:v51+s18+$0x0], $0xffff;
	v59 =	vmul.f32 v50, v41;
	v35 =	vadd.f32 v56, v35  }
0x287: {  	v60 =	vld.idx.msk [tilespmem:v52+s5+$0x0], $0xffff  }
0x288: {  	v33 =	vld.idx.msk [tilespmem:v33+s18+$0x0], $0xffff;
	v61 =	vmul.f32 v54, v43;
	v35 =	vadd.f32 v59, v35  }
0x289: {  	v34 =	vld.idx.msk [tilespmem:v34+s5+$0x0], $0xffff  }
0x28a: {  	v62 =	vmul.f32 v57, v55;
	v35 =	vadd.f32 v61, v35;
	_ =	sdelay $0x1  }
0x28b: {  	v63 =	vmul.f32 v60, v58;
	v35 =	vadd.f32 v62, v35;
	_ =	sdelay $0x1  }
0x28c: {  	v33 =	vmul.f32 v34, v33;
	v35 =	vadd.f32 v63, v35;
	_ =	sdelay $0x1  }
0x28d: {  	v33 =	vadd.f32 v33, v35  }
0x28e: {  	s29 =	simm.s32 $0x1F0E0  }
0x28f: {  	s30 =	simm.s32 $0xA5B0;
	s0 =	simm.s32 $0x10;
	[tilespmem:s29+$0x0] =	vst v33  }
0x290: {  	s31 =	simm.s32 $0x20;
	v33 =	vmov s0;
	v34 =	vld [tilespmem:s30+$0x0]  }
.LBB2_10:
0x291: {  	p0 =	sne.s32 s31, $0x310;
	v33 =	vmul.u32 $0x28, v33;
	_ =	sdelay $0x1  }
0x292: {  	v33 =	vbroadcast v33, $0x0;
	_ =	sdelay $0x1  }
0x293: {  	v35 =	vadd.s32 v0, v33;
	v34 =	vmul.u32 $0x28, v34;
	_ =	sdelay $0x1  }
0x294: {  	v36 =	vadd.s32 v1, v33  }
0x295: {  	v37 =	vor.u32 $0x1, v34  }
0x296: {  	v38 =	vadd.s32 v2, v33  }
0x297: {  	v39 =	vor.u32 $0x2, v34;
	v35 =	vld.idx.msk [tilespmem:v35+s18+$0x0], $0xffff  }
0x298: {  	v41 =	vadd.s32 v3, v33;
	v40 =	vld.idx.msk [tilespmem:v34+s5+$0x0], $0xffff  }
0x299: {  	v42 =	vor.u32 $0x3, v34;
	v36 =	vld.idx.msk [tilespmem:v36+s18+$0x0], $0xffff  }
0x29a: {  	v43 =	vadd.s32 v4, v33;
	v37 =	vld.idx.msk [tilespmem:v37+s5+$0x0], $0xffff  }
0x29b: {  	v44 =	vor.u32 $0x4, v34;
	v38 =	vld.idx.msk [tilespmem:v38+s18+$0x0], $0xffff  }
0x29c: {  	v45 =	vadd.s32 v5, v33;
	v39 =	vld.idx.msk [tilespmem:v39+s5+$0x0], $0xffff  }
0x29d: {  	v46 =	vor.u32 $0x5, v34;
	v41 =	vld.idx.msk [tilespmem:v41+s18+$0x0], $0xffff  }
0x29e: {  	v35 =	vmul.f32 v40, v35;
	v40 =	vld.idx.msk [tilespmem:v42+s5+$0x0], $0xffff;
	v42 =	vadd.s32 v6, v33  }
0x29f: {  	v47 =	vor.u32 $0x6, v34;
	v43 =	vld.idx.msk [tilespmem:v43+s18+$0x0], $0xffff  }
0x2a0: {  	v35 =	vadd.f32 v35, v32;
	v36 =	vmul.f32 v37, v36;
	v37 =	vld.idx.msk [tilespmem:v44+s5+$0x0], $0xffff;
	v44 =	vadd.s32 v7, v33  }
0x2a1: {  	v48 =	vor.u32 $0x7, v34;
	v45 =	vld.idx.msk [tilespmem:v45+s18+$0x0], $0xffff  }
0x2a2: {  	v35 =	vadd.f32 v36, v35;
	v36 =	vmul.f32 v39, v38;
	v39 =	vadd.s32 v8, v33;
	v38 =	vld.idx.msk [tilespmem:v46+s5+$0x0], $0xffff  }
0x2a3: {  	v46 =	vadd.s32 $0x8, v34;
	v42 =	vld.idx.msk [tilespmem:v42+s18+$0x0], $0xffff  }
0x2a4: {  	v35 =	vadd.f32 v36, v35;
	v36 =	vmul.f32 v40, v41;
	v41 =	vadd.s32 v9, v33;
	v40 =	vld.idx.msk [tilespmem:v47+s5+$0x0], $0xffff  }
0x2a5: {  	v47 =	vadd.s32 $0x9, v34;
	v44 =	vld.idx.msk [tilespmem:v44+s18+$0x0], $0xffff  }
0x2a6: {  	v35 =	vadd.f32 v36, v35;
	v36 =	vmul.f32 v37, v43;
	v43 =	vadd.s32 v10, v33;
	v37 =	vld.idx.msk [tilespmem:v48+s5+$0x0], $0xffff  }
0x2a7: {  	v48 =	vadd.s32 $0xA, v34;
	v39 =	vld.idx.msk [tilespmem:v39+s18+$0x0], $0xffff  }
0x2a8: {  	v35 =	vadd.f32 v36, v35;
	v36 =	vmul.f32 v38, v45;
	v45 =	vadd.s32 v11, v33;
	v38 =	vld.idx.msk [tilespmem:v46+s5+$0x0], $0xffff  }
0x2a9: {  	v46 =	vadd.s32 $0xB, v34;
	v41 =	vld.idx.msk [tilespmem:v41+s18+$0x0], $0xffff  }
0x2aa: {  	v35 =	vadd.f32 v36, v35;
	v36 =	vmul.f32 v40, v42;
	v42 =	vadd.s32 v12, v33;
	v40 =	vld.idx.msk [tilespmem:v47+s5+$0x0], $0xffff  }
0x2ab: {  	v47 =	vadd.s32 $0xC, v34;
	v43 =	vld.idx.msk [tilespmem:v43+s18+$0x0], $0xffff  }
0x2ac: {  	v35 =	vadd.f32 v36, v35;
	v36 =	vmul.f32 v37, v44;
	v44 =	vadd.s32 v13, v33;
	v37 =	vld.idx.msk [tilespmem:v48+s5+$0x0], $0xffff  }
0x2ad: {  	v48 =	vadd.s32 $0xD, v34;
	v45 =	vld.idx.msk [tilespmem:v45+s18+$0x0], $0xffff  }
0x2ae: {  	v35 =	vadd.f32 v36, v35;
	v36 =	vmul.f32 v38, v39;
	v39 =	vadd.s32 v14, v33;
	v38 =	vld.idx.msk [tilespmem:v46+s5+$0x0], $0xffff  }
0x2af: {  	v46 =	vadd.s32 $0xE, v34;
	v42 =	vld.idx.msk [tilespmem:v42+s18+$0x0], $0xffff  }
0x2b0: {  	v35 =	vadd.f32 v36, v35;
	v36 =	vmul.f32 v40, v41;
	v41 =	vadd.s32 v15, v33;
	v40 =	vld.idx.msk [tilespmem:v47+s5+$0x0], $0xffff  }
0x2b1: {  	v47 =	vadd.s32 $0xF, v34;
	v44 =	vld.idx.msk [tilespmem:v44+s18+$0x0], $0xffff  }
0x2b2: {  	v35 =	vadd.f32 v36, v35;
	v36 =	vmul.f32 v37, v43;
	v43 =	vadd.s32 v16, v33;
	v37 =	vld.idx.msk [tilespmem:v48+s5+$0x0], $0xffff  }
0x2b3: {  	v48 =	vadd.s32 $0x10, v34;
	v39 =	vld.idx.msk [tilespmem:v39+s18+$0x0], $0xffff  }
0x2b4: {  	v35 =	vadd.f32 v36, v35;
	v36 =	vmul.f32 v38, v45;
	v45 =	vadd.s32 v17, v33;
	v38 =	vld.idx.msk [tilespmem:v46+s5+$0x0], $0xffff  }
0x2b5: {  	v46 =	vadd.s32 $0x11, v34;
	v41 =	vld.idx.msk [tilespmem:v41+s18+$0x0], $0xffff  }
0x2b6: {  	v35 =	vadd.f32 v36, v35;
	v36 =	vmul.f32 v40, v42;
	v42 =	vadd.s32 v18, v33;
	v40 =	vld.idx.msk [tilespmem:v47+s5+$0x0], $0xffff  }
0x2b7: {  	v47 =	vadd.s32 $0x12, v34;
	v43 =	vld.idx.msk [tilespmem:v43+s18+$0x0], $0xffff  }
0x2b8: {  	v35 =	vadd.f32 v36, v35;
	v36 =	vmul.f32 v37, v44;
	v44 =	vadd.s32 v19, v33;
	v37 =	vld.idx.msk [tilespmem:v48+s5+$0x0], $0xffff  }
0x2b9: {  	v48 =	vadd.s32 $0x13, v34;
	v45 =	vld.idx.msk [tilespmem:v45+s18+$0x0], $0xffff  }
0x2ba: {  	v35 =	vadd.f32 v36, v35;
	v36 =	vmul.f32 v38, v39;
	v39 =	vadd.s32 v20, v33;
	v38 =	vld.idx.msk [tilespmem:v46+s5+$0x0], $0xffff  }
0x2bb: {  	v46 =	vadd.s32 $0x14, v34;
	v42 =	vld.idx.msk [tilespmem:v42+s18+$0x0], $0xffff  }
0x2bc: {  	v35 =	vadd.f32 v36, v35;
	v36 =	vmul.f32 v40, v41;
	v41 =	vadd.s32 v21, v33;
	v40 =	vld.idx.msk [tilespmem:v47+s5+$0x0], $0xffff  }
0x2bd: {  	v47 =	vadd.s32 $0x15, v34;
	v44 =	vld.idx.msk [tilespmem:v44+s18+$0x0], $0xffff  }
0x2be: {  	v35 =	vadd.f32 v36, v35;
	v36 =	vmul.f32 v37, v43;
	v43 =	vadd.s32 v22, v33;
	v37 =	vld.idx.msk [tilespmem:v48+s5+$0x0], $0xffff  }
0x2bf: {  	v48 =	vadd.s32 $0x16, v34;
	v39 =	vld.idx.msk [tilespmem:v39+s18+$0x0], $0xffff  }
0x2c0: {  	v35 =	vadd.f32 v36, v35;
	v36 =	vmul.f32 v38, v45;
	v45 =	vadd.s32 v23, v33;
	v38 =	vld.idx.msk [tilespmem:v46+s5+$0x0], $0xffff  }
0x2c1: {  	v46 =	vadd.s32 $0x17, v34;
	v41 =	vld.idx.msk [tilespmem:v41+s18+$0x0], $0xffff  }
0x2c2: {  	v35 =	vadd.f32 v36, v35;
	v36 =	vmul.f32 v40, v42;
	v42 =	vadd.s32 v24, v33;
	v40 =	vld.idx.msk [tilespmem:v47+s5+$0x0], $0xffff  }
0x2c3: {  	v47 =	vadd.s32 $0x18, v34;
	v43 =	vld.idx.msk [tilespmem:v43+s18+$0x0], $0xffff  }
0x2c4: {  	v35 =	vadd.f32 v36, v35;
	v36 =	vmul.f32 v37, v44;
	v44 =	vadd.s32 v25, v33;
	v37 =	vld.idx.msk [tilespmem:v48+s5+$0x0], $0xffff  }
0x2c5: {  	v48 =	vadd.s32 $0x19, v34;
	v45 =	vld.idx.msk [tilespmem:v45+s18+$0x0], $0xffff  }
0x2c6: {  	v35 =	vadd.f32 v36, v35;
	v36 =	vmul.f32 v38, v39;
	v39 =	vadd.s32 v26, v33;
	v38 =	vld.idx.msk [tilespmem:v46+s5+$0x0], $0xffff  }
0x2c7: {  	v46 =	vadd.s32 $0x1A, v34;
	v42 =	vld.idx.msk [tilespmem:v42+s18+$0x0], $0xffff  }
0x2c8: {  	v35 =	vadd.f32 v36, v35;
	v36 =	vmul.f32 v40, v41;
	v41 =	vadd.s32 v27, v33;
	v40 =	vld.idx.msk [tilespmem:v47+s5+$0x0], $0xffff  }
0x2c9: {  	v47 =	vadd.s32 $0x1B, v34;
	v44 =	vld.idx.msk [tilespmem:v44+s18+$0x0], $0xffff  }
0x2ca: {  	v35 =	vadd.f32 v36, v35;
	v36 =	vmul.f32 v37, v43;
	v43 =	vadd.s32 v28, v33;
	v37 =	vld.idx.msk [tilespmem:v48+s5+$0x0], $0xffff  }
0x2cb: {  	v48 =	vadd.s32 $0x1C, v34;
	v39 =	vld.idx.msk [tilespmem:v39+s18+$0x0], $0xffff  }
0x2cc: {  	v35 =	vadd.f32 v36, v35;
	v36 =	vmul.f32 v38, v45;
	v45 =	vadd.s32 v29, v33;
	v38 =	vld.idx.msk [tilespmem:v46+s5+$0x0], $0xffff  }
0x2cd: {  	v46 =	vadd.s32 $0x1D, v34;
	v41 =	vld.idx.msk [tilespmem:v41+s18+$0x0], $0xffff  }
0x2ce: {  	v35 =	vadd.f32 v36, v35;
	v36 =	vmul.f32 v40, v42;
	v42 =	vadd.s32 v30, v33;
	v40 =	vld.idx.msk [tilespmem:v47+s5+$0x0], $0xffff  }
0x2cf: {  	v47 =	vadd.s32 $0x1E, v34;
	v43 =	vld.idx.msk [tilespmem:v43+s18+$0x0], $0xffff  }
0x2d0: {  	v33 =	vadd.s32 v31, v33;
	v35 =	vadd.f32 v36, v35;
	v36 =	vmul.f32 v37, v44;
	v37 =	vld.idx.msk [tilespmem:v48+s5+$0x0], $0xffff  }
0x2d1: {  	v34 =	vadd.s32 $0x1F, v34;
	v44 =	vld.idx.msk [tilespmem:v45+s18+$0x0], $0xffff  }
0x2d2: {  	v35 =	vadd.f32 v36, v35;
	v36 =	vmul.f32 v38, v39;
	v38 =	vld.idx.msk [tilespmem:v46+s5+$0x0], $0xffff  }
0x2d3: {  	v39 =	vld.idx.msk [tilespmem:v42+s18+$0x0], $0xffff  }
0x2d4: {  	v35 =	vadd.f32 v36, v35;
	v36 =	vmul.f32 v40, v41;
	v40 =	vld.idx.msk [tilespmem:v47+s5+$0x0], $0xffff  }
0x2d5: {  	v33 =	vld.idx.msk [tilespmem:v33+s18+$0x0], $0xffff  }
0x2d6: {  	v35 =	vadd.f32 v36, v35;
	v36 =	vmul.f32 v37, v43;
	v34 =	vld.idx.msk [tilespmem:v34+s5+$0x0], $0xffff;
	_ =	sdelay $0x1  }
0x2d7: {  	v35 =	vadd.f32 v36, v35;
	v36 =	vmul.f32 v38, v44;
	_ =	sdelay $0x1  }
0x2d8: {  	v35 =	vadd.f32 v36, v35;
	v36 =	vmul.f32 v40, v39;
	_ =	sdelay $0x1  }
0x2d9: {  	v35 =	vadd.f32 v36, v35;
	v33 =	vmul.f32 v34, v33  }
.Ltmp8:
0x2da: {  	(pc) =	sbr.rel @p0 .LBB2_10-.Ltmp8, $4  }
0x2db: {  	v33 =	vadd.f32 v33, v35  }
0x2dc: {  	s29 =	sadd.s32 $0x10, s29  }
0x2dd: {  	s30 =	sadd.s32 $0x10, s30;
	[tilespmem:s29+$0x0] =	vst v33  }
0x2de: {  	v33 =	vmov s31;
	s31 =	sadd.s32 $0x10, s31;
	v34 =	vld [tilespmem:s30+$0x0]  }
0x2df: {  	v33 =	vmul.u32 $0x28, v33;
	_ =	sdelay $0x1  }
0x2e0: {  	v33 =	vbroadcast v33, $0x0;
	_ =	sdelay $0x1  }
0x2e1: {  	v35 =	vadd.s32 v0, v33;
	v34 =	vmul.u32 $0x28, v34;
	_ =	sdelay $0x1  }
0x2e2: {  	v36 =	vadd.s32 v1, v33  }
0x2e3: {  	v37 =	vor.u32 $0x1, v34  }
0x2e4: {  	v38 =	vadd.s32 v2, v33  }
0x2e5: {  	v39 =	vor.u32 $0x2, v34;
	v35 =	vld.idx.msk [tilespmem:v35+s18+$0x0], $0xffff  }
0x2e6: {  	v41 =	vadd.s32 v3, v33;
	v40 =	vld.idx.msk [tilespmem:v34+s5+$0x0], $0xffff  }
0x2e7: {  	v42 =	vor.u32 $0x3, v34;
	v36 =	vld.idx.msk [tilespmem:v36+s18+$0x0], $0xffff  }
0x2e8: {  	v43 =	vadd.s32 v4, v33;
	v37 =	vld.idx.msk [tilespmem:v37+s5+$0x0], $0xffff  }
0x2e9: {  	v44 =	vor.u32 $0x4, v34;
	v38 =	vld.idx.msk [tilespmem:v38+s18+$0x0], $0xffff  }
0x2ea: {  	v45 =	vadd.s32 v5, v33;
	v39 =	vld.idx.msk [tilespmem:v39+s5+$0x0], $0xffff  }
0x2eb: {  	v46 =	vor.u32 $0x5, v34;
	v41 =	vld.idx.msk [tilespmem:v41+s18+$0x0], $0xffff;
	v35 =	vmul.f32 v40, v35  }
0x2ec: {  	v57 =	vadd.s32 v6, v33;
	v56 =	vld.idx.msk [tilespmem:v42+s5+$0x0], $0xffff  }
0x2ed: {  	v47 =	vor.u32 $0x6, v34;
	v43 =	vld.idx.msk [tilespmem:v43+s18+$0x0], $0xffff;
	v36 =	vmul.f32 v37, v36;
	v35 =	vadd.f32 v35, v32  }
0x2ee: {  	v59 =	vadd.s32 v7, v33;
	v58 =	vld.idx.msk [tilespmem:v44+s5+$0x0], $0xffff  }
0x2ef: {  	v48 =	vor.u32 $0x7, v34;
	v45 =	vld.idx.msk [tilespmem:v45+s18+$0x0], $0xffff;
	v60 =	vmul.f32 v39, v38;
	v35 =	vadd.f32 v36, v35  }
0x2f0: {  	v62 =	vadd.s32 v8, v33;
	v61 =	vld.idx.msk [tilespmem:v46+s5+$0x0], $0xffff  }
0x2f1: {  	v63 =	vadd.s32 $0x8, v34;
	v42 =	vld.idx.msk [tilespmem:v57+s18+$0x0], $0xffff;
	v52 =	vmul.f32 v56, v41;
	v35 =	vadd.f32 v60, v35  }
0x2f2: {  	v54 =	vadd.s32 v9, v33;
	v53 =	vld.idx.msk [tilespmem:v47+s5+$0x0], $0xffff  }
0x2f3: {  	v55 =	vadd.s32 $0x9, v34;
	v44 =	vld.idx.msk [tilespmem:v59+s18+$0x0], $0xffff;
	v56 =	vmul.f32 v58, v43;
	v35 =	vadd.f32 v52, v35  }
0x2f4: {  	v57 =	vld.idx.msk [tilespmem:v48+s5+$0x0], $0xffff;
	v58 =	vadd.s32 v10, v33  }
0x2f5: {  	v59 =	vadd.s32 $0xA, v34;
	v39 =	vld.idx.msk [tilespmem:v62+s18+$0x0], $0xffff;
	v60 =	vmul.f32 v61, v45;
	v35 =	vadd.f32 v56, v35  }
0x2f6: {  	v62 =	vadd.s32 v11, v33;
	v61 =	vld.idx.msk [tilespmem:v63+s5+$0x0], $0xffff  }
0x2f7: {  	v41 =	vld.idx.msk [tilespmem:v54+s18+$0x0], $0xffff;
	v63 =	vadd.s32 $0xB, v34;
	v52 =	vmul.f32 v53, v42;
	v35 =	vadd.f32 v60, v35  }
0x2f8: {  	v54 =	vadd.s32 v12, v33;
	v53 =	vld.idx.msk [tilespmem:v55+s5+$0x0], $0xffff  }
0x2f9: {  	v43 =	vld.idx.msk [tilespmem:v58+s18+$0x0], $0xffff;
	v55 =	vadd.s32 $0xC, v34;
	v56 =	vmul.f32 v57, v44;
	v35 =	vadd.f32 v52, v35  }
0x2fa: {  	v58 =	vadd.s32 v13, v33;
	v57 =	vld.idx.msk [tilespmem:v59+s5+$0x0], $0xffff  }
0x2fb: {  	v45 =	vld.idx.msk [tilespmem:v62+s18+$0x0], $0xffff;
	v59 =	vadd.s32 $0xD, v34;
	v60 =	vmul.f32 v61, v39;
	v35 =	vadd.f32 v56, v35  }
0x2fc: {  	v62 =	vadd.s32 v14, v33;
	v61 =	vld.idx.msk [tilespmem:v63+s5+$0x0], $0xffff  }
0x2fd: {  	v42 =	vld.idx.msk [tilespmem:v54+s18+$0x0], $0xffff;
	v63 =	vadd.s32 $0xE, v34;
	v52 =	vmul.f32 v53, v41;
	v35 =	vadd.f32 v60, v35  }
0x2fe: {  	v54 =	vadd.s32 v15, v33;
	v53 =	vld.idx.msk [tilespmem:v55+s5+$0x0], $0xffff  }
0x2ff: {  	v44 =	vld.idx.msk [tilespmem:v58+s18+$0x0], $0xffff;
	v55 =	vadd.s32 $0xF, v34;
	v56 =	vmul.f32 v57, v43;
	v35 =	vadd.f32 v52, v35  }
0x300: {  	v58 =	vadd.s32 v16, v33;
	v57 =	vld.idx.msk [tilespmem:v59+s5+$0x0], $0xffff  }
0x301: {  	v39 =	vld.idx.msk [tilespmem:v62+s18+$0x0], $0xffff;
	v59 =	vadd.s32 $0x10, v34;
	v60 =	vmul.f32 v61, v45;
	v35 =	vadd.f32 v56, v35  }
0x302: {  	v62 =	vadd.s32 v17, v33;
	v61 =	vld.idx.msk [tilespmem:v63+s5+$0x0], $0xffff  }
0x303: {  	v41 =	vld.idx.msk [tilespmem:v54+s18+$0x0], $0xffff;
	v63 =	vadd.s32 $0x11, v34;
	v52 =	vmul.f32 v53, v42;
	v35 =	vadd.f32 v60, v35  }
0x304: {  	v54 =	vadd.s32 v18, v33;
	v53 =	vld.idx.msk [tilespmem:v55+s5+$0x0], $0xffff  }
0x305: {  	v43 =	vld.idx.msk [tilespmem:v58+s18+$0x0], $0xffff;
	v55 =	vadd.s32 $0x12, v34;
	v56 =	vmul.f32 v57, v44;
	v35 =	vadd.f32 v52, v35  }
0x306: {  	v58 =	vadd.s32 v19, v33;
	v57 =	vld.idx.msk [tilespmem:v59+s5+$0x0], $0xffff  }
0x307: {  	v45 =	vld.idx.msk [tilespmem:v62+s18+$0x0], $0xffff;
	v59 =	vadd.s32 $0x13, v34;
	v60 =	vmul.f32 v61, v39;
	v35 =	vadd.f32 v56, v35  }
0x308: {  	v62 =	vadd.s32 v20, v33;
	v61 =	vld.idx.msk [tilespmem:v63+s5+$0x0], $0xffff  }
0x309: {  	v42 =	vld.idx.msk [tilespmem:v54+s18+$0x0], $0xffff;
	v63 =	vadd.s32 $0x14, v34;
	v52 =	vmul.f32 v53, v41;
	v35 =	vadd.f32 v60, v35  }
0x30a: {  	v54 =	vadd.s32 v21, v33;
	v53 =	vld.idx.msk [tilespmem:v55+s5+$0x0], $0xffff  }
0x30b: {  	v44 =	vld.idx.msk [tilespmem:v58+s18+$0x0], $0xffff;
	v55 =	vadd.s32 $0x15, v34;
	v56 =	vmul.f32 v57, v43;
	v35 =	vadd.f32 v52, v35  }
0x30c: {  	v58 =	vadd.s32 v22, v33;
	v57 =	vld.idx.msk [tilespmem:v59+s5+$0x0], $0xffff  }
0x30d: {  	v39 =	vld.idx.msk [tilespmem:v62+s18+$0x0], $0xffff;
	v59 =	vadd.s32 $0x16, v34;
	v60 =	vmul.f32 v61, v45;
	v35 =	vadd.f32 v56, v35  }
0x30e: {  	v62 =	vadd.s32 v23, v33;
	v61 =	vld.idx.msk [tilespmem:v63+s5+$0x0], $0xffff  }
0x30f: {  	v41 =	vld.idx.msk [tilespmem:v54+s18+$0x0], $0xffff;
	v63 =	vadd.s32 $0x17, v34;
	v52 =	vmul.f32 v53, v42;
	v35 =	vadd.f32 v60, v35  }
0x310: {  	v54 =	vadd.s32 v24, v33;
	v53 =	vld.idx.msk [tilespmem:v55+s5+$0x0], $0xffff  }
0x311: {  	v43 =	vld.idx.msk [tilespmem:v58+s18+$0x0], $0xffff;
	v55 =	vadd.s32 $0x18, v34;
	v56 =	vmul.f32 v57, v44;
	v35 =	vadd.f32 v52, v35  }
0x312: {  	v58 =	vadd.s32 v25, v33;
	v57 =	vld.idx.msk [tilespmem:v59+s5+$0x0], $0xffff  }
0x313: {  	v45 =	vld.idx.msk [tilespmem:v62+s18+$0x0], $0xffff;
	v59 =	vadd.s32 $0x19, v34;
	v60 =	vmul.f32 v61, v39;
	v35 =	vadd.f32 v56, v35  }
0x314: {  	v62 =	vadd.s32 v26, v33;
	v61 =	vld.idx.msk [tilespmem:v63+s5+$0x0], $0xffff  }
0x315: {  	v42 =	vld.idx.msk [tilespmem:v54+s18+$0x0], $0xffff;
	v63 =	vadd.s32 $0x1A, v34;
	v52 =	vmul.f32 v53, v41;
	v35 =	vadd.f32 v60, v35  }
0x316: {  	v54 =	vadd.s32 v27, v33;
	v53 =	vld.idx.msk [tilespmem:v55+s5+$0x0], $0xffff  }
0x317: {  	v44 =	vld.idx.msk [tilespmem:v58+s18+$0x0], $0xffff;
	v55 =	vadd.s32 $0x1B, v34;
	v56 =	vmul.f32 v57, v43;
	v35 =	vadd.f32 v52, v35  }
0x318: {  	v58 =	vadd.s32 v28, v33;
	v57 =	vld.idx.msk [tilespmem:v59+s5+$0x0], $0xffff  }
0x319: {  	v39 =	vld.idx.msk [tilespmem:v62+s18+$0x0], $0xffff;
	v59 =	vadd.s32 $0x1C, v34;
	v60 =	vmul.f32 v61, v45;
	v35 =	vadd.f32 v56, v35  }
0x31a: {  	v62 =	vadd.s32 v29, v33;
	v61 =	vld.idx.msk [tilespmem:v63+s5+$0x0], $0xffff  }
0x31b: {  	v41 =	vld.idx.msk [tilespmem:v54+s18+$0x0], $0xffff;
	v63 =	vadd.s32 $0x1D, v34;
	v49 =	vmul.f32 v53, v42;
	v35 =	vadd.f32 v60, v35  }
0x31c: {  	v51 =	vadd.s32 v30, v33;
	v50 =	vld.idx.msk [tilespmem:v55+s5+$0x0], $0xffff  }
0x31d: {  	v43 =	vld.idx.msk [tilespmem:v58+s18+$0x0], $0xffff;
	v52 =	vadd.s32 $0x1E, v34;
	v53 =	vmul.f32 v57, v44;
	v35 =	vadd.f32 v49, v35  }
0x31e: {  	v33 =	vadd.s32 v31, v33;
	v54 =	vld.idx.msk [tilespmem:v59+s5+$0x0], $0xffff  }
0x31f: {  	v55 =	vld.idx.msk [tilespmem:v62+s18+$0x0], $0xffff;
	v34 =	vadd.s32 $0x1F, v34;
	v56 =	vmul.f32 v61, v39;
	v35 =	vadd.f32 v53, v35  }
0x320: {  	v57 =	vld.idx.msk [tilespmem:v63+s5+$0x0], $0xffff  }
0x321: {  	v58 =	vld.idx.msk [tilespmem:v51+s18+$0x0], $0xffff;
	v59 =	vmul.f32 v50, v41;
	v35 =	vadd.f32 v56, v35  }
0x322: {  	v60 =	vld.idx.msk [tilespmem:v52+s5+$0x0], $0xffff  }
0x323: {  	v33 =	vld.idx.msk [tilespmem:v33+s18+$0x0], $0xffff;
	v61 =	vmul.f32 v54, v43;
	v35 =	vadd.f32 v59, v35  }
0x324: {  	v34 =	vld.idx.msk [tilespmem:v34+s5+$0x0], $0xffff  }
0x325: {  	v62 =	vmul.f32 v57, v55;
	v35 =	vadd.f32 v61, v35;
	_ =	sdelay $0x1  }
0x326: {  	v63 =	vmul.f32 v60, v58;
	v35 =	vadd.f32 v62, v35  }
0x327: {  	p0 =	sgt.u32 s28, $0x230  }
0x328: {  	s0 =	smul.u32 @!p0 $0x320, s28;
	v33 =	vmul.f32 v34, v33;
	v35 =	vadd.f32 v63, v35;
	_ =	sdelay $0x1  }
0x329: {  	s0 =	sshrl.u32 @!p0 s0, $0x3;
	v33 =	vadd.f32 v33, v35  }
0x32a: {  	s29 =	sadd.s32 $0x10, s29;
	s0 =	sadd.s32 @!p0 $0x1900, s0  }
0x32b: {  	s30 =	simm.s32 @!p0 $0x0;
	s31 =	simm.s32 @!p0 $0x9F60;
	[tilespmem:s29+$0x0] =	vst v33;
	s29 =	sadd.s32 @!p0 s1, s0  }
0x32c: {  	[tilespmem:s31], [sflag:$0x4] =	stream.linear.gather @!p0 [hbm4b:s29+s30], $0x320, $0x38;
	[tilespmem:$0x1F410] =	vst v63  }
.Ltmp9:
0x32d: {  	_ = 	snop;
	(pc) =	sbr.rel .LBB2_12-.Ltmp9, $4  }
0x32e: {  	s0 =	sadd.s32 @!p0 s3, s0;
	s29 =	simm.s32 @!p0 $0xA5A0;
	s31 =	smul.u32 $0x64, s28  }
0x32f: {  	[tilespmem:s29], [sflag:$0x4] =	stream.linear.gather @!p0 [hbm4b:s0+s30], $0x320, $0x38;
	[tilespmem:$0x1F410] =	vst v63  }
0x330: {  	s31 =	sadd.s32 s4, s31  }
0x331: {  	[hbm4b:s31+s5] =	stream.linear.scatter [tilespmem:s24], [sflag:$0x6], $0x320, $0x38;
	[tilespmem:$0x1F410] =	vst v63  }
.LBB2_14:
0x332: {  	_ =	sfence.sel $0x180000  }
0x333: {  	[bflag:$0x0] =	sbarrier.arrive $0xFFFF  }
0x334: {  	_ =	strace $0x90000047  }
0x335: {  	s0 =	stileid.u32;
	[bflag:$0x2] =	sbarrier.arrive $0xFFFF  }
0x336: {  	p0 =	sne.s32 s0, $0x0;
	s0 =	rddreg [dreg:$0x4]  }
0x337: {  	s0 =	sadd.s32 @!p0 $0x100000, s0  }
0x338: {  	[sflag:s0] =	ssyncadd.tile.s32 @!p0 $0x1;
	_ =	shalt  }
.Lfunc_end2:
_tile_overlayer_lowered:
.L_overlay_start_2:
0x339: {  	(tag) =	ssettag $0x2  }
0x33a: {  	s0 =	rddreg [dreg:$0x0];
	s2 =	stileid.u32  }
0x33b: {  	s1 =	rddreg [dreg:$0x1];
	p0 =	sne.s32 s2, $0x0  }
0x33c: {  	s3 =	rddreg [dreg:$0x2];
	[bflag:$0x3] =	sbarrier.arrive $0xFFFF;
	s2 =	simm.s32 @!p0 $0x1C07  }
0x33d: {  	[timem:s3], [sflag:s2] =	dma.local @!p0 [hbm:s0], s1  }
0x33e: {  	s0 =	simm.s32 @!p0 $0x7  }
0x33f: {  	_ =	swait.ge @!p0 [sflag:s0], s1  }
0x340: {  	s1 =	ssub.s32 @!p0 $0x0, s1;
	[sflag:s0] =	ssyncset.done @!p0 $0x0  }
0x341: {  	[sflag:s0] =	ssyncadd.s32 @!p0 s1  }
0x342: {  	[bflag:$0x3] =	sbarrier.arrive $0xFFFF  }
0x343: {  	_ =	shalt  }

</sc_bundles>
